<compile_context>
chip_gen: v7x
topology: tpu7x:2x2x1
jax: 0.10.2.dev20260603
libtpu: 0.0.44.dev20260713+nightly
codegen_flags: <defaults>
</compile_context>

<pallas_src>
import functools

import numpy as np
import jax
import jax.numpy as jnp
from jax import lax
from jax.experimental import pallas as pl
from jax.experimental.pallas import tpu as pltpu
from jax.experimental.pallas import tpu_sc as plsc

_N = 10000
_E = 320000
_D_IN = 128
_HID = 16
_OUT = 8
_HEADS = 8

_NC = 2
_NS = 16
_NW = _NC * _NS
_CH = 128
_NCHUNKS = _E // _CH
_RPT = 632
_NP = _NS * _RPT

_F1 = _D_IN + 16
_F2 = _HEADS * _OUT + 16


def _make_edge_kernel(F, c_per_head):
    G = F // 16
    mesh = plsc.VectorSubcoreMesh(core_axis_name="c", subcore_axis_name="s")

    @functools.partial(
        pl.kernel,
        mesh=mesh,
        compiler_params=pltpu.CompilerParams(use_tc_tiling_on_sc=False),
        out_type=jax.ShapeDtypeStruct((_NC, _NP, F), jnp.float32),
        scratch_types=[
            pltpu.VMEM((_CH,), jnp.int32),
            pltpu.VMEM((_CH,), jnp.int32),
            pltpu.VMEM((_CH, F), jnp.float32),
            pltpu.VMEM((_CH, 16), jnp.float32),
            pltpu.VMEM_SHARED((_NP, F), jnp.float32),
            pltpu.SemaphoreType.DMA,
            pltpu.SemaphoreType.DMA,
        ],
    )
    def edge_kernel(hext, adt, edges, zrows, out,
                    sidx, didx, hbuf, adbuf, acc, sem1, sem2):
        c = lax.axis_index("c")
        s = lax.axis_index("s")
        wid = c * _NS + s
        pltpu.sync_copy(zrows, acc.at[pl.ds(s * _RPT, _RPT)])
        plsc.subcore_barrier()

        nk = (_NCHUNKS + _NW - 1 - wid) // _NW

        def chunk_body(k, carry):
            base = (k * _NW + wid) * _CH
            pltpu.sync_copy(edges.at[0, pl.ds(base, _CH)], sidx)
            pltpu.sync_copy(edges.at[1, pl.ds(base, _CH)], didx)
            cp1 = pltpu.async_copy(hext.at[sidx], hbuf, sem1)
            cp2 = pltpu.async_copy(adt.at[didx], adbuf, sem2)
            cp1.wait()
            cp2.wait()

            def edge_body(i, carry2):
                e = hbuf[i, pl.ds(F - 16, 16)] + adbuf[i, :]
                e = jnp.where(e > 0.0, e, 0.2 * e)
                ee = jnp.exp(e)
                hbuf[i, pl.ds(F - 16, 16)] = ee
                for g in range(G - 1):
                    hbuf[i, pl.ds(g * 16, 16)] = hbuf[i, pl.ds(g * 16, 16)] * ee
                return carry2

            lax.fori_loop(0, _CH, edge_body, 0, unroll=4)
            pltpu.sync_copy(hbuf, acc.at[didx], add=True)
            return carry

        lax.fori_loop(0, nk, chunk_body, 0)
        plsc.subcore_barrier()
        pltpu.sync_copy(acc.at[pl.ds(s * _RPT, _RPT)],
                        out.at[c, pl.ds(s * _RPT, _RPT)])

    return edge_kernel


_edge_kernel_l1 = _make_edge_kernel(_F1, _HID)
_edge_kernel_l2 = _make_edge_kernel(_F2, _OUT)



def _tc1_body(x_ref, wext_ref, wd_ref, hext_ref, adt_ref):
    x = x_ref[...]
    hext_ref[...] = jnp.dot(x, wext_ref[...], preferred_element_type=jnp.float32)
    adt_ref[...] = jnp.dot(x, wd_ref[...], preferred_element_type=jnp.float32)


def _tc2_body(acc_ref, p1_ref, b1_ref, wext_ref, wd_ref, hext_ref, adt_ref):
    a = acc_ref[0] + acc_ref[1]
    num = a[:, :_D_IN]
    den = a[:, _D_IN:_D_IN + _HEADS]
    denr = jnp.dot(den, p1_ref[...], preferred_element_type=jnp.float32)
    x2 = jnp.maximum(num / (denr + 1e-16) + b1_ref[...], 0.0)
    hext_ref[...] = jnp.dot(x2, wext_ref[...], preferred_element_type=jnp.float32)
    adt_ref[...] = jnp.dot(x2, wd_ref[...], preferred_element_type=jnp.float32)


def _tc3_body(acc_ref, p2_ref, pm_ref, b2_ref, h_ref, lsm_ref):
    a = acc_ref[0] + acc_ref[1]
    fo = _HEADS * _OUT
    num = a[:, :fo]
    den = a[:, fo:fo + _HEADS]
    denr = jnp.dot(den, p2_ref[...], preferred_element_type=jnp.float32)
    h = jnp.dot(num / (denr + 1e-16), pm_ref[...],
                preferred_element_type=jnp.float32) + b2_ref[...]
    m = jnp.max(h, axis=1, keepdims=True)
    lse = jnp.log(jnp.sum(jnp.exp(h - m), axis=1, keepdims=True)) + m
    h_ref[...] = h
    lsm_ref[...] = h - lse


_R = 400


def _tc1(point, wext, wd):
    return pl.pallas_call(
        _tc1_body,
        grid=(_N // _R,),
        in_specs=[pl.BlockSpec((_R, _D_IN), lambda i: (i, 0)),
                  pl.BlockSpec((_D_IN, _F1), lambda i: (0, 0)),
                  pl.BlockSpec((_D_IN, 16), lambda i: (0, 0))],
        out_specs=[pl.BlockSpec((_R, _F1), lambda i: (i, 0)),
                   pl.BlockSpec((_R, 16), lambda i: (i, 0))],
        out_shape=[jax.ShapeDtypeStruct((_N, _F1), jnp.float32),
                   jax.ShapeDtypeStruct((_N, 16), jnp.float32)],
    )(point, wext, wd)


def _tc2(acc, p1, b1, wext2, wd2):
    return pl.pallas_call(
        _tc2_body,
        grid=(_N // _R,),
        in_specs=[pl.BlockSpec((_NC, _R, _F1), lambda i: (0, i, 0)),
                  pl.BlockSpec((_HEADS, _D_IN), lambda i: (0, 0)),
                  pl.BlockSpec((1, _D_IN), lambda i: (0, 0)),
                  pl.BlockSpec((_D_IN, _F2), lambda i: (0, 0)),
                  pl.BlockSpec((_D_IN, 16), lambda i: (0, 0))],
        out_specs=[pl.BlockSpec((_R, _F2), lambda i: (i, 0)),
                   pl.BlockSpec((_R, 16), lambda i: (i, 0))],
        out_shape=[jax.ShapeDtypeStruct((_N, _F2), jnp.float32),
                   jax.ShapeDtypeStruct((_N, 16), jnp.float32)],
    )(acc, p1, b1, wext2, wd2)


def _tc3(acc, p2, pm, b2):
    fo = _HEADS * _OUT
    return pl.pallas_call(
        _tc3_body,
        grid=(_N // _R,),
        in_specs=[pl.BlockSpec((_NC, _R, _F2), lambda i: (0, i, 0)),
                  pl.BlockSpec((_HEADS, fo), lambda i: (0, 0)),
                  pl.BlockSpec((fo, fo), lambda i: (0, 0)),
                  pl.BlockSpec((1, fo), lambda i: (0, 0))],
        out_specs=[pl.BlockSpec((_R, fo), lambda i: (i, 0)),
                   pl.BlockSpec((_R, fo), lambda i: (i, 0))],
        out_shape=[jax.ShapeDtypeStruct((_N, fo), jnp.float32),
                   jax.ShapeDtypeStruct((_N, fo), jnp.float32)],
    )(acc, p2, pm, b2)


_OH1 = np.repeat(np.eye(_HEADS, dtype=np.float32), _HID, axis=0)
_OH2 = np.repeat(np.eye(_HEADS, dtype=np.float32), _OUT, axis=0)
_IDX1 = np.array([(p % _HEADS) * _HID + p // _HEADS for p in range(_D_IN)])
_IDX2 = np.array([(p % _HEADS) * _OUT + p // _HEADS
                  for p in range(_HEADS * _OUT)])
_P1 = np.tile(np.eye(_HEADS, dtype=np.float32), (1, _HID))
_P2 = np.tile(np.eye(_HEADS, dtype=np.float32), (1, _OUT))
_PM = np.zeros((_HEADS * _OUT, _HEADS * _OUT), np.float32)
for _p in range(_HEADS * _OUT):
    _PM[_p, (_p % _HEADS) * _OUT + _p // _HEADS] = 1.0


def kernel(point, edge_info, W1, a_src1, a_dst1, b1, W2, a_src2, a_dst2, b2):
    as1 = W1 @ (_OH1 * a_src1.reshape(-1, 1))
    ad1 = W1 @ (_OH1 * a_dst1.reshape(-1, 1))
    wext1 = jnp.concatenate([W1[:, _IDX1], as1, as1], axis=1)
    wd1 = jnp.concatenate([ad1, ad1], axis=1)
    W2p = W2[_IDX1, :]
    as2 = W2p @ (_OH2 * a_src2.reshape(-1, 1))
    ad2 = W2p @ (_OH2 * a_dst2.reshape(-1, 1))
    wext2 = jnp.concatenate([W2p[:, _IDX2], as2, as2], axis=1)
    wd2 = jnp.concatenate([ad2, ad2], axis=1)

    z1 = jnp.zeros((_RPT, _F1), jnp.float32)
    z2 = jnp.zeros((_RPT, _F2), jnp.float32)

    hext1, adt1 = _tc1(point, wext1, wd1)
    acc1 = _edge_kernel_l1(hext1, adt1, edge_info, z1)
    hext2, adt2 = _tc2(acc1, _P1, b1[_IDX1].reshape(1, -1), wext2, wd2)
    acc2 = _edge_kernel_l2(hext2, adt2, edge_info, z2)
    h, lsm = _tc3(acc2, _P2, _PM, b2.reshape(1, -1))
    return (h, lsm)

# --- scband reference (transcript-rebuilt; emitter-appended) ---
"""Pipeline reference for scband-graph-attention-net-64458869178657 (READ-ONLY COPY).

The authoritative reference and input builder live on the scoring server;
editing this copy changes nothing except your own understanding.
"""

import jax, jax.numpy as jnp
import numpy as np

N = 10000
E = 320000
D_IN = 128
HID = 16
OUT = 8
HEADS = 8


def setup_inputs(seed: int = 0) -> dict:
    key = jax.random.key(seed)
    ks = jax.random.split(key, 12)
    point = jax.random.normal(ks[0], (N, D_IN), dtype=jnp.float32)
    edge_info = jax.random.randint(ks[1], (2, E), 0, N, dtype=jnp.int32)
    W1 = 0.1 * jax.random.normal(ks[2], (D_IN, HEADS * HID), dtype=jnp.float32)
    a_src1 = 0.1 * jax.random.normal(ks[3], (HEADS, HID), dtype=jnp.float32)
    a_dst1 = 0.1 * jax.random.normal(ks[4], (HEADS, HID), dtype=jnp.float32)
    b1 = jnp.zeros((HEADS * HID,), dtype=jnp.float32)
    W2 = 0.1 * jax.random.normal(ks[5], (HEADS * HID, HEADS * OUT), dtype=jnp.float32)
    a_src2 = 0.1 * jax.random.normal(ks[6], (HEADS, OUT), dtype=jnp.float32)
    a_dst2 = 0.1 * jax.random.normal(ks[7], (HEADS, OUT), dtype=jnp.float32)
    b2 = jnp.zeros((HEADS * OUT,), dtype=jnp.float32)
    return {"point": point, "edge_info": edge_info,
            "W1": W1, "a_src1": a_src1, "a_dst1": a_dst1, "b1": b1,
            "W2": W2, "a_src2": a_src2, "a_dst2": a_dst2, "b2": b2}


def gat_conv(x, edge_index, W, a_src, a_dst, bias, heads, out_ch):
    n = x.shape[0]
    src = edge_index[0]
    dst = edge_index[1]
    h = (x @ W).reshape(n, heads, out_ch)
    alpha_s = jnp.sum(h * a_src[None, :, :], axis=-1)  # [N, H]
    alpha_d = jnp.sum(h * a_dst[None, :, :], axis=-1)  # [N, H]
    e = alpha_s[src] + alpha_d[dst]                    # [E, H]
    e = jax.nn.leaky_relu(e, negative_slope=0.2)
    # softmax over incoming edges per destination node
    emax = jax.ops.segment_max(e, dst, num_segments=n)
    ee = jnp.exp(e - emax[dst])
    denom = jax.ops.segment_sum(ee, dst, num_segments=n)
    alpha = ee / (denom[dst] + 1e-16)                  # [E, H]
    msg = h[src] * alpha[:, :, None]                   # [E, H, C]
    out = jax.ops.segment_sum(msg, dst, num_segments=n)
    return out.reshape(n, heads * out_ch) + bias[None, :]


def reference(point, edge_info, W1, a_src1, a_dst1, b1, W2, a_src2, a_dst2, b2):
    # dropout p=0.25 is identity at inference (training=False)
    h = gat_conv(point, edge_info, W1, a_src1, a_dst1, b1, HEADS, HID)
    h = jax.nn.relu(h)
    h = gat_conv(h, edge_info, W2, a_src2, a_dst2, b2, HEADS, OUT)
    return (h, jax.nn.log_softmax(h, axis=1))

if __name__ == "__main__":
    import jax
    _d = setup_inputs()
    print(jax.jit(kernel)(*tuple(_d.values())))

</pallas_src>

<mosaic_0001>
#map = affine_map<(d0, d1) -> (0, 0)>
#map1 = affine_map<(d0, d1) -> (0, 0, 0)>
module attributes {stable_mosaic.version = 14 : i64} {
  func.func @edge_kernel(%arg0: i32, %arg1: i32, %arg2: memref<10000x144xf32, #tpu.memory_space<hbm>>, %arg3: memref<10000x16xf32, #tpu.memory_space<hbm>>, %arg4: memref<2x320000xi32, #tpu.memory_space<hbm>>, %arg5: memref<632x144xf32, #tpu.memory_space<hbm>>, %arg6: memref<2x10112x144xf32, #tpu.memory_space<hbm>>, %arg7: memref<128xi32, #tpu.memory_space<vmem>>, %arg8: memref<128xi32, #tpu.memory_space<vmem>>, %arg9: memref<128x144xf32, #tpu.memory_space<vmem>>, %arg10: memref<128x16xf32, #tpu.memory_space<vmem>>, %arg11: memref<10112x144xf32, #tpu.memory_space<vmem_shared>>, %arg12: memref<!tpu.dma_semaphore, #tpu.memory_space<semaphore_mem>>, %arg13: memref<!tpu.dma_semaphore, #tpu.memory_space<semaphore_mem>>) attributes {dimension_semantics = [#tpu.dimension_semantics<core_parallel>, #tpu.dimension_semantics<subcore_parallel>], iteration_bounds = array<i64: 2, 16>, scalar_prefetch = 0 : i64, scratch_operands = 7 : i64, tpu.core_type = #tpu.core_type<sc_vector_subcore>, window_params = [{transform_indices = #map}, {transform_indices = #map}, {transform_indices = #map}, {transform_indices = #map}, {transform_indices = #map1}]} {
    %mul3A = arith.constant 16 : i32
    %mul3A_0 = arith.muli %arg0, %mul3A : i32
    %add3A = arith.addi %mul3A_0, %arg1 : i32
    %mul3A_1 = arith.constant 632 : i32
    %mul3A_2 = arith.muli %arg1, %mul3A_1 : i32
    "tpu.region"() ({
      %run_scoped3A = tpu.sem_alloc : memref<!tpu.dma_semaphore, #tpu.memory_space<semaphore_mem>>
      %dma_start3A = arith.constant 0 : i32
      %dma_start3A_35 = tpu.memref_slice %arg11[%mul3A_2, %dma_start3A] : memref<10112x144xf32, #tpu.memory_space<vmem_shared>> -> memref<632x144xf32, #tpu.memory_space<vmem_shared>>
      tpu.enqueue_dma source(%arg5 : memref<632x144xf32, #tpu.memory_space<hbm>>) target(%dma_start3A_35 : memref<632x144xf32, #tpu.memory_space<vmem_shared>>) target_semaphore(%run_scoped3A : memref<!tpu.dma_semaphore, #tpu.memory_space<semaphore_mem>>)
      %dma_wait3A = arith.constant 0 : i32
      %dma_wait3A_36 = tpu.memref_slice %arg11[%mul3A_2, %dma_wait3A] : memref<10112x144xf32, #tpu.memory_space<vmem_shared>> -> memref<632x144xf32, #tpu.memory_space<vmem_shared>>
      tpu.wait_dma2 semaphore(%run_scoped3A : memref<!tpu.dma_semaphore, #tpu.memory_space<semaphore_mem>>) src(%arg5 : memref<632x144xf32, #tpu.memory_space<hbm>>) dst(%dma_wait3A_36 : memref<632x144xf32, #tpu.memory_space<vmem_shared>>)
      tpu.yield
    }) : () -> ()
    %barrier3A = arith.constant 0 : index
    tpu.barrier barrier_id(%barrier3A)
    %sub3A = arith.constant 2531 : i32
    %sub3A_3 = arith.subi %sub3A, %add3A : i32
    %jit3A = arith.constant 32 : i32
    %div3A = arith.divsi %sub3A_3, %jit3A : i32
    %sign3A = arith.constant 0 : i32
    %sign3A_4 = arith.cmpi sgt, %sub3A_3, %sign3A : i32
    %sign3A_5 = arith.extui %sign3A_4 : i1 to i32
    %sign3A_6 = arith.constant 0 : i32
    %sign3A_7 = arith.cmpi slt, %sub3A_3, %sign3A_6 : i32
    %sign3A_8 = arith.extui %sign3A_7 : i1 to i32
    %sign3A_9 = arith.subi %sign3A_5, %sign3A_8 : i32
    %sign3A_10 = arith.constant 0 : i32
    %sign3A_11 = arith.cmpi sgt, %jit3A, %sign3A_10 : i32
    %sign3A_12 = arith.extui %sign3A_11 : i1 to i32
    %sign3A_13 = arith.constant 0 : i32
    %sign3A_14 = arith.cmpi slt, %jit3A, %sign3A_13 : i32
    %sign3A_15 = arith.extui %sign3A_14 : i1 to i32
    %sign3A_16 = arith.subi %sign3A_12, %sign3A_15 : i32
    %ne3A = arith.cmpi ne, %sign3A_9, %sign3A_16 : i32
    %rem3A = arith.remsi %sub3A_3, %jit3A : i32
    %ne3A_17 = arith.constant 0 : i32
    %ne3A_18 = arith.cmpi ne, %rem3A, %ne3A_17 : i32
    %and3A = arith.andi %ne3A, %ne3A_18 : i1
    %sub3A_19 = arith.constant 1 : i32
    %sub3A_20 = arith.subi %div3A, %sub3A_19 : i32
    %select_n3A = arith.select %and3A, %sub3A_20, %div3A : i32
    %while3A = arith.constant 0 : i32
    %while3A_21 = arith.constant 0 : i32
    %while3A_22 = arith.subi %select_n3A, %while3A_21 : i32
    %while3A_23 = arith.addi %while3A_21, %while3A_22 : i32
    %while3A_24 = arith.constant 1 : i32
    %while3A_25 = arith.divsi %while3A_22, %while3A_24 : i32
    %while3A_26 = arith.muli %while3A_25, %while3A_24 : i32
    %while3A_27 = arith.addi %while3A_21, %while3A_26 : i32
    %while3A_28 = arith.constant 1 : i32
    scf.for %while3A_35 = %while3A_21 to %while3A_27 step %while3A_28  : i32 {
      %mul3A_36 = arith.constant 32 : i32
      %mul3A_37 = arith.muli %while3A_35, %mul3A_36 : i32
      %add3A_38 = arith.addi %mul3A_37, %add3A : i32
      %mul3A_39 = arith.constant 128 : i32
      %mul3A_40 = arith.muli %add3A_38, %mul3A_39 : i32
      %run_scoped3A = arith.constant 0 : i32
      "tpu.region"() ({
        %run_scoped3A_57 = tpu.sem_alloc : memref<!tpu.dma_semaphore, #tpu.memory_space<semaphore_mem>>
        %dma_start3A_58 = tpu.memref_slice %arg4[%run_scoped3A, %mul3A_40] : memref<2x320000xi32, #tpu.memory_space<hbm>> -> memref<1x128xi32, #tpu.memory_space<hbm>>
        %dma_start3A_59 = tpu.memref_squeeze %dma_start3A_58 : memref<1x128xi32, #tpu.memory_space<hbm>> -> memref<128xi32, #tpu.memory_space<hbm>>
        %dma_start3A_60 = tpu.memref_slice %arg4[%run_scoped3A, %mul3A_40] : memref<2x320000xi32, #tpu.memory_space<hbm>> -> memref<1x128xi32, #tpu.memory_space<hbm>>
        %dma_start3A_61 = tpu.memref_squeeze %dma_start3A_60 : memref<1x128xi32, #tpu.memory_space<hbm>> -> memref<128xi32, #tpu.memory_space<hbm>>
        tpu.enqueue_dma source(%dma_start3A_61 : memref<128xi32, #tpu.memory_space<hbm>>) target(%arg7 : memref<128xi32, #tpu.memory_space<vmem>>) target_semaphore(%run_scoped3A_57 : memref<!tpu.dma_semaphore, #tpu.memory_space<semaphore_mem>>)
        %dma_wait3A_62 = tpu.memref_slice %arg4[%run_scoped3A, %mul3A_40] : memref<2x320000xi32, #tpu.memory_space<hbm>> -> memref<1x128xi32, #tpu.memory_space<hbm>>
        %dma_wait3A_63 = tpu.memref_squeeze %dma_wait3A_62 : memref<1x128xi32, #tpu.memory_space<hbm>> -> memref<128xi32, #tpu.memory_space<hbm>>
        %dma_wait3A_64 = tpu.memref_slice %arg4[%run_scoped3A, %mul3A_40] : memref<2x320000xi32, #tpu.memory_space<hbm>> -> memref<1x128xi32, #tpu.memory_space<hbm>>
        %dma_wait3A_65 = tpu.memref_squeeze %dma_wait3A_64 : memref<1x128xi32, #tpu.memory_space<hbm>> -> memref<128xi32, #tpu.memory_space<hbm>>
        tpu.wait_dma2 semaphore(%run_scoped3A_57 : memref<!tpu.dma_semaphore, #tpu.memory_space<semaphore_mem>>) src(%dma_wait3A_65 : memref<128xi32, #tpu.memory_space<hbm>>) dst(%arg7 : memref<128xi32, #tpu.memory_space<vmem>>)
        tpu.yield
      }) : () -> ()
      %run_scoped3A_41 = arith.constant 1 : i32
      "tpu.region"() ({
        %run_scoped3A_57 = tpu.sem_alloc : memref<!tpu.dma_semaphore, #tpu.memory_space<semaphore_mem>>
        %dma_start3A_58 = tpu.memref_slice %arg4[%run_scoped3A_41, %mul3A_40] : memref<2x320000xi32, #tpu.memory_space<hbm>> -> memref<1x128xi32, #tpu.memory_space<hbm>>
        %dma_start3A_59 = tpu.memref_squeeze %dma_start3A_58 : memref<1x128xi32, #tpu.memory_space<hbm>> -> memref<128xi32, #tpu.memory_space<hbm>>
        %dma_start3A_60 = tpu.memref_slice %arg4[%run_scoped3A_41, %mul3A_40] : memref<2x320000xi32, #tpu.memory_space<hbm>> -> memref<1x128xi32, #tpu.memory_space<hbm>>
        %dma_start3A_61 = tpu.memref_squeeze %dma_start3A_60 : memref<1x128xi32, #tpu.memory_space<hbm>> -> memref<128xi32, #tpu.memory_space<hbm>>
        tpu.enqueue_dma source(%dma_start3A_61 : memref<128xi32, #tpu.memory_space<hbm>>) target(%arg8 : memref<128xi32, #tpu.memory_space<vmem>>) target_semaphore(%run_scoped3A_57 : memref<!tpu.dma_semaphore, #tpu.memory_space<semaphore_mem>>)
        %dma_wait3A_62 = tpu.memref_slice %arg4[%run_scoped3A_41, %mul3A_40] : memref<2x320000xi32, #tpu.memory_space<hbm>> -> memref<1x128xi32, #tpu.memory_space<hbm>>
        %dma_wait3A_63 = tpu.memref_squeeze %dma_wait3A_62 : memref<1x128xi32, #tpu.memory_space<hbm>> -> memref<128xi32, #tpu.memory_space<hbm>>
        %dma_wait3A_64 = tpu.memref_slice %arg4[%run_scoped3A_41, %mul3A_40] : memref<2x320000xi32, #tpu.memory_space<hbm>> -> memref<1x128xi32, #tpu.memory_space<hbm>>
        %dma_wait3A_65 = tpu.memref_squeeze %dma_wait3A_64 : memref<1x128xi32, #tpu.memory_space<hbm>> -> memref<128xi32, #tpu.memory_space<hbm>>
        tpu.wait_dma2 semaphore(%run_scoped3A_57 : memref<!tpu.dma_semaphore, #tpu.memory_space<semaphore_mem>>) src(%dma_wait3A_65 : memref<128xi32, #tpu.memory_space<hbm>>) dst(%arg8 : memref<128xi32, #tpu.memory_space<vmem>>)
        tpu.yield
      }) : () -> ()
      %dma_start3A = arith.constant 0 : i32
      %dma_start3A_42 = arith.constant 0 : i32
      %dma_start3A_43 = tpu.memref_slice %arg2[%dma_start3A, %dma_start3A_42] : memref<10000x144xf32, #tpu.memory_space<hbm>> -> memref<10000x144xf32, #tpu.memory_space<hbm>>
      tpu.enqueue_indirect_dma source(%dma_start3A_43 : memref<10000x144xf32, #tpu.memory_space<hbm>>) target(%arg9 : memref<128x144xf32, #tpu.memory_space<vmem>>) offsets(%arg7 : memref<128xi32, #tpu.memory_space<vmem>>) semaphore(%arg12 : memref<!tpu.dma_semaphore, #tpu.memory_space<semaphore_mem>>)
      %dma_start3A_44 = arith.constant 0 : i32
      %dma_start3A_45 = arith.constant 0 : i32
      %dma_start3A_46 = tpu.memref_slice %arg3[%dma_start3A_44, %dma_start3A_45] : memref<10000x16xf32, #tpu.memory_space<hbm>> -> memref<10000x16xf32, #tpu.memory_space<hbm>>
      tpu.enqueue_indirect_dma source(%dma_start3A_46 : memref<10000x16xf32, #tpu.memory_space<hbm>>) target(%arg10 : memref<128x16xf32, #tpu.memory_space<vmem>>) offsets(%arg8 : memref<128xi32, #tpu.memory_space<vmem>>) semaphore(%arg13 : memref<!tpu.dma_semaphore, #tpu.memory_space<semaphore_mem>>)
      %dma_wait3A = arith.constant 0 : i32
      %dma_wait3A_47 = arith.constant 0 : i32
      %dma_wait3A_48 = tpu.memref_slice %arg2[%dma_wait3A, %dma_wait3A_47] : memref<10000x144xf32, #tpu.memory_space<hbm>> -> memref<10000x144xf32, #tpu.memory_space<hbm>>
      tpu.wait_indirect_dma semaphore(%arg12 : memref<!tpu.dma_semaphore, #tpu.memory_space<semaphore_mem>>) src(%dma_wait3A_48 : memref<10000x144xf32, #tpu.memory_space<hbm>>) dst(%arg9 : memref<128x144xf32, #tpu.memory_space<vmem>>)
      %dma_wait3A_49 = arith.constant 0 : i32
      %dma_wait3A_50 = arith.constant 0 : i32
      %dma_wait3A_51 = tpu.memref_slice %arg3[%dma_wait3A_49, %dma_wait3A_50] : memref<10000x16xf32, #tpu.memory_space<hbm>> -> memref<10000x16xf32, #tpu.memory_space<hbm>>
      tpu.wait_indirect_dma semaphore(%arg13 : memref<!tpu.dma_semaphore, #tpu.memory_space<semaphore_mem>>) src(%dma_wait3A_51 : memref<10000x16xf32, #tpu.memory_space<hbm>>) dst(%arg10 : memref<128x16xf32, #tpu.memory_space<vmem>>)
      %scan3A = arith.constant 0 : i32
      %scan3A_52 = arith.constant 0 : i32
      %scan3A_53 = arith.constant 128 : i32
      %scan3A_54 = arith.addi %scan3A_52, %scan3A_53 : i32
      %scan3A_55 = arith.constant 4 : i32
      scf.for %scan3A_57 = %scan3A_52 to %scan3A_54 step %scan3A_55  : i32 {
        %get3A = arith.index_cast %scan3A_57 : i32 to index
        %get3A_58 = arith.constant 128 : index
        %get3A_59 = tpu.vector_load %arg9[%get3A, %get3A_58] {strides = array<i32>} : memref<128x144xf32, #tpu.memory_space<vmem>>, vector<1x16xf32>,
        %get3A_60 = vector.shape_cast %get3A_59 : vector<1x16xf32> to vector<16xf32>
        %get3A_61 = arith.index_cast %scan3A_57 : i32 to index
        %get3A_62 = arith.constant 0 : index
        %get3A_63 = tpu.vector_load %arg10[%get3A_61, %get3A_62] {strides = array<i32>} : memref<128x16xf32, #tpu.memory_space<vmem>>, vector<1x16xf32>,
        %get3A_64 = vector.shape_cast %get3A_63 : vector<1x16xf32> to vector<16xf32>
        %add3A_65 = arith.addf %get3A_60, %get3A_64 : vector<16xf32>
        %gt3A = arith.constant 0.000000e+00 : f32
        %gt3A_66 = vector.broadcast %gt3A : f32 to vector<16xf32>
        %gt3A_67 = arith.cmpf ogt, %add3A_65, %gt3A_66 : vector<16xf32>
        %mul3A_68 = arith.constant 2.000000e-01 : f32
        %mul3A_69 = vector.broadcast %mul3A_68 : f32 to vector<16xf32>
        %mul3A_70 = arith.mulf %mul3A_69, %add3A_65 : vector<16xf32>
        %select_n3A_71 = arith.select %gt3A_67, %add3A_65, %mul3A_70 : vector<16xi1>, vector<16xf32>
        %exp3A = math.exp %select_n3A_71 : vector<16xf32>
        %swap3A = arith.index_cast %scan3A_57 : i32 to index
        %swap3A_72 = arith.constant 128 : index
        %swap3A_73 = tpu.vector_load %arg9[%swap3A, %swap3A_72] {strides = array<i32>} : memref<128x144xf32, #tpu.memory_space<vmem>>, vector<1x16xf32>,
        %swap3A_74 = vector.shape_cast %swap3A_73 : vector<1x16xf32> to vector<16xf32>
        %swap3A_75 = vector.shape_cast %exp3A : vector<16xf32> to vector<1x16xf32>
        tpu.vector_store %arg9[%swap3A, %swap3A_72], %swap3A_75 {strides = array<i32>} : memref<128x144xf32, #tpu.memory_space<vmem>>, vector<1x16xf32>,
        %get3A_76 = arith.index_cast %scan3A_57 : i32 to index
        %get3A_77 = arith.constant 0 : index
        %get3A_78 = tpu.vector_load %arg9[%get3A_76, %get3A_77] {strides = array<i32>} : memref<128x144xf32, #tpu.memory_space<vmem>>, vector<1x16xf32>,
        %get3A_79 = vector.shape_cast %get3A_78 : vector<1x16xf32> to vector<16xf32>
        %mul3A_80 = arith.mulf %get3A_79, %exp3A : vector<16xf32>
        %swap3A_81 = arith.index_cast %scan3A_57 : i32 to index
        %swap3A_82 = arith.constant 0 : index
        %swap3A_83 = tpu.vector_load %arg9[%swap3A_81, %swap3A_82] {strides = array<i32>} : memref<128x144xf32, #tpu.memory_space<vmem>>, vector<1x16xf32>,
        %swap3A_84 = vector.shape_cast %swap3A_83 : vector<1x16xf32> to vector<16xf32>
        %swap3A_85 = vector.shape_cast %mul3A_80 : vector<16xf32> to vector<1x16xf32>
        tpu.vector_store %arg9[%swap3A_81, %swap3A_82], %swap3A_85 {strides = array<i32>} : memref<128x144xf32, #tpu.memory_space<vmem>>, vector<1x16xf32>,
        %get3A_86 = arith.index_cast %scan3A_57 : i32 to index
        %get3A_87 = arith.constant 16 : index
        %get3A_88 = tpu.vector_load %arg9[%get3A_86, %get3A_87] {strides = array<i32>} : memref<128x144xf32, #tpu.memory_space<vmem>>, vector<1x16xf32>,
        %get3A_89 = vector.shape_cast %get3A_88 : vector<1x16xf32> to vector<16xf32>
        %mul3A_90 = arith.mulf %get3A_89, %exp3A : vector<16xf32>
        %swap3A_91 = arith.index_cast %scan3A_57 : i32 to index
        %swap3A_92 = arith.constant 16 : index
        %swap3A_93 = tpu.vector_load %arg9[%swap3A_91, %swap3A_92] {strides = array<i32>} : memref<128x144xf32, #tpu.memory_space<vmem>>, vector<1x16xf32>,
        %swap3A_94 = vector.shape_cast %swap3A_93 : vector<1x16xf32> to vector<16xf32>
        %swap3A_95 = vector.shape_cast %mul3A_90 : vector<16xf32> to vector<1x16xf32>
        tpu.vector_store %arg9[%swap3A_91, %swap3A_92], %swap3A_95 {strides = array<i32>} : memref<128x144xf32, #tpu.memory_space<vmem>>, vector<1x16xf32>,
        %get3A_96 = arith.index_cast %scan3A_57 : i32 to index
        %get3A_97 = arith.constant 32 : index
        %get3A_98 = tpu.vector_load %arg9[%get3A_96, %get3A_97] {strides = array<i32>} : memref<128x144xf32, #tpu.memory_space<vmem>>, vector<1x16xf32>,
        %get3A_99 = vector.shape_cast %get3A_98 : vector<1x16xf32> to vector<16xf32>
        %mul3A_100 = arith.mulf %get3A_99, %exp3A : vector<16xf32>
        %swap3A_101 = arith.index_cast %scan3A_57 : i32 to index
        %swap3A_102 = arith.constant 32 : index
        %swap3A_103 = tpu.vector_load %arg9[%swap3A_101, %swap3A_102] {strides = array<i32>} : memref<128x144xf32, #tpu.memory_space<vmem>>, vector<1x16xf32>,
        %swap3A_104 = vector.shape_cast %swap3A_103 : vector<1x16xf32> to vector<16xf32>
        %swap3A_105 = vector.shape_cast %mul3A_100 : vector<16xf32> to vector<1x16xf32>
        tpu.vector_store %arg9[%swap3A_101, %swap3A_102], %swap3A_105 {strides = array<i32>} : memref<128x144xf32, #tpu.memory_space<vmem>>, vector<1x16xf32>,
        %get3A_106 = arith.index_cast %scan3A_57 : i32 to index
        %get3A_107 = arith.constant 48 : index
        %get3A_108 = tpu.vector_load %arg9[%get3A_106, %get3A_107] {strides = array<i32>} : memref<128x144xf32, #tpu.memory_space<vmem>>, vector<1x16xf32>,
        %get3A_109 = vector.shape_cast %get3A_108 : vector<1x16xf32> to vector<16xf32>
        %mul3A_110 = arith.mulf %get3A_109, %exp3A : vector<16xf32>
        %swap3A_111 = arith.index_cast %scan3A_57 : i32 to index
        %swap3A_112 = arith.constant 48 : index
        %swap3A_113 = tpu.vector_load %arg9[%swap3A_111, %swap3A_112] {strides = array<i32>} : memref<128x144xf32, #tpu.memory_space<vmem>>, vector<1x16xf32>,
        %swap3A_114 = vector.shape_cast %swap3A_113 : vector<1x16xf32> to vector<16xf32>
        %swap3A_115 = vector.shape_cast %mul3A_110 : vector<16xf32> to vector<1x16xf32>
        tpu.vector_store %arg9[%swap3A_111, %swap3A_112], %swap3A_115 {strides = array<i32>} : memref<128x144xf32, #tpu.memory_space<vmem>>, vector<1x16xf32>,
        %get3A_116 = arith.index_cast %scan3A_57 : i32 to index
        %get3A_117 = arith.constant 64 : index
        %get3A_118 = tpu.vector_load %arg9[%get3A_116, %get3A_117] {strides = array<i32>} : memref<128x144xf32, #tpu.memory_space<vmem>>, vector<1x16xf32>,
        %get3A_119 = vector.shape_cast %get3A_118 : vector<1x16xf32> to vector<16xf32>
        %mul3A_120 = arith.mulf %get3A_119, %exp3A : vector<16xf32>
        %swap3A_121 = arith.index_cast %scan3A_57 : i32 to index
        %swap3A_122 = arith.constant 64 : index
        %swap3A_123 = tpu.vector_load %arg9[%swap3A_121, %swap3A_122] {strides = array<i32>} : memref<128x144xf32, #tpu.memory_space<vmem>>, vector<1x16xf32>,
        %swap3A_124 = vector.shape_cast %swap3A_123 : vector<1x16xf32> to vector<16xf32>
        %swap3A_125 = vector.shape_cast %mul3A_120 : vector<16xf32> to vector<1x16xf32>
        tpu.vector_store %arg9[%swap3A_121, %swap3A_122], %swap3A_125 {strides = array<i32>} : memref<128x144xf32, #tpu.memory_space<vmem>>, vector<1x16xf32>,
        %get3A_126 = arith.index_cast %scan3A_57 : i32 to index
        %get3A_127 = arith.constant 80 : index
        %get3A_128 = tpu.vector_load %arg9[%get3A_126, %get3A_127] {strides = array<i32>} : memref<128x144xf32, #tpu.memory_space<vmem>>, vector<1x16xf32>,
        %get3A_129 = vector.shape_cast %get3A_128 : vector<1x16xf32> to vector<16xf32>
        %mul3A_130 = arith.mulf %get3A_129, %exp3A : vector<16xf32>
        %swap3A_131 = arith.index_cast %scan3A_57 : i32 to index
        %swap3A_132 = arith.constant 80 : index
        %swap3A_133 = tpu.vector_load %arg9[%swap3A_131, %swap3A_132] {strides = array<i32>} : memref<128x144xf32, #tpu.memory_space<vmem>>, vector<1x16xf32>,
        %swap3A_134 = vector.shape_cast %swap3A_133 : vector<1x16xf32> to vector<16xf32>
        %swap3A_135 = vector.shape_cast %mul3A_130 : vector<16xf32> to vector<1x16xf32>
        tpu.vector_store %arg9[%swap3A_131, %swap3A_132], %swap3A_135 {strides = array<i32>} : memref<128x144xf32, #tpu.memory_space<vmem>>, vector<1x16xf32>,
        %get3A_136 = arith.index_cast %scan3A_57 : i32 to index
        %get3A_137 = arith.constant 96 : index
        %get3A_138 = tpu.vector_load %arg9[%get3A_136, %get3A_137] {strides = array<i32>} : memref<128x144xf32, #tpu.memory_space<vmem>>, vector<1x16xf32>,
        %get3A_139 = vector.shape_cast %get3A_138 : vector<1x16xf32> to vector<16xf32>
        %mul3A_140 = arith.mulf %get3A_139, %exp3A : vector<16xf32>
        %swap3A_141 = arith.index_cast %scan3A_57 : i32 to index
        %swap3A_142 = arith.constant 96 : index
        %swap3A_143 = tpu.vector_load %arg9[%swap3A_141, %swap3A_142] {strides = array<i32>} : memref<128x144xf32, #tpu.memory_space<vmem>>, vector<1x16xf32>,
        %swap3A_144 = vector.shape_cast %swap3A_143 : vector<1x16xf32> to vector<16xf32>
        %swap3A_145 = vector.shape_cast %mul3A_140 : vector<16xf32> to vector<1x16xf32>
        tpu.vector_store %arg9[%swap3A_141, %swap3A_142], %swap3A_145 {strides = array<i32>} : memref<128x144xf32, #tpu.memory_space<vmem>>, vector<1x16xf32>,
        %get3A_146 = arith.index_cast %scan3A_57 : i32 to index
        %get3A_147 = arith.constant 112 : index
        %get3A_148 = tpu.vector_load %arg9[%get3A_146, %get3A_147] {strides = array<i32>} : memref<128x144xf32, #tpu.memory_space<vmem>>, vector<1x16xf32>,
        %get3A_149 = vector.shape_cast %get3A_148 : vector<1x16xf32> to vector<16xf32>
        %mul3A_150 = arith.mulf %get3A_149, %exp3A : vector<16xf32>
        %swap3A_151 = arith.index_cast %scan3A_57 : i32 to index
        %swap3A_152 = arith.constant 112 : index
        %swap3A_153 = tpu.vector_load %arg9[%swap3A_151, %swap3A_152] {strides = array<i32>} : memref<128x144xf32, #tpu.memory_space<vmem>>, vector<1x16xf32>,
        %swap3A_154 = vector.shape_cast %swap3A_153 : vector<1x16xf32> to vector<16xf32>
        %swap3A_155 = vector.shape_cast %mul3A_150 : vector<16xf32> to vector<1x16xf32>
        tpu.vector_store %arg9[%swap3A_151, %swap3A_152], %swap3A_155 {strides = array<i32>} : memref<128x144xf32, #tpu.memory_space<vmem>>, vector<1x16xf32>,
        %scan3A_156 = arith.constant 1 : i32
        %scan3A_157 = arith.addi %scan3A_57, %scan3A_156 : i32
        %get3A_158 = arith.index_cast %scan3A_157 : i32 to index
        %get3A_159 = arith.constant 128 : index
        %get3A_160 = tpu.vector_load %arg9[%get3A_158, %get3A_159] {strides = array<i32>} : memref<128x144xf32, #tpu.memory_space<vmem>>, vector<1x16xf32>,
        %get3A_161 = vector.shape_cast %get3A_160 : vector<1x16xf32> to vector<16xf32>
        %get3A_162 = arith.index_cast %scan3A_157 : i32 to index
        %get3A_163 = arith.constant 0 : index
        %get3A_164 = tpu.vector_load %arg10[%get3A_162, %get3A_163] {strides = array<i32>} : memref<128x16xf32, #tpu.memory_space<vmem>>, vector<1x16xf32>,
        %get3A_165 = vector.shape_cast %get3A_164 : vector<1x16xf32> to vector<16xf32>
        %add3A_166 = arith.addf %get3A_161, %get3A_165 : vector<16xf32>
        %gt3A_167 = arith.constant 0.000000e+00 : f32
        %gt3A_168 = vector.broadcast %gt3A_167 : f32 to vector<16xf32>
        %gt3A_169 = arith.cmpf ogt, %add3A_166, %gt3A_168 : vector<16xf32>
        %mul3A_170 = arith.constant 2.000000e-01 : f32
        %mul3A_171 = vector.broadcast %mul3A_170 : f32 to vector<16xf32>
        %mul3A_172 = arith.mulf %mul3A_171, %add3A_166 : vector<16xf32>
        %select_n3A_173 = arith.select %gt3A_169, %add3A_166, %mul3A_172 : vector<16xi1>, vector<16xf32>
        %exp3A_174 = math.exp %select_n3A_173 : vector<16xf32>
        %swap3A_175 = arith.index_cast %scan3A_157 : i32 to index
        %swap3A_176 = arith.constant 128 : index
        %swap3A_177 = tpu.vector_load %arg9[%swap3A_175, %swap3A_176] {strides = array<i32>} : memref<128x144xf32, #tpu.memory_space<vmem>>, vector<1x16xf32>,
        %swap3A_178 = vector.shape_cast %swap3A_177 : vector<1x16xf32> to vector<16xf32>
        %swap3A_179 = vector.shape_cast %exp3A_174 : vector<16xf32> to vector<1x16xf32>
        tpu.vector_store %arg9[%swap3A_175, %swap3A_176], %swap3A_179 {strides = array<i32>} : memref<128x144xf32, #tpu.memory_space<vmem>>, vector<1x16xf32>,
        %get3A_180 = arith.index_cast %scan3A_157 : i32 to index
        %get3A_181 = arith.constant 0 : index
        %get3A_182 = tpu.vector_load %arg9[%get3A_180, %get3A_181] {strides = array<i32>} : memref<128x144xf32, #tpu.memory_space<vmem>>, vector<1x16xf32>,
        %get3A_183 = vector.shape_cast %get3A_182 : vector<1x16xf32> to vector<16xf32>
        %mul3A_184 = arith.mulf %get3A_183, %exp3A_174 : vector<16xf32>
        %swap3A_185 = arith.index_cast %scan3A_157 : i32 to index
        %swap3A_186 = arith.constant 0 : index
        %swap3A_187 = tpu.vector_load %arg9[%swap3A_185, %swap3A_186] {strides = array<i32>} : memref<128x144xf32, #tpu.memory_space<vmem>>, vector<1x16xf32>,
        %swap3A_188 = vector.shape_cast %swap3A_187 : vector<1x16xf32> to vector<16xf32>
        %swap3A_189 = vector.shape_cast %mul3A_184 : vector<16xf32> to vector<1x16xf32>
        tpu.vector_store %arg9[%swap3A_185, %swap3A_186], %swap3A_189 {strides = array<i32>} : memref<128x144xf32, #tpu.memory_space<vmem>>, vector<1x16xf32>,
        %get3A_190 = arith.index_cast %scan3A_157 : i32 to index
        %get3A_191 = arith.constant 16 : index
        %get3A_192 = tpu.vector_load %arg9[%get3A_190, %get3A_191] {strides = array<i32>} : memref<128x144xf32, #tpu.memory_space<vmem>>, vector<1x16xf32>,
        %get3A_193 = vector.shape_cast %get3A_192 : vector<1x16xf32> to vector<16xf32>
        %mul3A_194 = arith.mulf %get3A_193, %exp3A_174 : vector<16xf32>
        %swap3A_195 = arith.index_cast %scan3A_157 : i32 to index
        %swap3A_196 = arith.constant 16 : index
        %swap3A_197 = tpu.vector_load %arg9[%swap3A_195, %swap3A_196] {strides = array<i32>} : memref<128x144xf32, #tpu.memory_space<vmem>>, vector<1x16xf32>,
        %swap3A_198 = vector.shape_cast %swap3A_197 : vector<1x16xf32> to vector<16xf32>
        %swap3A_199 = vector.shape_cast %mul3A_194 : vector<16xf32> to vector<1x16xf32>
        tpu.vector_store %arg9[%swap3A_195, %swap3A_196], %swap3A_199 {strides = array<i32>} : memref<128x144xf32, #tpu.memory_space<vmem>>, vector<1x16xf32>,
        %get3A_200 = arith.index_cast %scan3A_157 : i32 to index
        %get3A_201 = arith.constant 32 : index
        %get3A_202 = tpu.vector_load %arg9[%get3A_200, %get3A_201] {strides = array<i32>} : memref<128x144xf32, #tpu.memory_space<vmem>>, vector<1x16xf32>,
        %get3A_203 = vector.shape_cast %get3A_202 : vector<1x16xf32> to vector<16xf32>
        %mul3A_204 = arith.mulf %get3A_203, %exp3A_174 : vector<16xf32>
        %swap3A_205 = arith.index_cast %scan3A_157 : i32 to index
        %swap3A_206 = arith.constant 32 : index
        %swap3A_207 = tpu.vector_load %arg9[%swap3A_205, %swap3A_206] {strides = array<i32>} : memref<128x144xf32, #tpu.memory_space<vmem>>, vector<1x16xf32>,
        %swap3A_208 = vector.shape_cast %swap3A_207 : vector<1x16xf32> to vector<16xf32>
        %swap3A_209 = vector.shape_cast %mul3A_204 : vector<16xf32> to vector<1x16xf32>
        tpu.vector_store %arg9[%swap3A_205, %swap3A_206], %swap3A_209 {strides = array<i32>} : memref<128x144xf32, #tpu.memory_space<vmem>>, vector<1x16xf32>,
        %get3A_210 = arith.index_cast %scan3A_157 : i32 to index
        %get3A_211 = arith.constant 48 : index
        %get3A_212 = tpu.vector_load %arg9[%get3A_210, %get3A_211] {strides = array<i32>} : memref<128x144xf32, #tpu.memory_space<vmem>>, vector<1x16xf32>,
        %get3A_213 = vector.shape_cast %get3A_212 : vector<1x16xf32> to vector<16xf32>
        %mul3A_214 = arith.mulf %get3A_213, %exp3A_174 : vector<16xf32>
        %swap3A_215 = arith.index_cast %scan3A_157 : i32 to index
        %swap3A_216 = arith.constant 48 : index
        %swap3A_217 = tpu.vector_load %arg9[%swap3A_215, %swap3A_216] {strides = array<i32>} : memref<128x144xf32, #tpu.memory_space<vmem>>, vector<1x16xf32>,
        %swap3A_218 = vector.shape_cast %swap3A_217 : vector<1x16xf32> to vector<16xf32>
        %swap3A_219 = vector.shape_cast %mul3A_214 : vector<16xf32> to vector<1x16xf32>
        tpu.vector_store %arg9[%swap3A_215, %swap3A_216], %swap3A_219 {strides = array<i32>} : memref<128x144xf32, #tpu.memory_space<vmem>>, vector<1x16xf32>,
        %get3A_220 = arith.index_cast %scan3A_157 : i32 to index
        %get3A_221 = arith.constant 64 : index
        %get3A_222 = tpu.vector_load %arg9[%get3A_220, %get3A_221] {strides = array<i32>} : memref<128x144xf32, #tpu.memory_space<vmem>>, vector<1x16xf32>,
        %get3A_223 = vector.shape_cast %get3A_222 : vector<1x16xf32> to vector<16xf32>
        %mul3A_224 = arith.mulf %get3A_223, %exp3A_174 : vector<16xf32>
        %swap3A_225 = arith.index_cast %scan3A_157 : i32 to index
        %swap3A_226 = arith.constant 64 : index
        %swap3A_227 = tpu.vector_load %arg9[%swap3A_225, %swap3A_226] {strides = array<i32>} : memref<128x144xf32, #tpu.memory_space<vmem>>, vector<1x16xf32>,
        %swap3A_228 = vector.shape_cast %swap3A_227 : vector<1x16xf32> to vector<16xf32>
        %swap3A_229 = vector.shape_cast %mul3A_224 : vector<16xf32> to vector<1x16xf32>
        tpu.vector_store %arg9[%swap3A_225, %swap3A_226], %swap3A_229 {strides = array<i32>} : memref<128x144xf32, #tpu.memory_space<vmem>>, vector<1x16xf32>,
        %get3A_230 = arith.index_cast %scan3A_157 : i32 to index
        %get3A_231 = arith.constant 80 : index
        %get3A_232 = tpu.vector_load %arg9[%get3A_230, %get3A_231] {strides = array<i32>} : memref<128x144xf32, #tpu.memory_space<vmem>>, vector<1x16xf32>,
        %get3A_233 = vector.shape_cast %get3A_232 : vector<1x16xf32> to vector<16xf32>
        %mul3A_234 = arith.mulf %get3A_233, %exp3A_174 : vector<16xf32>
        %swap3A_235 = arith.index_cast %scan3A_157 : i32 to index
        %swap3A_236 = arith.constant 80 : index
        %swap3A_237 = tpu.vector_load %arg9[%swap3A_235, %swap3A_236] {strides = array<i32>} : memref<128x144xf32, #tpu.memory_space<vmem>>, vector<1x16xf32>,
        %swap3A_238 = vector.shape_cast %swap3A_237 : vector<1x16xf32> to vector<16xf32>
        %swap3A_239 = vector.shape_cast %mul3A_234 : vector<16xf32> to vector<1x16xf32>
        tpu.vector_store %arg9[%swap3A_235, %swap3A_236], %swap3A_239 {strides = array<i32>} : memref<128x144xf32, #tpu.memory_space<vmem>>, vector<1x16xf32>,
        %get3A_240 = arith.index_cast %scan3A_157 : i32 to index
        %get3A_241 = arith.constant 96 : index
        %get3A_242 = tpu.vector_load %arg9[%get3A_240, %get3A_241] {strides = array<i32>} : memref<128x144xf32, #tpu.memory_space<vmem>>, vector<1x16xf32>,
        %get3A_243 = vector.shape_cast %get3A_242 : vector<1x16xf32> to vector<16xf32>
        %mul3A_244 = arith.mulf %get3A_243, %exp3A_174 : vector<16xf32>
        %swap3A_245 = arith.index_cast %scan3A_157 : i32 to index
        %swap3A_246 = arith.constant 96 : index
        %swap3A_247 = tpu.vector_load %arg9[%swap3A_245, %swap3A_246] {strides = array<i32>} : memref<128x144xf32, #tpu.memory_space<vmem>>, vector<1x16xf32>,
        %swap3A_248 = vector.shape_cast %swap3A_247 : vector<1x16xf32> to vector<16xf32>
        %swap3A_249 = vector.shape_cast %mul3A_244 : vector<16xf32> to vector<1x16xf32>
        tpu.vector_store %arg9[%swap3A_245, %swap3A_246], %swap3A_249 {strides = array<i32>} : memref<128x144xf32, #tpu.memory_space<vmem>>, vector<1x16xf32>,
        %get3A_250 = arith.index_cast %scan3A_157 : i32 to index
        %get3A_251 = arith.constant 112 : index
        %get3A_252 = tpu.vector_load %arg9[%get3A_250, %get3A_251] {strides = array<i32>} : memref<128x144xf32, #tpu.memory_space<vmem>>, vector<1x16xf32>,
        %get3A_253 = vector.shape_cast %get3A_252 : vector<1x16xf32> to vector<16xf32>
        %mul3A_254 = arith.mulf %get3A_253, %exp3A_174 : vector<16xf32>
        %swap3A_255 = arith.index_cast %scan3A_157 : i32 to index
        %swap3A_256 = arith.constant 112 : index
        %swap3A_257 = tpu.vector_load %arg9[%swap3A_255, %swap3A_256] {strides = array<i32>} : memref<128x144xf32, #tpu.memory_space<vmem>>, vector<1x16xf32>,
        %swap3A_258 = vector.shape_cast %swap3A_257 : vector<1x16xf32> to vector<16xf32>
        %swap3A_259 = vector.shape_cast %mul3A_254 : vector<16xf32> to vector<1x16xf32>
        tpu.vector_store %arg9[%swap3A_255, %swap3A_256], %swap3A_259 {strides = array<i32>} : memref<128x144xf32, #tpu.memory_space<vmem>>, vector<1x16xf32>,
        %scan3A_260 = arith.constant 2 : i32
        %scan3A_261 = arith.addi %scan3A_57, %scan3A_260 : i32
        %get3A_262 = arith.index_cast %scan3A_261 : i32 to index
        %get3A_263 = arith.constant 128 : index
        %get3A_264 = tpu.vector_load %arg9[%get3A_262, %get3A_263] {strides = array<i32>} : memref<128x144xf32, #tpu.memory_space<vmem>>, vector<1x16xf32>,
        %get3A_265 = vector.shape_cast %get3A_264 : vector<1x16xf32> to vector<16xf32>
        %get3A_266 = arith.index_cast %scan3A_261 : i32 to index
        %get3A_267 = arith.constant 0 : index
        %get3A_268 = tpu.vector_load %arg10[%get3A_266, %get3A_267] {strides = array<i32>} : memref<128x16xf32, #tpu.memory_space<vmem>>, vector<1x16xf32>,
        %get3A_269 = vector.shape_cast %get3A_268 : vector<1x16xf32> to vector<16xf32>
        %add3A_270 = arith.addf %get3A_265, %get3A_269 : vector<16xf32>
        %gt3A_271 = arith.constant 0.000000e+00 : f32
        %gt3A_272 = vector.broadcast %gt3A_271 : f32 to vector<16xf32>
        %gt3A_273 = arith.cmpf ogt, %add3A_270, %gt3A_272 : vector<16xf32>
        %mul3A_274 = arith.constant 2.000000e-01 : f32
        %mul3A_275 = vector.broadcast %mul3A_274 : f32 to vector<16xf32>
        %mul3A_276 = arith.mulf %mul3A_275, %add3A_270 : vector<16xf32>
        %select_n3A_277 = arith.select %gt3A_273, %add3A_270, %mul3A_276 : vector<16xi1>, vector<16xf32>
        %exp3A_278 = math.exp %select_n3A_277 : vector<16xf32>
        %swap3A_279 = arith.index_cast %scan3A_261 : i32 to index
        %swap3A_280 = arith.constant 128 : index
        %swap3A_281 = tpu.vector_load %arg9[%swap3A_279, %swap3A_280] {strides = array<i32>} : memref<128x144xf32, #tpu.memory_space<vmem>>, vector<1x16xf32>,
        %swap3A_282 = vector.shape_cast %swap3A_281 : vector<1x16xf32> to vector<16xf32>
        %swap3A_283 = vector.shape_cast %exp3A_278 : vector<16xf32> to vector<1x16xf32>
        tpu.vector_store %arg9[%swap3A_279, %swap3A_280], %swap3A_283 {strides = array<i32>} : memref<128x144xf32, #tpu.memory_space<vmem>>, vector<1x16xf32>,
        %get3A_284 = arith.index_cast %scan3A_261 : i32 to index
        %get3A_285 = arith.constant 0 : index
        %get3A_286 = tpu.vector_load %arg9[%get3A_284, %get3A_285] {strides = array<i32>} : memref<128x144xf32, #tpu.memory_space<vmem>>, vector<1x16xf32>,
        %get3A_287 = vector.shape_cast %get3A_286 : vector<1x16xf32> to vector<16xf32>
        %mul3A_288 = arith.mulf %get3A_287, %exp3A_278 : vector<16xf32>
        %swap3A_289 = arith.index_cast %scan3A_261 : i32 to index
        %swap3A_290 = arith.constant 0 : index
        %swap3A_291 = tpu.vector_load %arg9[%swap3A_289, %swap3A_290] {strides = array<i32>} : memref<128x144xf32, #tpu.memory_space<vmem>>, vector<1x16xf32>,
        %swap3A_292 = vector.shape_cast %swap3A_291 : vector<1x16xf32> to vector<16xf32>
        %swap3A_293 = vector.shape_cast %mul3A_288 : vector<16xf32> to vector<1x16xf32>
        tpu.vector_store %arg9[%swap3A_289, %swap3A_290], %swap3A_293 {strides = array<i32>} : memref<128x144xf32, #tpu.memory_space<vmem>>, vector<1x16xf32>,
        %get3A_294 = arith.index_cast %scan3A_261 : i32 to index
        %get3A_295 = arith.constant 16 : index
        %get3A_296 = tpu.vector_load %arg9[%get3A_294, %get3A_295] {strides = array<i32>} : memref<128x144xf32, #tpu.memory_space<vmem>>, vector<1x16xf32>,
        %get3A_297 = vector.shape_cast %get3A_296 : vector<1x16xf32> to vector<16xf32>
        %mul3A_298 = arith.mulf %get3A_297, %exp3A_278 : vector<16xf32>
        %swap3A_299 = arith.index_cast %scan3A_261 : i32 to index
        %swap3A_300 = arith.constant 16 : index
        %swap3A_301 = tpu.vector_load %arg9[%swap3A_299, %swap3A_300] {strides = array<i32>} : memref<128x144xf32, #tpu.memory_space<vmem>>, vector<1x16xf32>,
        %swap3A_302 = vector.shape_cast %swap3A_301 : vector<1x16xf32> to vector<16xf32>
        %swap3A_303 = vector.shape_cast %mul3A_298 : vector<16xf32> to vector<1x16xf32>
        tpu.vector_store %arg9[%swap3A_299, %swap3A_300], %swap3A_303 {strides = array<i32>} : memref<128x144xf32, #tpu.memory_space<vmem>>, vector<1x16xf32>,
        %get3A_304 = arith.index_cast %scan3A_261 : i32 to index
        %get3A_305 = arith.constant 32 : index
        %get3A_306 = tpu.vector_load %arg9[%get3A_304, %get3A_305] {strides = array<i32>} : memref<128x144xf32, #tpu.memory_space<vmem>>, vector<1x16xf32>,
        %get3A_307 = vector.shape_cast %get3A_306 : vector<1x16xf32> to vector<16xf32>
        %mul3A_308 = arith.mulf %get3A_307, %exp3A_278 : vector<16xf32>
        %swap3A_309 = arith.index_cast %scan3A_261 : i32 to index
        %swap3A_310 = arith.constant 32 : index
        %swap3A_311 = tpu.vector_load %arg9[%swap3A_309, %swap3A_310] {strides = array<i32>} : memref<128x144xf32, #tpu.memory_space<vmem>>, vector<1x16xf32>,
        %swap3A_312 = vector.shape_cast %swap3A_311 : vector<1x16xf32> to vector<16xf32>
        %swap3A_313 = vector.shape_cast %mul3A_308 : vector<16xf32> to vector<1x16xf32>
        tpu.vector_store %arg9[%swap3A_309, %swap3A_310], %swap3A_313 {strides = array<i32>} : memref<128x144xf32, #tpu.memory_space<vmem>>, vector<1x16xf32>,
        %get3A_314 = arith.index_cast %scan3A_261 : i32 to index
        %get3A_315 = arith.constant 48 : index
        %get3A_316 = tpu.vector_load %arg9[%get3A_314, %get3A_315] {strides = array<i32>} : memref<128x144xf32, #tpu.memory_space<vmem>>, vector<1x16xf32>,
        %get3A_317 = vector.shape_cast %get3A_316 : vector<1x16xf32> to vector<16xf32>
        %mul3A_318 = arith.mulf %get3A_317, %exp3A_278 : vector<16xf32>
        %swap3A_319 = arith.index_cast %scan3A_261 : i32 to index
        %swap3A_320 = arith.constant 48 : index
        %swap3A_321 = tpu.vector_load %arg9[%swap3A_319, %swap3A_320] {strides = array<i32>} : memref<128x144xf32, #tpu.memory_space<vmem>>, vector<1x16xf32>,
        %swap3A_322 = vector.shape_cast %swap3A_321 : vector<1x16xf32> to vector<16xf32>
        %swap3A_323 = vector.shape_cast %mul3A_318 : vector<16xf32> to vector<1x16xf32>
        tpu.vector_store %arg9[%swap3A_319, %swap3A_320], %swap3A_323 {strides = array<i32>} : memref<128x144xf32, #tpu.memory_space<vmem>>, vector<1x16xf32>,
        %get3A_324 = arith.index_cast %scan3A_261 : i32 to index
        %get3A_325 = arith.constant 64 : index
        %get3A_326 = tpu.vector_load %arg9[%get3A_324, %get3A_325] {strides = array<i32>} : memref<128x144xf32, #tpu.memory_space<vmem>>, vector<1x16xf32>,
        %get3A_327 = vector.shape_cast %get3A_326 : vector<1x16xf32> to vector<16xf32>
        %mul3A_328 = arith.mulf %get3A_327, %exp3A_278 : vector<16xf32>
        %swap3A_329 = arith.index_cast %scan3A_261 : i32 to index
        %swap3A_330 = arith.constant 64 : index
        %swap3A_331 = tpu.vector_load %arg9[%swap3A_329, %swap3A_330] {strides = array<i32>} : memref<128x144xf32, #tpu.memory_space<vmem>>, vector<1x16xf32>,
        %swap3A_332 = vector.shape_cast %swap3A_331 : vector<1x16xf32> to vector<16xf32>
        %swap3A_333 = vector.shape_cast %mul3A_328 : vector<16xf32> to vector<1x16xf32>
        tpu.vector_store %arg9[%swap3A_329, %swap3A_330], %swap3A_333 {strides = array<i32>} : memref<128x144xf32, #tpu.memory_space<vmem>>, vector<1x16xf32>,
        %get3A_334 = arith.index_cast %scan3A_261 : i32 to index
        %get3A_335 = arith.constant 80 : index
        %get3A_336 = tpu.vector_load %arg9[%get3A_334, %get3A_335] {strides = array<i32>} : memref<128x144xf32, #tpu.memory_space<vmem>>, vector<1x16xf32>,
        %get3A_337 = vector.shape_cast %get3A_336 : vector<1x16xf32> to vector<16xf32>
        %mul3A_338 = arith.mulf %get3A_337, %exp3A_278 : vector<16xf32>
        %swap3A_339 = arith.index_cast %scan3A_261 : i32 to index
        %swap3A_340 = arith.constant 80 : index
        %swap3A_341 = tpu.vector_load %arg9[%swap3A_339, %swap3A_340] {strides = array<i32>} : memref<128x144xf32, #tpu.memory_space<vmem>>, vector<1x16xf32>,
        %swap3A_342 = vector.shape_cast %swap3A_341 : vector<1x16xf32> to vector<16xf32>
        %swap3A_343 = vector.shape_cast %mul3A_338 : vector<16xf32> to vector<1x16xf32>
        tpu.vector_store %arg9[%swap3A_339, %swap3A_340], %swap3A_343 {strides = array<i32>} : memref<128x144xf32, #tpu.memory_space<vmem>>, vector<1x16xf32>,
        %get3A_344 = arith.index_cast %scan3A_261 : i32 to index
        %get3A_345 = arith.constant 96 : index
        %get3A_346 = tpu.vector_load %arg9[%get3A_344, %get3A_345] {strides = array<i32>} : memref<128x144xf32, #tpu.memory_space<vmem>>, vector<1x16xf32>,
        %get3A_347 = vector.shape_cast %get3A_346 : vector<1x16xf32> to vector<16xf32>
        %mul3A_348 = arith.mulf %get3A_347, %exp3A_278 : vector<16xf32>
        %swap3A_349 = arith.index_cast %scan3A_261 : i32 to index
        %swap3A_350 = arith.constant 96 : index
        %swap3A_351 = tpu.vector_load %arg9[%swap3A_349, %swap3A_350] {strides = array<i32>} : memref<128x144xf32, #tpu.memory_space<vmem>>, vector<1x16xf32>,
        %swap3A_352 = vector.shape_cast %swap3A_351 : vector<1x16xf32> to vector<16xf32>
        %swap3A_353 = vector.shape_cast %mul3A_348 : vector<16xf32> to vector<1x16xf32>
        tpu.vector_store %arg9[%swap3A_349, %swap3A_350], %swap3A_353 {strides = array<i32>} : memref<128x144xf32, #tpu.memory_space<vmem>>, vector<1x16xf32>,
        %get3A_354 = arith.index_cast %scan3A_261 : i32 to index
        %get3A_355 = arith.constant 112 : index
        %get3A_356 = tpu.vector_load %arg9[%get3A_354, %get3A_355] {strides = array<i32>} : memref<128x144xf32, #tpu.memory_space<vmem>>, vector<1x16xf32>,
        %get3A_357 = vector.shape_cast %get3A_356 : vector<1x16xf32> to vector<16xf32>
        %mul3A_358 = arith.mulf %get3A_357, %exp3A_278 : vector<16xf32>
        %swap3A_359 = arith.index_cast %scan3A_261 : i32 to index
        %swap3A_360 = arith.constant 112 : index
        %swap3A_361 = tpu.vector_load %arg9[%swap3A_359, %swap3A_360] {strides = array<i32>} : memref<128x144xf32, #tpu.memory_space<vmem>>, vector<1x16xf32>,
        %swap3A_362 = vector.shape_cast %swap3A_361 : vector<1x16xf32> to vector<16xf32>
        %swap3A_363 = vector.shape_cast %mul3A_358 : vector<16xf32> to vector<1x16xf32>
        tpu.vector_store %arg9[%swap3A_359, %swap3A_360], %swap3A_363 {strides = array<i32>} : memref<128x144xf32, #tpu.memory_space<vmem>>, vector<1x16xf32>,
        %scan3A_364 = arith.constant 3 : i32
        %scan3A_365 = arith.addi %scan3A_57, %scan3A_364 : i32
        %get3A_366 = arith.index_cast %scan3A_365 : i32 to index
        %get3A_367 = arith.constant 128 : index
        %get3A_368 = tpu.vector_load %arg9[%get3A_366, %get3A_367] {strides = array<i32>} : memref<128x144xf32, #tpu.memory_space<vmem>>, vector<1x16xf32>,
        %get3A_369 = vector.shape_cast %get3A_368 : vector<1x16xf32> to vector<16xf32>
        %get3A_370 = arith.index_cast %scan3A_365 : i32 to index
        %get3A_371 = arith.constant 0 : index
        %get3A_372 = tpu.vector_load %arg10[%get3A_370, %get3A_371] {strides = array<i32>} : memref<128x16xf32, #tpu.memory_space<vmem>>, vector<1x16xf32>,
        %get3A_373 = vector.shape_cast %get3A_372 : vector<1x16xf32> to vector<16xf32>
        %add3A_374 = arith.addf %get3A_369, %get3A_373 : vector<16xf32>
        %gt3A_375 = arith.constant 0.000000e+00 : f32
        %gt3A_376 = vector.broadcast %gt3A_375 : f32 to vector<16xf32>
        %gt3A_377 = arith.cmpf ogt, %add3A_374, %gt3A_376 : vector<16xf32>
        %mul3A_378 = arith.constant 2.000000e-01 : f32
        %mul3A_379 = vector.broadcast %mul3A_378 : f32 to vector<16xf32>
        %mul3A_380 = arith.mulf %mul3A_379, %add3A_374 : vector<16xf32>
        %select_n3A_381 = arith.select %gt3A_377, %add3A_374, %mul3A_380 : vector<16xi1>, vector<16xf32>
        %exp3A_382 = math.exp %select_n3A_381 : vector<16xf32>
        %swap3A_383 = arith.index_cast %scan3A_365 : i32 to index
        %swap3A_384 = arith.constant 128 : index
        %swap3A_385 = tpu.vector_load %arg9[%swap3A_383, %swap3A_384] {strides = array<i32>} : memref<128x144xf32, #tpu.memory_space<vmem>>, vector<1x16xf32>,
        %swap3A_386 = vector.shape_cast %swap3A_385 : vector<1x16xf32> to vector<16xf32>
        %swap3A_387 = vector.shape_cast %exp3A_382 : vector<16xf32> to vector<1x16xf32>
        tpu.vector_store %arg9[%swap3A_383, %swap3A_384], %swap3A_387 {strides = array<i32>} : memref<128x144xf32, #tpu.memory_space<vmem>>, vector<1x16xf32>,
        %get3A_388 = arith.index_cast %scan3A_365 : i32 to index
        %get3A_389 = arith.constant 0 : index
        %get3A_390 = tpu.vector_load %arg9[%get3A_388, %get3A_389] {strides = array<i32>} : memref<128x144xf32, #tpu.memory_space<vmem>>, vector<1x16xf32>,
        %get3A_391 = vector.shape_cast %get3A_390 : vector<1x16xf32> to vector<16xf32>
        %mul3A_392 = arith.mulf %get3A_391, %exp3A_382 : vector<16xf32>
        %swap3A_393 = arith.index_cast %scan3A_365 : i32 to index
        %swap3A_394 = arith.constant 0 : index
        %swap3A_395 = tpu.vector_load %arg9[%swap3A_393, %swap3A_394] {strides = array<i32>} : memref<128x144xf32, #tpu.memory_space<vmem>>, vector<1x16xf32>,
        %swap3A_396 = vector.shape_cast %swap3A_395 : vector<1x16xf32> to vector<16xf32>
        %swap3A_397 = vector.shape_cast %mul3A_392 : vector<16xf32> to vector<1x16xf32>
        tpu.vector_store %arg9[%swap3A_393, %swap3A_394], %swap3A_397 {strides = array<i32>} : memref<128x144xf32, #tpu.memory_space<vmem>>, vector<1x16xf32>,
        %get3A_398 = arith.index_cast %scan3A_365 : i32 to index
        %get3A_399 = arith.constant 16 : index
        %get3A_400 = tpu.vector_load %arg9[%get3A_398, %get3A_399] {strides = array<i32>} : memref<128x144xf32, #tpu.memory_space<vmem>>, vector<1x16xf32>,
        %get3A_401 = vector.shape_cast %get3A_400 : vector<1x16xf32> to vector<16xf32>
        %mul3A_402 = arith.mulf %get3A_401, %exp3A_382 : vector<16xf32>
        %swap3A_403 = arith.index_cast %scan3A_365 : i32 to index
        %swap3A_404 = arith.constant 16 : index
        %swap3A_405 = tpu.vector_load %arg9[%swap3A_403, %swap3A_404] {strides = array<i32>} : memref<128x144xf32, #tpu.memory_space<vmem>>, vector<1x16xf32>,
        %swap3A_406 = vector.shape_cast %swap3A_405 : vector<1x16xf32> to vector<16xf32>
        %swap3A_407 = vector.shape_cast %mul3A_402 : vector<16xf32> to vector<1x16xf32>
        tpu.vector_store %arg9[%swap3A_403, %swap3A_404], %swap3A_407 {strides = array<i32>} : memref<128x144xf32, #tpu.memory_space<vmem>>, vector<1x16xf32>,
        %get3A_408 = arith.index_cast %scan3A_365 : i32 to index
        %get3A_409 = arith.constant 32 : index
        %get3A_410 = tpu.vector_load %arg9[%get3A_408, %get3A_409] {strides = array<i32>} : memref<128x144xf32, #tpu.memory_space<vmem>>, vector<1x16xf32>,
        %get3A_411 = vector.shape_cast %get3A_410 : vector<1x16xf32> to vector<16xf32>
        %mul3A_412 = arith.mulf %get3A_411, %exp3A_382 : vector<16xf32>
        %swap3A_413 = arith.index_cast %scan3A_365 : i32 to index
        %swap3A_414 = arith.constant 32 : index
        %swap3A_415 = tpu.vector_load %arg9[%swap3A_413, %swap3A_414] {strides = array<i32>} : memref<128x144xf32, #tpu.memory_space<vmem>>, vector<1x16xf32>,
        %swap3A_416 = vector.shape_cast %swap3A_415 : vector<1x16xf32> to vector<16xf32>
        %swap3A_417 = vector.shape_cast %mul3A_412 : vector<16xf32> to vector<1x16xf32>
        tpu.vector_store %arg9[%swap3A_413, %swap3A_414], %swap3A_417 {strides = array<i32>} : memref<128x144xf32, #tpu.memory_space<vmem>>, vector<1x16xf32>,
        %get3A_418 = arith.index_cast %scan3A_365 : i32 to index
        %get3A_419 = arith.constant 48 : index
        %get3A_420 = tpu.vector_load %arg9[%get3A_418, %get3A_419] {strides = array<i32>} : memref<128x144xf32, #tpu.memory_space<vmem>>, vector<1x16xf32>,
        %get3A_421 = vector.shape_cast %get3A_420 : vector<1x16xf32> to vector<16xf32>
        %mul3A_422 = arith.mulf %get3A_421, %exp3A_382 : vector<16xf32>
        %swap3A_423 = arith.index_cast %scan3A_365 : i32 to index
        %swap3A_424 = arith.constant 48 : index
        %swap3A_425 = tpu.vector_load %arg9[%swap3A_423, %swap3A_424] {strides = array<i32>} : memref<128x144xf32, #tpu.memory_space<vmem>>, vector<1x16xf32>,
        %swap3A_426 = vector.shape_cast %swap3A_425 : vector<1x16xf32> to vector<16xf32>
        %swap3A_427 = vector.shape_cast %mul3A_422 : vector<16xf32> to vector<1x16xf32>
        tpu.vector_store %arg9[%swap3A_423, %swap3A_424], %swap3A_427 {strides = array<i32>} : memref<128x144xf32, #tpu.memory_space<vmem>>, vector<1x16xf32>,
        %get3A_428 = arith.index_cast %scan3A_365 : i32 to index
        %get3A_429 = arith.constant 64 : index
        %get3A_430 = tpu.vector_load %arg9[%get3A_428, %get3A_429] {strides = array<i32>} : memref<128x144xf32, #tpu.memory_space<vmem>>, vector<1x16xf32>,
        %get3A_431 = vector.shape_cast %get3A_430 : vector<1x16xf32> to vector<16xf32>
        %mul3A_432 = arith.mulf %get3A_431, %exp3A_382 : vector<16xf32>
        %swap3A_433 = arith.index_cast %scan3A_365 : i32 to index
        %swap3A_434 = arith.constant 64 : index
        %swap3A_435 = tpu.vector_load %arg9[%swap3A_433, %swap3A_434] {strides = array<i32>} : memref<128x144xf32, #tpu.memory_space<vmem>>, vector<1x16xf32>,
        %swap3A_436 = vector.shape_cast %swap3A_435 : vector<1x16xf32> to vector<16xf32>
        %swap3A_437 = vector.shape_cast %mul3A_432 : vector<16xf32> to vector<1x16xf32>
        tpu.vector_store %arg9[%swap3A_433, %swap3A_434], %swap3A_437 {strides = array<i32>} : memref<128x144xf32, #tpu.memory_space<vmem>>, vector<1x16xf32>,
        %get3A_438 = arith.index_cast %scan3A_365 : i32 to index
        %get3A_439 = arith.constant 80 : index
        %get3A_440 = tpu.vector_load %arg9[%get3A_438, %get3A_439] {strides = array<i32>} : memref<128x144xf32, #tpu.memory_space<vmem>>, vector<1x16xf32>,
        %get3A_441 = vector.shape_cast %get3A_440 : vector<1x16xf32> to vector<16xf32>
        %mul3A_442 = arith.mulf %get3A_441, %exp3A_382 : vector<16xf32>
        %swap3A_443 = arith.index_cast %scan3A_365 : i32 to index
        %swap3A_444 = arith.constant 80 : index
        %swap3A_445 = tpu.vector_load %arg9[%swap3A_443, %swap3A_444] {strides = array<i32>} : memref<128x144xf32, #tpu.memory_space<vmem>>, vector<1x16xf32>,
        %swap3A_446 = vector.shape_cast %swap3A_445 : vector<1x16xf32> to vector<16xf32>
        %swap3A_447 = vector.shape_cast %mul3A_442 : vector<16xf32> to vector<1x16xf32>
        tpu.vector_store %arg9[%swap3A_443, %swap3A_444], %swap3A_447 {strides = array<i32>} : memref<128x144xf32, #tpu.memory_space<vmem>>, vector<1x16xf32>,
        %get3A_448 = arith.index_cast %scan3A_365 : i32 to index
        %get3A_449 = arith.constant 96 : index
        %get3A_450 = tpu.vector_load %arg9[%get3A_448, %get3A_449] {strides = array<i32>} : memref<128x144xf32, #tpu.memory_space<vmem>>, vector<1x16xf32>,
        %get3A_451 = vector.shape_cast %get3A_450 : vector<1x16xf32> to vector<16xf32>
        %mul3A_452 = arith.mulf %get3A_451, %exp3A_382 : vector<16xf32>
        %swap3A_453 = arith.index_cast %scan3A_365 : i32 to index
        %swap3A_454 = arith.constant 96 : index
        %swap3A_455 = tpu.vector_load %arg9[%swap3A_453, %swap3A_454] {strides = array<i32>} : memref<128x144xf32, #tpu.memory_space<vmem>>, vector<1x16xf32>,
        %swap3A_456 = vector.shape_cast %swap3A_455 : vector<1x16xf32> to vector<16xf32>
        %swap3A_457 = vector.shape_cast %mul3A_452 : vector<16xf32> to vector<1x16xf32>
        tpu.vector_store %arg9[%swap3A_453, %swap3A_454], %swap3A_457 {strides = array<i32>} : memref<128x144xf32, #tpu.memory_space<vmem>>, vector<1x16xf32>,
        %get3A_458 = arith.index_cast %scan3A_365 : i32 to index
        %get3A_459 = arith.constant 112 : index
        %get3A_460 = tpu.vector_load %arg9[%get3A_458, %get3A_459] {strides = array<i32>} : memref<128x144xf32, #tpu.memory_space<vmem>>, vector<1x16xf32>,
        %get3A_461 = vector.shape_cast %get3A_460 : vector<1x16xf32> to vector<16xf32>
        %mul3A_462 = arith.mulf %get3A_461, %exp3A_382 : vector<16xf32>
        %swap3A_463 = arith.index_cast %scan3A_365 : i32 to index
        %swap3A_464 = arith.constant 112 : index
        %swap3A_465 = tpu.vector_load %arg9[%swap3A_463, %swap3A_464] {strides = array<i32>} : memref<128x144xf32, #tpu.memory_space<vmem>>, vector<1x16xf32>,
        %swap3A_466 = vector.shape_cast %swap3A_465 : vector<1x16xf32> to vector<16xf32>
        %swap3A_467 = vector.shape_cast %mul3A_462 : vector<16xf32> to vector<1x16xf32>
        tpu.vector_store %arg9[%swap3A_463, %swap3A_464], %swap3A_467 {strides = array<i32>} : memref<128x144xf32, #tpu.memory_space<vmem>>, vector<1x16xf32>,
      }
      %scan3A_56 = arith.constant 128 : i32
      "tpu.region"() ({
        %run_scoped3A_57 = tpu.sem_alloc : memref<!tpu.dma_semaphore, #tpu.memory_space<semaphore_mem>>
        %dma_start3A_58 = arith.constant 0 : i32
        %dma_start3A_59 = arith.constant 0 : i32
        %dma_start3A_60 = tpu.memref_slice %arg11[%dma_start3A_58, %dma_start3A_59] : memref<10112x144xf32, #tpu.memory_space<vmem_shared>> -> memref<10112x144xf32, #tpu.memory_space<vmem_shared>>
        tpu.enqueue_indirect_dma source(%arg9 : memref<128x144xf32, #tpu.memory_space<vmem>>) target(%dma_start3A_60 : memref<10112x144xf32, #tpu.memory_space<vmem_shared>>) offsets(%arg8 : memref<128xi32, #tpu.memory_space<vmem>>) semaphore(%run_scoped3A_57 : memref<!tpu.dma_semaphore, #tpu.memory_space<semaphore_mem>>) {add = true}
        %dma_wait3A_61 = arith.constant 0 : i32
        %dma_wait3A_62 = arith.constant 0 : i32
        %dma_wait3A_63 = tpu.memref_slice %arg11[%dma_wait3A_61, %dma_wait3A_62] : memref<10112x144xf32, #tpu.memory_space<vmem_shared>> -> memref<10112x144xf32, #tpu.memory_space<vmem_shared>>
        tpu.wait_indirect_dma semaphore(%run_scoped3A_57 : memref<!tpu.dma_semaphore, #tpu.memory_space<semaphore_mem>>) src(%arg9 : memref<128x144xf32, #tpu.memory_space<vmem>>) dst(%dma_wait3A_63 : memref<10112x144xf32, #tpu.memory_space<vmem_shared>>)
        tpu.yield
      }) : () -> ()
    }
    %while3A_29 = arith.constant 1 : i32
    scf.for %while3A_35 = %while3A_27 to %while3A_23 step %while3A_29  : i32 {
      %mul3A_36 = arith.constant 32 : i32
      %mul3A_37 = arith.muli %while3A_35, %mul3A_36 : i32
      %add3A_38 = arith.addi %mul3A_37, %add3A : i32
      %mul3A_39 = arith.constant 128 : i32
      %mul3A_40 = arith.muli %add3A_38, %mul3A_39 : i32
      %run_scoped3A = arith.constant 0 : i32
      "tpu.region"() ({
        %run_scoped3A_57 = tpu.sem_alloc : memref<!tpu.dma_semaphore, #tpu.memory_space<semaphore_mem>>
        %dma_start3A_58 = tpu.memref_slice %arg4[%run_scoped3A, %mul3A_40] : memref<2x320000xi32, #tpu.memory_space<hbm>> -> memref<1x128xi32, #tpu.memory_space<hbm>>
        %dma_start3A_59 = tpu.memref_squeeze %dma_start3A_58 : memref<1x128xi32, #tpu.memory_space<hbm>> -> memref<128xi32, #tpu.memory_space<hbm>>
        %dma_start3A_60 = tpu.memref_slice %arg4[%run_scoped3A, %mul3A_40] : memref<2x320000xi32, #tpu.memory_space<hbm>> -> memref<1x128xi32, #tpu.memory_space<hbm>>
        %dma_start3A_61 = tpu.memref_squeeze %dma_start3A_60 : memref<1x128xi32, #tpu.memory_space<hbm>> -> memref<128xi32, #tpu.memory_space<hbm>>
        tpu.enqueue_dma source(%dma_start3A_61 : memref<128xi32, #tpu.memory_space<hbm>>) target(%arg7 : memref<128xi32, #tpu.memory_space<vmem>>) target_semaphore(%run_scoped3A_57 : memref<!tpu.dma_semaphore, #tpu.memory_space<semaphore_mem>>)
        %dma_wait3A_62 = tpu.memref_slice %arg4[%run_scoped3A, %mul3A_40] : memref<2x320000xi32, #tpu.memory_space<hbm>> -> memref<1x128xi32, #tpu.memory_space<hbm>>
        %dma_wait3A_63 = tpu.memref_squeeze %dma_wait3A_62 : memref<1x128xi32, #tpu.memory_space<hbm>> -> memref<128xi32, #tpu.memory_space<hbm>>
        %dma_wait3A_64 = tpu.memref_slice %arg4[%run_scoped3A, %mul3A_40] : memref<2x320000xi32, #tpu.memory_space<hbm>> -> memref<1x128xi32, #tpu.memory_space<hbm>>
        %dma_wait3A_65 = tpu.memref_squeeze %dma_wait3A_64 : memref<1x128xi32, #tpu.memory_space<hbm>> -> memref<128xi32, #tpu.memory_space<hbm>>
        tpu.wait_dma2 semaphore(%run_scoped3A_57 : memref<!tpu.dma_semaphore, #tpu.memory_space<semaphore_mem>>) src(%dma_wait3A_65 : memref<128xi32, #tpu.memory_space<hbm>>) dst(%arg7 : memref<128xi32, #tpu.memory_space<vmem>>)
        tpu.yield
      }) : () -> ()
      %run_scoped3A_41 = arith.constant 1 : i32
      "tpu.region"() ({
        %run_scoped3A_57 = tpu.sem_alloc : memref<!tpu.dma_semaphore, #tpu.memory_space<semaphore_mem>>
        %dma_start3A_58 = tpu.memref_slice %arg4[%run_scoped3A_41, %mul3A_40] : memref<2x320000xi32, #tpu.memory_space<hbm>> -> memref<1x128xi32, #tpu.memory_space<hbm>>
        %dma_start3A_59 = tpu.memref_squeeze %dma_start3A_58 : memref<1x128xi32, #tpu.memory_space<hbm>> -> memref<128xi32, #tpu.memory_space<hbm>>
        %dma_start3A_60 = tpu.memref_slice %arg4[%run_scoped3A_41, %mul3A_40] : memref<2x320000xi32, #tpu.memory_space<hbm>> -> memref<1x128xi32, #tpu.memory_space<hbm>>
        %dma_start3A_61 = tpu.memref_squeeze %dma_start3A_60 : memref<1x128xi32, #tpu.memory_space<hbm>> -> memref<128xi32, #tpu.memory_space<hbm>>
        tpu.enqueue_dma source(%dma_start3A_61 : memref<128xi32, #tpu.memory_space<hbm>>) target(%arg8 : memref<128xi32, #tpu.memory_space<vmem>>) target_semaphore(%run_scoped3A_57 : memref<!tpu.dma_semaphore, #tpu.memory_space<semaphore_mem>>)
        %dma_wait3A_62 = tpu.memref_slice %arg4[%run_scoped3A_41, %mul3A_40] : memref<2x320000xi32, #tpu.memory_space<hbm>> -> memref<1x128xi32, #tpu.memory_space<hbm>>
        %dma_wait3A_63 = tpu.memref_squeeze %dma_wait3A_62 : memref<1x128xi32, #tpu.memory_space<hbm>> -> memref<128xi32, #tpu.memory_space<hbm>>
        %dma_wait3A_64 = tpu.memref_slice %arg4[%run_scoped3A_41, %mul3A_40] : memref<2x320000xi32, #tpu.memory_space<hbm>> -> memref<1x128xi32, #tpu.memory_space<hbm>>
        %dma_wait3A_65 = tpu.memref_squeeze %dma_wait3A_64 : memref<1x128xi32, #tpu.memory_space<hbm>> -> memref<128xi32, #tpu.memory_space<hbm>>
        tpu.wait_dma2 semaphore(%run_scoped3A_57 : memref<!tpu.dma_semaphore, #tpu.memory_space<semaphore_mem>>) src(%dma_wait3A_65 : memref<128xi32, #tpu.memory_space<hbm>>) dst(%arg8 : memref<128xi32, #tpu.memory_space<vmem>>)
        tpu.yield
      }) : () -> ()
      %dma_start3A = arith.constant 0 : i32
      %dma_start3A_42 = arith.constant 0 : i32
      %dma_start3A_43 = tpu.memref_slice %arg2[%dma_start3A, %dma_start3A_42] : memref<10000x144xf32, #tpu.memory_space<hbm>> -> memref<10000x144xf32, #tpu.memory_space<hbm>>
      tpu.enqueue_indirect_dma source(%dma_start3A_43 : memref<10000x144xf32, #tpu.memory_space<hbm>>) target(%arg9 : memref<128x144xf32, #tpu.memory_space<vmem>>) offsets(%arg7 : memref<128xi32, #tpu.memory_space<vmem>>) semaphore(%arg12 : memref<!tpu.dma_semaphore, #tpu.memory_space<semaphore_mem>>)
      %dma_start3A_44 = arith.constant 0 : i32
      %dma_start3A_45 = arith.constant 0 : i32
      %dma_start3A_46 = tpu.memref_slice %arg3[%dma_start3A_44, %dma_start3A_45] : memref<10000x16xf32, #tpu.memory_space<hbm>> -> memref<10000x16xf32, #tpu.memory_space<hbm>>
      tpu.enqueue_indirect_dma source(%dma_start3A_46 : memref<10000x16xf32, #tpu.memory_space<hbm>>) target(%arg10 : memref<128x16xf32, #tpu.memory_space<vmem>>) offsets(%arg8 : memref<128xi32, #tpu.memory_space<vmem>>) semaphore(%arg13 : memref<!tpu.dma_semaphore, #tpu.memory_space<semaphore_mem>>)
      %dma_wait3A = arith.constant 0 : i32
      %dma_wait3A_47 = arith.constant 0 : i32
      %dma_wait3A_48 = tpu.memref_slice %arg2[%dma_wait3A, %dma_wait3A_47] : memref<10000x144xf32, #tpu.memory_space<hbm>> -> memref<10000x144xf32, #tpu.memory_space<hbm>>
      tpu.wait_indirect_dma semaphore(%arg12 : memref<!tpu.dma_semaphore, #tpu.memory_space<semaphore_mem>>) src(%dma_wait3A_48 : memref<10000x144xf32, #tpu.memory_space<hbm>>) dst(%arg9 : memref<128x144xf32, #tpu.memory_space<vmem>>)
      %dma_wait3A_49 = arith.constant 0 : i32
      %dma_wait3A_50 = arith.constant 0 : i32
      %dma_wait3A_51 = tpu.memref_slice %arg3[%dma_wait3A_49, %dma_wait3A_50] : memref<10000x16xf32, #tpu.memory_space<hbm>> -> memref<10000x16xf32, #tpu.memory_space<hbm>>
      tpu.wait_indirect_dma semaphore(%arg13 : memref<!tpu.dma_semaphore, #tpu.memory_space<semaphore_mem>>) src(%dma_wait3A_51 : memref<10000x16xf32, #tpu.memory_space<hbm>>) dst(%arg10 : memref<128x16xf32, #tpu.memory_space<vmem>>)
      %scan3A = arith.constant 0 : i32
      %scan3A_52 = arith.constant 0 : i32
      %scan3A_53 = arith.constant 128 : i32
      %scan3A_54 = arith.addi %scan3A_52, %scan3A_53 : i32
      %scan3A_55 = arith.constant 4 : i32
      scf.for %scan3A_57 = %scan3A_52 to %scan3A_54 step %scan3A_55  : i32 {
        %get3A = arith.index_cast %scan3A_57 : i32 to index
        %get3A_58 = arith.constant 128 : index
        %get3A_59 = tpu.vector_load %arg9[%get3A, %get3A_58] {strides = array<i32>} : memref<128x144xf32, #tpu.memory_space<vmem>>, vector<1x16xf32>,
        %get3A_60 = vector.shape_cast %get3A_59 : vector<1x16xf32> to vector<16xf32>
        %get3A_61 = arith.index_cast %scan3A_57 : i32 to index
        %get3A_62 = arith.constant 0 : index
        %get3A_63 = tpu.vector_load %arg10[%get3A_61, %get3A_62] {strides = array<i32>} : memref<128x16xf32, #tpu.memory_space<vmem>>, vector<1x16xf32>,
        %get3A_64 = vector.shape_cast %get3A_63 : vector<1x16xf32> to vector<16xf32>
        %add3A_65 = arith.addf %get3A_60, %get3A_64 : vector<16xf32>
        %gt3A = arith.constant 0.000000e+00 : f32
        %gt3A_66 = vector.broadcast %gt3A : f32 to vector<16xf32>
        %gt3A_67 = arith.cmpf ogt, %add3A_65, %gt3A_66 : vector<16xf32>
        %mul3A_68 = arith.constant 2.000000e-01 : f32
        %mul3A_69 = vector.broadcast %mul3A_68 : f32 to vector<16xf32>
        %mul3A_70 = arith.mulf %mul3A_69, %add3A_65 : vector<16xf32>
        %select_n3A_71 = arith.select %gt3A_67, %add3A_65, %mul3A_70 : vector<16xi1>, vector<16xf32>
        %exp3A = math.exp %select_n3A_71 : vector<16xf32>
        %swap3A = arith.index_cast %scan3A_57 : i32 to index
        %swap3A_72 = arith.constant 128 : index
        %swap3A_73 = tpu.vector_load %arg9[%swap3A, %swap3A_72] {strides = array<i32>} : memref<128x144xf32, #tpu.memory_space<vmem>>, vector<1x16xf32>,
        %swap3A_74 = vector.shape_cast %swap3A_73 : vector<1x16xf32> to vector<16xf32>
        %swap3A_75 = vector.shape_cast %exp3A : vector<16xf32> to vector<1x16xf32>
        tpu.vector_store %arg9[%swap3A, %swap3A_72], %swap3A_75 {strides = array<i32>} : memref<128x144xf32, #tpu.memory_space<vmem>>, vector<1x16xf32>,
        %get3A_76 = arith.index_cast %scan3A_57 : i32 to index
        %get3A_77 = arith.constant 0 : index
        %get3A_78 = tpu.vector_load %arg9[%get3A_76, %get3A_77] {strides = array<i32>} : memref<128x144xf32, #tpu.memory_space<vmem>>, vector<1x16xf32>,
        %get3A_79 = vector.shape_cast %get3A_78 : vector<1x16xf32> to vector<16xf32>
        %mul3A_80 = arith.mulf %get3A_79, %exp3A : vector<16xf32>
        %swap3A_81 = arith.index_cast %scan3A_57 : i32 to index
        %swap3A_82 = arith.constant 0 : index
        %swap3A_83 = tpu.vector_load %arg9[%swap3A_81, %swap3A_82] {strides = array<i32>} : memref<128x144xf32, #tpu.memory_space<vmem>>, vector<1x16xf32>,
        %swap3A_84 = vector.shape_cast %swap3A_83 : vector<1x16xf32> to vector<16xf32>
        %swap3A_85 = vector.shape_cast %mul3A_80 : vector<16xf32> to vector<1x16xf32>
        tpu.vector_store %arg9[%swap3A_81, %swap3A_82], %swap3A_85 {strides = array<i32>} : memref<128x144xf32, #tpu.memory_space<vmem>>, vector<1x16xf32>,
        %get3A_86 = arith.index_cast %scan3A_57 : i32 to index
        %get3A_87 = arith.constant 16 : index
        %get3A_88 = tpu.vector_load %arg9[%get3A_86, %get3A_87] {strides = array<i32>} : memref<128x144xf32, #tpu.memory_space<vmem>>, vector<1x16xf32>,
        %get3A_89 = vector.shape_cast %get3A_88 : vector<1x16xf32> to vector<16xf32>
        %mul3A_90 = arith.mulf %get3A_89, %exp3A : vector<16xf32>
        %swap3A_91 = arith.index_cast %scan3A_57 : i32 to index
        %swap3A_92 = arith.constant 16 : index
        %swap3A_93 = tpu.vector_load %arg9[%swap3A_91, %swap3A_92] {strides = array<i32>} : memref<128x144xf32, #tpu.memory_space<vmem>>, vector<1x16xf32>,
        %swap3A_94 = vector.shape_cast %swap3A_93 : vector<1x16xf32> to vector<16xf32>
        %swap3A_95 = vector.shape_cast %mul3A_90 : vector<16xf32> to vector<1x16xf32>
        tpu.vector_store %arg9[%swap3A_91, %swap3A_92], %swap3A_95 {strides = array<i32>} : memref<128x144xf32, #tpu.memory_space<vmem>>, vector<1x16xf32>,
        %get3A_96 = arith.index_cast %scan3A_57 : i32 to index
        %get3A_97 = arith.constant 32 : index
        %get3A_98 = tpu.vector_load %arg9[%get3A_96, %get3A_97] {strides = array<i32>} : memref<128x144xf32, #tpu.memory_space<vmem>>, vector<1x16xf32>,
        %get3A_99 = vector.shape_cast %get3A_98 : vector<1x16xf32> to vector<16xf32>
        %mul3A_100 = arith.mulf %get3A_99, %exp3A : vector<16xf32>
        %swap3A_101 = arith.index_cast %scan3A_57 : i32 to index
        %swap3A_102 = arith.constant 32 : index
        %swap3A_103 = tpu.vector_load %arg9[%swap3A_101, %swap3A_102] {strides = array<i32>} : memref<128x144xf32, #tpu.memory_space<vmem>>, vector<1x16xf32>,
        %swap3A_104 = vector.shape_cast %swap3A_103 : vector<1x16xf32> to vector<16xf32>
        %swap3A_105 = vector.shape_cast %mul3A_100 : vector<16xf32> to vector<1x16xf32>
        tpu.vector_store %arg9[%swap3A_101, %swap3A_102], %swap3A_105 {strides = array<i32>} : memref<128x144xf32, #tpu.memory_space<vmem>>, vector<1x16xf32>,
        %get3A_106 = arith.index_cast %scan3A_57 : i32 to index
        %get3A_107 = arith.constant 48 : index
        %get3A_108 = tpu.vector_load %arg9[%get3A_106, %get3A_107] {strides = array<i32>} : memref<128x144xf32, #tpu.memory_space<vmem>>, vector<1x16xf32>,
        %get3A_109 = vector.shape_cast %get3A_108 : vector<1x16xf32> to vector<16xf32>
        %mul3A_110 = arith.mulf %get3A_109, %exp3A : vector<16xf32>
        %swap3A_111 = arith.index_cast %scan3A_57 : i32 to index
        %swap3A_112 = arith.constant 48 : index
        %swap3A_113 = tpu.vector_load %arg9[%swap3A_111, %swap3A_112] {strides = array<i32>} : memref<128x144xf32, #tpu.memory_space<vmem>>, vector<1x16xf32>,
        %swap3A_114 = vector.shape_cast %swap3A_113 : vector<1x16xf32> to vector<16xf32>
        %swap3A_115 = vector.shape_cast %mul3A_110 : vector<16xf32> to vector<1x16xf32>
        tpu.vector_store %arg9[%swap3A_111, %swap3A_112], %swap3A_115 {strides = array<i32>} : memref<128x144xf32, #tpu.memory_space<vmem>>, vector<1x16xf32>,
        %get3A_116 = arith.index_cast %scan3A_57 : i32 to index
        %get3A_117 = arith.constant 64 : index
        %get3A_118 = tpu.vector_load %arg9[%get3A_116, %get3A_117] {strides = array<i32>} : memref<128x144xf32, #tpu.memory_space<vmem>>, vector<1x16xf32>,
        %get3A_119 = vector.shape_cast %get3A_118 : vector<1x16xf32> to vector<16xf32>
        %mul3A_120 = arith.mulf %get3A_119, %exp3A : vector<16xf32>
        %swap3A_121 = arith.index_cast %scan3A_57 : i32 to index
        %swap3A_122 = arith.constant 64 : index
        %swap3A_123 = tpu.vector_load %arg9[%swap3A_121, %swap3A_122] {strides = array<i32>} : memref<128x144xf32, #tpu.memory_space<vmem>>, vector<1x16xf32>,
        %swap3A_124 = vector.shape_cast %swap3A_123 : vector<1x16xf32> to vector<16xf32>
        %swap3A_125 = vector.shape_cast %mul3A_120 : vector<16xf32> to vector<1x16xf32>
        tpu.vector_store %arg9[%swap3A_121, %swap3A_122], %swap3A_125 {strides = array<i32>} : memref<128x144xf32, #tpu.memory_space<vmem>>, vector<1x16xf32>,
        %get3A_126 = arith.index_cast %scan3A_57 : i32 to index
        %get3A_127 = arith.constant 80 : index
        %get3A_128 = tpu.vector_load %arg9[%get3A_126, %get3A_127] {strides = array<i32>} : memref<128x144xf32, #tpu.memory_space<vmem>>, vector<1x16xf32>,
        %get3A_129 = vector.shape_cast %get3A_128 : vector<1x16xf32> to vector<16xf32>
        %mul3A_130 = arith.mulf %get3A_129, %exp3A : vector<16xf32>
        %swap3A_131 = arith.index_cast %scan3A_57 : i32 to index
        %swap3A_132 = arith.constant 80 : index
        %swap3A_133 = tpu.vector_load %arg9[%swap3A_131, %swap3A_132] {strides = array<i32>} : memref<128x144xf32, #tpu.memory_space<vmem>>, vector<1x16xf32>,
        %swap3A_134 = vector.shape_cast %swap3A_133 : vector<1x16xf32> to vector<16xf32>
        %swap3A_135 = vector.shape_cast %mul3A_130 : vector<16xf32> to vector<1x16xf32>
        tpu.vector_store %arg9[%swap3A_131, %swap3A_132], %swap3A_135 {strides = array<i32>} : memref<128x144xf32, #tpu.memory_space<vmem>>, vector<1x16xf32>,
        %get3A_136 = arith.index_cast %scan3A_57 : i32 to index
        %get3A_137 = arith.constant 96 : index
        %get3A_138 = tpu.vector_load %arg9[%get3A_136, %get3A_137] {strides = array<i32>} : memref<128x144xf32, #tpu.memory_space<vmem>>, vector<1x16xf32>,
        %get3A_139 = vector.shape_cast %get3A_138 : vector<1x16xf32> to vector<16xf32>
        %mul3A_140 = arith.mulf %get3A_139, %exp3A : vector<16xf32>
        %swap3A_141 = arith.index_cast %scan3A_57 : i32 to index
        %swap3A_142 = arith.constant 96 : index
        %swap3A_143 = tpu.vector_load %arg9[%swap3A_141, %swap3A_142] {strides = array<i32>} : memref<128x144xf32, #tpu.memory_space<vmem>>, vector<1x16xf32>,
        %swap3A_144 = vector.shape_cast %swap3A_143 : vector<1x16xf32> to vector<16xf32>
        %swap3A_145 = vector.shape_cast %mul3A_140 : vector<16xf32> to vector<1x16xf32>
        tpu.vector_store %arg9[%swap3A_141, %swap3A_142], %swap3A_145 {strides = array<i32>} : memref<128x144xf32, #tpu.memory_space<vmem>>, vector<1x16xf32>,
        %get3A_146 = arith.index_cast %scan3A_57 : i32 to index
        %get3A_147 = arith.constant 112 : index
        %get3A_148 = tpu.vector_load %arg9[%get3A_146, %get3A_147] {strides = array<i32>} : memref<128x144xf32, #tpu.memory_space<vmem>>, vector<1x16xf32>,
        %get3A_149 = vector.shape_cast %get3A_148 : vector<1x16xf32> to vector<16xf32>
        %mul3A_150 = arith.mulf %get3A_149, %exp3A : vector<16xf32>
        %swap3A_151 = arith.index_cast %scan3A_57 : i32 to index
        %swap3A_152 = arith.constant 112 : index
        %swap3A_153 = tpu.vector_load %arg9[%swap3A_151, %swap3A_152] {strides = array<i32>} : memref<128x144xf32, #tpu.memory_space<vmem>>, vector<1x16xf32>,
        %swap3A_154 = vector.shape_cast %swap3A_153 : vector<1x16xf32> to vector<16xf32>
        %swap3A_155 = vector.shape_cast %mul3A_150 : vector<16xf32> to vector<1x16xf32>
        tpu.vector_store %arg9[%swap3A_151, %swap3A_152], %swap3A_155 {strides = array<i32>} : memref<128x144xf32, #tpu.memory_space<vmem>>, vector<1x16xf32>,
        %scan3A_156 = arith.constant 1 : i32
        %scan3A_157 = arith.addi %scan3A_57, %scan3A_156 : i32
        %get3A_158 = arith.index_cast %scan3A_157 : i32 to index
        %get3A_159 = arith.constant 128 : index
        %get3A_160 = tpu.vector_load %arg9[%get3A_158, %get3A_159] {strides = array<i32>} : memref<128x144xf32, #tpu.memory_space<vmem>>, vector<1x16xf32>,
        %get3A_161 = vector.shape_cast %get3A_160 : vector<1x16xf32> to vector<16xf32>
        %get3A_162 = arith.index_cast %scan3A_157 : i32 to index
        %get3A_163 = arith.constant 0 : index
        %get3A_164 = tpu.vector_load %arg10[%get3A_162, %get3A_163] {strides = array<i32>} : memref<128x16xf32, #tpu.memory_space<vmem>>, vector<1x16xf32>,
        %get3A_165 = vector.shape_cast %get3A_164 : vector<1x16xf32> to vector<16xf32>
        %add3A_166 = arith.addf %get3A_161, %get3A_165 : vector<16xf32>
        %gt3A_167 = arith.constant 0.000000e+00 : f32
        %gt3A_168 = vector.broadcast %gt3A_167 : f32 to vector<16xf32>
        %gt3A_169 = arith.cmpf ogt, %add3A_166, %gt3A_168 : vector<16xf32>
        %mul3A_170 = arith.constant 2.000000e-01 : f32
        %mul3A_171 = vector.broadcast %mul3A_170 : f32 to vector<16xf32>
        %mul3A_172 = arith.mulf %mul3A_171, %add3A_166 : vector<16xf32>
        %select_n3A_173 = arith.select %gt3A_169, %add3A_166, %mul3A_172 : vector<16xi1>, vector<16xf32>
        %exp3A_174 = math.exp %select_n3A_173 : vector<16xf32>
        %swap3A_175 = arith.index_cast %scan3A_157 : i32 to index
        %swap3A_176 = arith.constant 128 : index
        %swap3A_177 = tpu.vector_load %arg9[%swap3A_175, %swap3A_176] {strides = array<i32>} : memref<128x144xf32, #tpu.memory_space<vmem>>, vector<1x16xf32>,
        %swap3A_178 = vector.shape_cast %swap3A_177 : vector<1x16xf32> to vector<16xf32>
        %swap3A_179 = vector.shape_cast %exp3A_174 : vector<16xf32> to vector<1x16xf32>
        tpu.vector_store %arg9[%swap3A_175, %swap3A_176], %swap3A_179 {strides = array<i32>} : memref<128x144xf32, #tpu.memory_space<vmem>>, vector<1x16xf32>,
        %get3A_180 = arith.index_cast %scan3A_157 : i32 to index
        %get3A_181 = arith.constant 0 : index
        %get3A_182 = tpu.vector_load %arg9[%get3A_180, %get3A_181] {strides = array<i32>} : memref<128x144xf32, #tpu.memory_space<vmem>>, vector<1x16xf32>,
        %get3A_183 = vector.shape_cast %get3A_182 : vector<1x16xf32> to vector<16xf32>
        %mul3A_184 = arith.mulf %get3A_183, %exp3A_174 : vector<16xf32>
        %swap3A_185 = arith.index_cast %scan3A_157 : i32 to index
        %swap3A_186 = arith.constant 0 : index
        %swap3A_187 = tpu.vector_load %arg9[%swap3A_185, %swap3A_186] {strides = array<i32>} : memref<128x144xf32, #tpu.memory_space<vmem>>, vector<1x16xf32>,
        %swap3A_188 = vector.shape_cast %swap3A_187 : vector<1x16xf32> to vector<16xf32>
        %swap3A_189 = vector.shape_cast %mul3A_184 : vector<16xf32> to vector<1x16xf32>
        tpu.vector_store %arg9[%swap3A_185, %swap3A_186], %swap3A_189 {strides = array<i32>} : memref<128x144xf32, #tpu.memory_space<vmem>>, vector<1x16xf32>,
        %get3A_190 = arith.index_cast %scan3A_157 : i32 to index
        %get3A_191 = arith.constant 16 : index
        %get3A_192 = tpu.vector_load %arg9[%get3A_190, %get3A_191] {strides = array<i32>} : memref<128x144xf32, #tpu.memory_space<vmem>>, vector<1x16xf32>,
        %get3A_193 = vector.shape_cast %get3A_192 : vector<1x16xf32> to vector<16xf32>
        %mul3A_194 = arith.mulf %get3A_193, %exp3A_174 : vector<16xf32>
        %swap3A_195 = arith.index_cast %scan3A_157 : i32 to index
        %swap3A_196 = arith.constant 16 : index
        %swap3A_197 = tpu.vector_load %arg9[%swap3A_195, %swap3A_196] {strides = array<i32>} : memref<128x144xf32, #tpu.memory_space<vmem>>, vector<1x16xf32>,
        %swap3A_198 = vector.shape_cast %swap3A_197 : vector<1x16xf32> to vector<16xf32>
        %swap3A_199 = vector.shape_cast %mul3A_194 : vector<16xf32> to vector<1x16xf32>
        tpu.vector_store %arg9[%swap3A_195, %swap3A_196], %swap3A_199 {strides = array<i32>} : memref<128x144xf32, #tpu.memory_space<vmem>>, vector<1x16xf32>,
        %get3A_200 = arith.index_cast %scan3A_157 : i32 to index
        %get3A_201 = arith.constant 32 : index
        %get3A_202 = tpu.vector_load %arg9[%get3A_200, %get3A_201] {strides = array<i32>} : memref<128x144xf32, #tpu.memory_space<vmem>>, vector<1x16xf32>,
        %get3A_203 = vector.shape_cast %get3A_202 : vector<1x16xf32> to vector<16xf32>
        %mul3A_204 = arith.mulf %get3A_203, %exp3A_174 : vector<16xf32>
        %swap3A_205 = arith.index_cast %scan3A_157 : i32 to index
        %swap3A_206 = arith.constant 32 : index
        %swap3A_207 = tpu.vector_load %arg9[%swap3A_205, %swap3A_206] {strides = array<i32>} : memref<128x144xf32, #tpu.memory_space<vmem>>, vector<1x16xf32>,
        %swap3A_208 = vector.shape_cast %swap3A_207 : vector<1x16xf32> to vector<16xf32>
        %swap3A_209 = vector.shape_cast %mul3A_204 : vector<16xf32> to vector<1x16xf32>
        tpu.vector_store %arg9[%swap3A_205, %swap3A_206], %swap3A_209 {strides = array<i32>} : memref<128x144xf32, #tpu.memory_space<vmem>>, vector<1x16xf32>,
        %get3A_210 = arith.index_cast %scan3A_157 : i32 to index
        %get3A_211 = arith.constant 48 : index
        %get3A_212 = tpu.vector_load %arg9[%get3A_210, %get3A_211] {strides = array<i32>} : memref<128x144xf32, #tpu.memory_space<vmem>>, vector<1x16xf32>,
        %get3A_213 = vector.shape_cast %get3A_212 : vector<1x16xf32> to vector<16xf32>
        %mul3A_214 = arith.mulf %get3A_213, %exp3A_174 : vector<16xf32>
        %swap3A_215 = arith.index_cast %scan3A_157 : i32 to index
        %swap3A_216 = arith.constant 48 : index
        %swap3A_217 = tpu.vector_load %arg9[%swap3A_215, %swap3A_216] {strides = array<i32>} : memref<128x144xf32, #tpu.memory_space<vmem>>, vector<1x16xf32>,
        %swap3A_218 = vector.shape_cast %swap3A_217 : vector<1x16xf32> to vector<16xf32>
        %swap3A_219 = vector.shape_cast %mul3A_214 : vector<16xf32> to vector<1x16xf32>
        tpu.vector_store %arg9[%swap3A_215, %swap3A_216], %swap3A_219 {strides = array<i32>} : memref<128x144xf32, #tpu.memory_space<vmem>>, vector<1x16xf32>,
        %get3A_220 = arith.index_cast %scan3A_157 : i32 to index
        %get3A_221 = arith.constant 64 : index
        %get3A_222 = tpu.vector_load %arg9[%get3A_220, %get3A_221] {strides = array<i32>} : memref<128x144xf32, #tpu.memory_space<vmem>>, vector<1x16xf32>,
        %get3A_223 = vector.shape_cast %get3A_222 : vector<1x16xf32> to vector<16xf32>
        %mul3A_224 = arith.mulf %get3A_223, %exp3A_174 : vector<16xf32>
        %swap3A_225 = arith.index_cast %scan3A_157 : i32 to index
        %swap3A_226 = arith.constant 64 : index
        %swap3A_227 = tpu.vector_load %arg9[%swap3A_225, %swap3A_226] {strides = array<i32>} : memref<128x144xf32, #tpu.memory_space<vmem>>, vector<1x16xf32>,
        %swap3A_228 = vector.shape_cast %swap3A_227 : vector<1x16xf32> to vector<16xf32>
        %swap3A_229 = vector.shape_cast %mul3A_224 : vector<16xf32> to vector<1x16xf32>
        tpu.vector_store %arg9[%swap3A_225, %swap3A_226], %swap3A_229 {strides = array<i32>} : memref<128x144xf32, #tpu.memory_space<vmem>>, vector<1x16xf32>,
        %get3A_230 = arith.index_cast %scan3A_157 : i32 to index
        %get3A_231 = arith.constant 80 : index
        %get3A_232 = tpu.vector_load %arg9[%get3A_230, %get3A_231] {strides = array<i32>} : memref<128x144xf32, #tpu.memory_space<vmem>>, vector<1x16xf32>,
        %get3A_233 = vector.shape_cast %get3A_232 : vector<1x16xf32> to vector<16xf32>
        %mul3A_234 = arith.mulf %get3A_233, %exp3A_174 : vector<16xf32>
        %swap3A_235 = arith.index_cast %scan3A_157 : i32 to index
        %swap3A_236 = arith.constant 80 : index
        %swap3A_237 = tpu.vector_load %arg9[%swap3A_235, %swap3A_236] {strides = array<i32>} : memref<128x144xf32, #tpu.memory_space<vmem>>, vector<1x16xf32>,
        %swap3A_238 = vector.shape_cast %swap3A_237 : vector<1x16xf32> to vector<16xf32>
        %swap3A_239 = vector.shape_cast %mul3A_234 : vector<16xf32> to vector<1x16xf32>
        tpu.vector_store %arg9[%swap3A_235, %swap3A_236], %swap3A_239 {strides = array<i32>} : memref<128x144xf32, #tpu.memory_space<vmem>>, vector<1x16xf32>,
        %get3A_240 = arith.index_cast %scan3A_157 : i32 to index
        %get3A_241 = arith.constant 96 : index
        %get3A_242 = tpu.vector_load %arg9[%get3A_240, %get3A_241] {strides = array<i32>} : memref<128x144xf32, #tpu.memory_space<vmem>>, vector<1x16xf32>,
        %get3A_243 = vector.shape_cast %get3A_242 : vector<1x16xf32> to vector<16xf32>
        %mul3A_244 = arith.mulf %get3A_243, %exp3A_174 : vector<16xf32>
        %swap3A_245 = arith.index_cast %scan3A_157 : i32 to index
        %swap3A_246 = arith.constant 96 : index
        %swap3A_247 = tpu.vector_load %arg9[%swap3A_245, %swap3A_246] {strides = array<i32>} : memref<128x144xf32, #tpu.memory_space<vmem>>, vector<1x16xf32>,
        %swap3A_248 = vector.shape_cast %swap3A_247 : vector<1x16xf32> to vector<16xf32>
        %swap3A_249 = vector.shape_cast %mul3A_244 : vector<16xf32> to vector<1x16xf32>
        tpu.vector_store %arg9[%swap3A_245, %swap3A_246], %swap3A_249 {strides = array<i32>} : memref<128x144xf32, #tpu.memory_space<vmem>>, vector<1x16xf32>,
        %get3A_250 = arith.index_cast %scan3A_157 : i32 to index
        %get3A_251 = arith.constant 112 : index
        %get3A_252 = tpu.vector_load %arg9[%get3A_250, %get3A_251] {strides = array<i32>} : memref<128x144xf32, #tpu.memory_space<vmem>>, vector<1x16xf32>,
        %get3A_253 = vector.shape_cast %get3A_252 : vector<1x16xf32> to vector<16xf32>
        %mul3A_254 = arith.mulf %get3A_253, %exp3A_174 : vector<16xf32>
        %swap3A_255 = arith.index_cast %scan3A_157 : i32 to index
        %swap3A_256 = arith.constant 112 : index
        %swap3A_257 = tpu.vector_load %arg9[%swap3A_255, %swap3A_256] {strides = array<i32>} : memref<128x144xf32, #tpu.memory_space<vmem>>, vector<1x16xf32>,
        %swap3A_258 = vector.shape_cast %swap3A_257 : vector<1x16xf32> to vector<16xf32>
        %swap3A_259 = vector.shape_cast %mul3A_254 : vector<16xf32> to vector<1x16xf32>
        tpu.vector_store %arg9[%swap3A_255, %swap3A_256], %swap3A_259 {strides = array<i32>} : memref<128x144xf32, #tpu.memory_space<vmem>>, vector<1x16xf32>,
        %scan3A_260 = arith.constant 2 : i32
        %scan3A_261 = arith.addi %scan3A_57, %scan3A_260 : i32
        %get3A_262 = arith.index_cast %scan3A_261 : i32 to index
        %get3A_263 = arith.constant 128 : index
        %get3A_264 = tpu.vector_load %arg9[%get3A_262, %get3A_263] {strides = array<i32>} : memref<128x144xf32, #tpu.memory_space<vmem>>, vector<1x16xf32>,
        %get3A_265 = vector.shape_cast %get3A_264 : vector<1x16xf32> to vector<16xf32>
        %get3A_266 = arith.index_cast %scan3A_261 : i32 to index
        %get3A_267 = arith.constant 0 : index
        %get3A_268 = tpu.vector_load %arg10[%get3A_266, %get3A_267] {strides = array<i32>} : memref<128x16xf32, #tpu.memory_space<vmem>>, vector<1x16xf32>,
        %get3A_269 = vector.shape_cast %get3A_268 : vector<1x16xf32> to vector<16xf32>
        %add3A_270 = arith.addf %get3A_265, %get3A_269 : vector<16xf32>
        %gt3A_271 = arith.constant 0.000000e+00 : f32
        %gt3A_272 = vector.broadcast %gt3A_271 : f32 to vector<16xf32>
        %gt3A_273 = arith.cmpf ogt, %add3A_270, %gt3A_272 : vector<16xf32>
        %mul3A_274 = arith.constant 2.000000e-01 : f32
        %mul3A_275 = vector.broadcast %mul3A_274 : f32 to vector<16xf32>
        %mul3A_276 = arith.mulf %mul3A_275, %add3A_270 : vector<16xf32>
        %select_n3A_277 = arith.select %gt3A_273, %add3A_270, %mul3A_276 : vector<16xi1>, vector<16xf32>
        %exp3A_278 = math.exp %select_n3A_277 : vector<16xf32>
        %swap3A_279 = arith.index_cast %scan3A_261 : i32 to index
        %swap3A_280 = arith.constant 128 : index
        %swap3A_281 = tpu.vector_load %arg9[%swap3A_279, %swap3A_280] {strides = array<i32>} : memref<128x144xf32, #tpu.memory_space<vmem>>, vector<1x16xf32>,
        %swap3A_282 = vector.shape_cast %swap3A_281 : vector<1x16xf32> to vector<16xf32>
        %swap3A_283 = vector.shape_cast %exp3A_278 : vector<16xf32> to vector<1x16xf32>
        tpu.vector_store %arg9[%swap3A_279, %swap3A_280], %swap3A_283 {strides = array<i32>} : memref<128x144xf32, #tpu.memory_space<vmem>>, vector<1x16xf32>,
        %get3A_284 = arith.index_cast %scan3A_261 : i32 to index
        %get3A_285 = arith.constant 0 : index
        %get3A_286 = tpu.vector_load %arg9[%get3A_284, %get3A_285] {strides = array<i32>} : memref<128x144xf32, #tpu.memory_space<vmem>>, vector<1x16xf32>,
        %get3A_287 = vector.shape_cast %get3A_286 : vector<1x16xf32> to vector<16xf32>
        %mul3A_288 = arith.mulf %get3A_287, %exp3A_278 : vector<16xf32>
        %swap3A_289 = arith.index_cast %scan3A_261 : i32 to index
        %swap3A_290 = arith.constant 0 : index
        %swap3A_291 = tpu.vector_load %arg9[%swap3A_289, %swap3A_290] {strides = array<i32>} : memref<128x144xf32, #tpu.memory_space<vmem>>, vector<1x16xf32>,
        %swap3A_292 = vector.shape_cast %swap3A_291 : vector<1x16xf32> to vector<16xf32>
        %swap3A_293 = vector.shape_cast %mul3A_288 : vector<16xf32> to vector<1x16xf32>
        tpu.vector_store %arg9[%swap3A_289, %swap3A_290], %swap3A_293 {strides = array<i32>} : memref<128x144xf32, #tpu.memory_space<vmem>>, vector<1x16xf32>,
        %get3A_294 = arith.index_cast %scan3A_261 : i32 to index
        %get3A_295 = arith.constant 16 : index
        %get3A_296 = tpu.vector_load %arg9[%get3A_294, %get3A_295] {strides = array<i32>} : memref<128x144xf32, #tpu.memory_space<vmem>>, vector<1x16xf32>,
        %get3A_297 = vector.shape_cast %get3A_296 : vector<1x16xf32> to vector<16xf32>
        %mul3A_298 = arith.mulf %get3A_297, %exp3A_278 : vector<16xf32>
        %swap3A_299 = arith.index_cast %scan3A_261 : i32 to index
        %swap3A_300 = arith.constant 16 : index
        %swap3A_301 = tpu.vector_load %arg9[%swap3A_299, %swap3A_300] {strides = array<i32>} : memref<128x144xf32, #tpu.memory_space<vmem>>, vector<1x16xf32>,
        %swap3A_302 = vector.shape_cast %swap3A_301 : vector<1x16xf32> to vector<16xf32>
        %swap3A_303 = vector.shape_cast %mul3A_298 : vector<16xf32> to vector<1x16xf32>
        tpu.vector_store %arg9[%swap3A_299, %swap3A_300], %swap3A_303 {strides = array<i32>} : memref<128x144xf32, #tpu.memory_space<vmem>>, vector<1x16xf32>,
        %get3A_304 = arith.index_cast %scan3A_261 : i32 to index
        %get3A_305 = arith.constant 32 : index
        %get3A_306 = tpu.vector_load %arg9[%get3A_304, %get3A_305] {strides = array<i32>} : memref<128x144xf32, #tpu.memory_space<vmem>>, vector<1x16xf32>,
        %get3A_307 = vector.shape_cast %get3A_306 : vector<1x16xf32> to vector<16xf32>
        %mul3A_308 = arith.mulf %get3A_307, %exp3A_278 : vector<16xf32>
        %swap3A_309 = arith.index_cast %scan3A_261 : i32 to index
        %swap3A_310 = arith.constant 32 : index
        %swap3A_311 = tpu.vector_load %arg9[%swap3A_309, %swap3A_310] {strides = array<i32>} : memref<128x144xf32, #tpu.memory_space<vmem>>, vector<1x16xf32>,
        %swap3A_312 = vector.shape_cast %swap3A_311 : vector<1x16xf32> to vector<16xf32>
        %swap3A_313 = vector.shape_cast %mul3A_308 : vector<16xf32> to vector<1x16xf32>
        tpu.vector_store %arg9[%swap3A_309, %swap3A_310], %swap3A_313 {strides = array<i32>} : memref<128x144xf32, #tpu.memory_space<vmem>>, vector<1x16xf32>,
        %get3A_314 = arith.index_cast %scan3A_261 : i32 to index
        %get3A_315 = arith.constant 48 : index
        %get3A_316 = tpu.vector_load %arg9[%get3A_314, %get3A_315] {strides = array<i32>} : memref<128x144xf32, #tpu.memory_space<vmem>>, vector<1x16xf32>,
        %get3A_317 = vector.shape_cast %get3A_316 : vector<1x16xf32> to vector<16xf32>
        %mul3A_318 = arith.mulf %get3A_317, %exp3A_278 : vector<16xf32>
        %swap3A_319 = arith.index_cast %scan3A_261 : i32 to index
        %swap3A_320 = arith.constant 48 : index
        %swap3A_321 = tpu.vector_load %arg9[%swap3A_319, %swap3A_320] {strides = array<i32>} : memref<128x144xf32, #tpu.memory_space<vmem>>, vector<1x16xf32>,
        %swap3A_322 = vector.shape_cast %swap3A_321 : vector<1x16xf32> to vector<16xf32>
        %swap3A_323 = vector.shape_cast %mul3A_318 : vector<16xf32> to vector<1x16xf32>
        tpu.vector_store %arg9[%swap3A_319, %swap3A_320], %swap3A_323 {strides = array<i32>} : memref<128x144xf32, #tpu.memory_space<vmem>>, vector<1x16xf32>,
        %get3A_324 = arith.index_cast %scan3A_261 : i32 to index
        %get3A_325 = arith.constant 64 : index
        %get3A_326 = tpu.vector_load %arg9[%get3A_324, %get3A_325] {strides = array<i32>} : memref<128x144xf32, #tpu.memory_space<vmem>>, vector<1x16xf32>,
        %get3A_327 = vector.shape_cast %get3A_326 : vector<1x16xf32> to vector<16xf32>
        %mul3A_328 = arith.mulf %get3A_327, %exp3A_278 : vector<16xf32>
        %swap3A_329 = arith.index_cast %scan3A_261 : i32 to index
        %swap3A_330 = arith.constant 64 : index
        %swap3A_331 = tpu.vector_load %arg9[%swap3A_329, %swap3A_330] {strides = array<i32>} : memref<128x144xf32, #tpu.memory_space<vmem>>, vector<1x16xf32>,
        %swap3A_332 = vector.shape_cast %swap3A_331 : vector<1x16xf32> to vector<16xf32>
        %swap3A_333 = vector.shape_cast %mul3A_328 : vector<16xf32> to vector<1x16xf32>
        tpu.vector_store %arg9[%swap3A_329, %swap3A_330], %swap3A_333 {strides = array<i32>} : memref<128x144xf32, #tpu.memory_space<vmem>>, vector<1x16xf32>,
        %get3A_334 = arith.index_cast %scan3A_261 : i32 to index
        %get3A_335 = arith.constant 80 : index
        %get3A_336 = tpu.vector_load %arg9[%get3A_334, %get3A_335] {strides = array<i32>} : memref<128x144xf32, #tpu.memory_space<vmem>>, vector<1x16xf32>,
        %get3A_337 = vector.shape_cast %get3A_336 : vector<1x16xf32> to vector<16xf32>
        %mul3A_338 = arith.mulf %get3A_337, %exp3A_278 : vector<16xf32>
        %swap3A_339 = arith.index_cast %scan3A_261 : i32 to index
        %swap3A_340 = arith.constant 80 : index
        %swap3A_341 = tpu.vector_load %arg9[%swap3A_339, %swap3A_340] {strides = array<i32>} : memref<128x144xf32, #tpu.memory_space<vmem>>, vector<1x16xf32>,
        %swap3A_342 = vector.shape_cast %swap3A_341 : vector<1x16xf32> to vector<16xf32>
        %swap3A_343 = vector.shape_cast %mul3A_338 : vector<16xf32> to vector<1x16xf32>
        tpu.vector_store %arg9[%swap3A_339, %swap3A_340], %swap3A_343 {strides = array<i32>} : memref<128x144xf32, #tpu.memory_space<vmem>>, vector<1x16xf32>,
        %get3A_344 = arith.index_cast %scan3A_261 : i32 to index
        %get3A_345 = arith.constant 96 : index
        %get3A_346 = tpu.vector_load %arg9[%get3A_344, %get3A_345] {strides = array<i32>} : memref<128x144xf32, #tpu.memory_space<vmem>>, vector<1x16xf32>,
        %get3A_347 = vector.shape_cast %get3A_346 : vector<1x16xf32> to vector<16xf32>
        %mul3A_348 = arith.mulf %get3A_347, %exp3A_278 : vector<16xf32>
        %swap3A_349 = arith.index_cast %scan3A_261 : i32 to index
        %swap3A_350 = arith.constant 96 : index
        %swap3A_351 = tpu.vector_load %arg9[%swap3A_349, %swap3A_350] {strides = array<i32>} : memref<128x144xf32, #tpu.memory_space<vmem>>, vector<1x16xf32>,
        %swap3A_352 = vector.shape_cast %swap3A_351 : vector<1x16xf32> to vector<16xf32>
        %swap3A_353 = vector.shape_cast %mul3A_348 : vector<16xf32> to vector<1x16xf32>
        tpu.vector_store %arg9[%swap3A_349, %swap3A_350], %swap3A_353 {strides = array<i32>} : memref<128x144xf32, #tpu.memory_space<vmem>>, vector<1x16xf32>,
        %get3A_354 = arith.index_cast %scan3A_261 : i32 to index
        %get3A_355 = arith.constant 112 : index
        %get3A_356 = tpu.vector_load %arg9[%get3A_354, %get3A_355] {strides = array<i32>} : memref<128x144xf32, #tpu.memory_space<vmem>>, vector<1x16xf32>,
        %get3A_357 = vector.shape_cast %get3A_356 : vector<1x16xf32> to vector<16xf32>
        %mul3A_358 = arith.mulf %get3A_357, %exp3A_278 : vector<16xf32>
        %swap3A_359 = arith.index_cast %scan3A_261 : i32 to index
        %swap3A_360 = arith.constant 112 : index
        %swap3A_361 = tpu.vector_load %arg9[%swap3A_359, %swap3A_360] {strides = array<i32>} : memref<128x144xf32, #tpu.memory_space<vmem>>, vector<1x16xf32>,
        %swap3A_362 = vector.shape_cast %swap3A_361 : vector<1x16xf32> to vector<16xf32>
        %swap3A_363 = vector.shape_cast %mul3A_358 : vector<16xf32> to vector<1x16xf32>
        tpu.vector_store %arg9[%swap3A_359, %swap3A_360], %swap3A_363 {strides = array<i32>} : memref<128x144xf32, #tpu.memory_space<vmem>>, vector<1x16xf32>,
        %scan3A_364 = arith.constant 3 : i32
        %scan3A_365 = arith.addi %scan3A_57, %scan3A_364 : i32
        %get3A_366 = arith.index_cast %scan3A_365 : i32 to index
        %get3A_367 = arith.constant 128 : index
        %get3A_368 = tpu.vector_load %arg9[%get3A_366, %get3A_367] {strides = array<i32>} : memref<128x144xf32, #tpu.memory_space<vmem>>, vector<1x16xf32>,
        %get3A_369 = vector.shape_cast %get3A_368 : vector<1x16xf32> to vector<16xf32>
        %get3A_370 = arith.index_cast %scan3A_365 : i32 to index
        %get3A_371 = arith.constant 0 : index
        %get3A_372 = tpu.vector_load %arg10[%get3A_370, %get3A_371] {strides = array<i32>} : memref<128x16xf32, #tpu.memory_space<vmem>>, vector<1x16xf32>,
        %get3A_373 = vector.shape_cast %get3A_372 : vector<1x16xf32> to vector<16xf32>
        %add3A_374 = arith.addf %get3A_369, %get3A_373 : vector<16xf32>
        %gt3A_375 = arith.constant 0.000000e+00 : f32
        %gt3A_376 = vector.broadcast %gt3A_375 : f32 to vector<16xf32>
        %gt3A_377 = arith.cmpf ogt, %add3A_374, %gt3A_376 : vector<16xf32>
        %mul3A_378 = arith.constant 2.000000e-01 : f32
        %mul3A_379 = vector.broadcast %mul3A_378 : f32 to vector<16xf32>
        %mul3A_380 = arith.mulf %mul3A_379, %add3A_374 : vector<16xf32>
        %select_n3A_381 = arith.select %gt3A_377, %add3A_374, %mul3A_380 : vector<16xi1>, vector<16xf32>
        %exp3A_382 = math.exp %select_n3A_381 : vector<16xf32>
        %swap3A_383 = arith.index_cast %scan3A_365 : i32 to index
        %swap3A_384 = arith.constant 128 : index
        %swap3A_385 = tpu.vector_load %arg9[%swap3A_383, %swap3A_384] {strides = array<i32>} : memref<128x144xf32, #tpu.memory_space<vmem>>, vector<1x16xf32>,
        %swap3A_386 = vector.shape_cast %swap3A_385 : vector<1x16xf32> to vector<16xf32>
        %swap3A_387 = vector.shape_cast %exp3A_382 : vector<16xf32> to vector<1x16xf32>
        tpu.vector_store %arg9[%swap3A_383, %swap3A_384], %swap3A_387 {strides = array<i32>} : memref<128x144xf32, #tpu.memory_space<vmem>>, vector<1x16xf32>,
        %get3A_388 = arith.index_cast %scan3A_365 : i32 to index
        %get3A_389 = arith.constant 0 : index
        %get3A_390 = tpu.vector_load %arg9[%get3A_388, %get3A_389] {strides = array<i32>} : memref<128x144xf32, #tpu.memory_space<vmem>>, vector<1x16xf32>,
        %get3A_391 = vector.shape_cast %get3A_390 : vector<1x16xf32> to vector<16xf32>
        %mul3A_392 = arith.mulf %get3A_391, %exp3A_382 : vector<16xf32>
        %swap3A_393 = arith.index_cast %scan3A_365 : i32 to index
        %swap3A_394 = arith.constant 0 : index
        %swap3A_395 = tpu.vector_load %arg9[%swap3A_393, %swap3A_394] {strides = array<i32>} : memref<128x144xf32, #tpu.memory_space<vmem>>, vector<1x16xf32>,
        %swap3A_396 = vector.shape_cast %swap3A_395 : vector<1x16xf32> to vector<16xf32>
        %swap3A_397 = vector.shape_cast %mul3A_392 : vector<16xf32> to vector<1x16xf32>
        tpu.vector_store %arg9[%swap3A_393, %swap3A_394], %swap3A_397 {strides = array<i32>} : memref<128x144xf32, #tpu.memory_space<vmem>>, vector<1x16xf32>,
        %get3A_398 = arith.index_cast %scan3A_365 : i32 to index
        %get3A_399 = arith.constant 16 : index
        %get3A_400 = tpu.vector_load %arg9[%get3A_398, %get3A_399] {strides = array<i32>} : memref<128x144xf32, #tpu.memory_space<vmem>>, vector<1x16xf32>,
        %get3A_401 = vector.shape_cast %get3A_400 : vector<1x16xf32> to vector<16xf32>
        %mul3A_402 = arith.mulf %get3A_401, %exp3A_382 : vector<16xf32>
        %swap3A_403 = arith.index_cast %scan3A_365 : i32 to index
        %swap3A_404 = arith.constant 16 : index
        %swap3A_405 = tpu.vector_load %arg9[%swap3A_403, %swap3A_404] {strides = array<i32>} : memref<128x144xf32, #tpu.memory_space<vmem>>, vector<1x16xf32>,
        %swap3A_406 = vector.shape_cast %swap3A_405 : vector<1x16xf32> to vector<16xf32>
        %swap3A_407 = vector.shape_cast %mul3A_402 : vector<16xf32> to vector<1x16xf32>
        tpu.vector_store %arg9[%swap3A_403, %swap3A_404], %swap3A_407 {strides = array<i32>} : memref<128x144xf32, #tpu.memory_space<vmem>>, vector<1x16xf32>,
        %get3A_408 = arith.index_cast %scan3A_365 : i32 to index
        %get3A_409 = arith.constant 32 : index
        %get3A_410 = tpu.vector_load %arg9[%get3A_408, %get3A_409] {strides = array<i32>} : memref<128x144xf32, #tpu.memory_space<vmem>>, vector<1x16xf32>,
        %get3A_411 = vector.shape_cast %get3A_410 : vector<1x16xf32> to vector<16xf32>
        %mul3A_412 = arith.mulf %get3A_411, %exp3A_382 : vector<16xf32>
        %swap3A_413 = arith.index_cast %scan3A_365 : i32 to index
        %swap3A_414 = arith.constant 32 : index
        %swap3A_415 = tpu.vector_load %arg9[%swap3A_413, %swap3A_414] {strides = array<i32>} : memref<128x144xf32, #tpu.memory_space<vmem>>, vector<1x16xf32>,
        %swap3A_416 = vector.shape_cast %swap3A_415 : vector<1x16xf32> to vector<16xf32>
        %swap3A_417 = vector.shape_cast %mul3A_412 : vector<16xf32> to vector<1x16xf32>
        tpu.vector_store %arg9[%swap3A_413, %swap3A_414], %swap3A_417 {strides = array<i32>} : memref<128x144xf32, #tpu.memory_space<vmem>>, vector<1x16xf32>,
        %get3A_418 = arith.index_cast %scan3A_365 : i32 to index
        %get3A_419 = arith.constant 48 : index
        %get3A_420 = tpu.vector_load %arg9[%get3A_418, %get3A_419] {strides = array<i32>} : memref<128x144xf32, #tpu.memory_space<vmem>>, vector<1x16xf32>,
        %get3A_421 = vector.shape_cast %get3A_420 : vector<1x16xf32> to vector<16xf32>
        %mul3A_422 = arith.mulf %get3A_421, %exp3A_382 : vector<16xf32>
        %swap3A_423 = arith.index_cast %scan3A_365 : i32 to index
        %swap3A_424 = arith.constant 48 : index
        %swap3A_425 = tpu.vector_load %arg9[%swap3A_423, %swap3A_424] {strides = array<i32>} : memref<128x144xf32, #tpu.memory_space<vmem>>, vector<1x16xf32>,
        %swap3A_426 = vector.shape_cast %swap3A_425 : vector<1x16xf32> to vector<16xf32>
        %swap3A_427 = vector.shape_cast %mul3A_422 : vector<16xf32> to vector<1x16xf32>
        tpu.vector_store %arg9[%swap3A_423, %swap3A_424], %swap3A_427 {strides = array<i32>} : memref<128x144xf32, #tpu.memory_space<vmem>>, vector<1x16xf32>,
        %get3A_428 = arith.index_cast %scan3A_365 : i32 to index
        %get3A_429 = arith.constant 64 : index
        %get3A_430 = tpu.vector_load %arg9[%get3A_428, %get3A_429] {strides = array<i32>} : memref<128x144xf32, #tpu.memory_space<vmem>>, vector<1x16xf32>,
        %get3A_431 = vector.shape_cast %get3A_430 : vector<1x16xf32> to vector<16xf32>
        %mul3A_432 = arith.mulf %get3A_431, %exp3A_382 : vector<16xf32>
        %swap3A_433 = arith.index_cast %scan3A_365 : i32 to index
        %swap3A_434 = arith.constant 64 : index
        %swap3A_435 = tpu.vector_load %arg9[%swap3A_433, %swap3A_434] {strides = array<i32>} : memref<128x144xf32, #tpu.memory_space<vmem>>, vector<1x16xf32>,
        %swap3A_436 = vector.shape_cast %swap3A_435 : vector<1x16xf32> to vector<16xf32>
        %swap3A_437 = vector.shape_cast %mul3A_432 : vector<16xf32> to vector<1x16xf32>
        tpu.vector_store %arg9[%swap3A_433, %swap3A_434], %swap3A_437 {strides = array<i32>} : memref<128x144xf32, #tpu.memory_space<vmem>>, vector<1x16xf32>,
        %get3A_438 = arith.index_cast %scan3A_365 : i32 to index
        %get3A_439 = arith.constant 80 : index
        %get3A_440 = tpu.vector_load %arg9[%get3A_438, %get3A_439] {strides = array<i32>} : memref<128x144xf32, #tpu.memory_space<vmem>>, vector<1x16xf32>,
        %get3A_441 = vector.shape_cast %get3A_440 : vector<1x16xf32> to vector<16xf32>
        %mul3A_442 = arith.mulf %get3A_441, %exp3A_382 : vector<16xf32>
        %swap3A_443 = arith.index_cast %scan3A_365 : i32 to index
        %swap3A_444 = arith.constant 80 : index
        %swap3A_445 = tpu.vector_load %arg9[%swap3A_443, %swap3A_444] {strides = array<i32>} : memref<128x144xf32, #tpu.memory_space<vmem>>, vector<1x16xf32>,
        %swap3A_446 = vector.shape_cast %swap3A_445 : vector<1x16xf32> to vector<16xf32>
        %swap3A_447 = vector.shape_cast %mul3A_442 : vector<16xf32> to vector<1x16xf32>
        tpu.vector_store %arg9[%swap3A_443, %swap3A_444], %swap3A_447 {strides = array<i32>} : memref<128x144xf32, #tpu.memory_space<vmem>>, vector<1x16xf32>,
        %get3A_448 = arith.index_cast %scan3A_365 : i32 to index
        %get3A_449 = arith.constant 96 : index
        %get3A_450 = tpu.vector_load %arg9[%get3A_448, %get3A_449] {strides = array<i32>} : memref<128x144xf32, #tpu.memory_space<vmem>>, vector<1x16xf32>,
        %get3A_451 = vector.shape_cast %get3A_450 : vector<1x16xf32> to vector<16xf32>
        %mul3A_452 = arith.mulf %get3A_451, %exp3A_382 : vector<16xf32>
        %swap3A_453 = arith.index_cast %scan3A_365 : i32 to index
        %swap3A_454 = arith.constant 96 : index
        %swap3A_455 = tpu.vector_load %arg9[%swap3A_453, %swap3A_454] {strides = array<i32>} : memref<128x144xf32, #tpu.memory_space<vmem>>, vector<1x16xf32>,
        %swap3A_456 = vector.shape_cast %swap3A_455 : vector<1x16xf32> to vector<16xf32>
        %swap3A_457 = vector.shape_cast %mul3A_452 : vector<16xf32> to vector<1x16xf32>
        tpu.vector_store %arg9[%swap3A_453, %swap3A_454], %swap3A_457 {strides = array<i32>} : memref<128x144xf32, #tpu.memory_space<vmem>>, vector<1x16xf32>,
        %get3A_458 = arith.index_cast %scan3A_365 : i32 to index
        %get3A_459 = arith.constant 112 : index
        %get3A_460 = tpu.vector_load %arg9[%get3A_458, %get3A_459] {strides = array<i32>} : memref<128x144xf32, #tpu.memory_space<vmem>>, vector<1x16xf32>,
        %get3A_461 = vector.shape_cast %get3A_460 : vector<1x16xf32> to vector<16xf32>
        %mul3A_462 = arith.mulf %get3A_461, %exp3A_382 : vector<16xf32>
        %swap3A_463 = arith.index_cast %scan3A_365 : i32 to index
        %swap3A_464 = arith.constant 112 : index
        %swap3A_465 = tpu.vector_load %arg9[%swap3A_463, %swap3A_464] {strides = array<i32>} : memref<128x144xf32, #tpu.memory_space<vmem>>, vector<1x16xf32>,
        %swap3A_466 = vector.shape_cast %swap3A_465 : vector<1x16xf32> to vector<16xf32>
        %swap3A_467 = vector.shape_cast %mul3A_462 : vector<16xf32> to vector<1x16xf32>
        tpu.vector_store %arg9[%swap3A_463, %swap3A_464], %swap3A_467 {strides = array<i32>} : memref<128x144xf32, #tpu.memory_space<vmem>>, vector<1x16xf32>,
      }
      %scan3A_56 = arith.constant 128 : i32
      "tpu.region"() ({
        %run_scoped3A_57 = tpu.sem_alloc : memref<!tpu.dma_semaphore, #tpu.memory_space<semaphore_mem>>
        %dma_start3A_58 = arith.constant 0 : i32
        %dma_start3A_59 = arith.constant 0 : i32
        %dma_start3A_60 = tpu.memref_slice %arg11[%dma_start3A_58, %dma_start3A_59] : memref<10112x144xf32, #tpu.memory_space<vmem_shared>> -> memref<10112x144xf32, #tpu.memory_space<vmem_shared>>
        tpu.enqueue_indirect_dma source(%arg9 : memref<128x144xf32, #tpu.memory_space<vmem>>) target(%dma_start3A_60 : memref<10112x144xf32, #tpu.memory_space<vmem_shared>>) offsets(%arg8 : memref<128xi32, #tpu.memory_space<vmem>>) semaphore(%run_scoped3A_57 : memref<!tpu.dma_semaphore, #tpu.memory_space<semaphore_mem>>) {add = true}
        %dma_wait3A_61 = arith.constant 0 : i32
        %dma_wait3A_62 = arith.constant 0 : i32
        %dma_wait3A_63 = tpu.memref_slice %arg11[%dma_wait3A_61, %dma_wait3A_62] : memref<10112x144xf32, #tpu.memory_space<vmem_shared>> -> memref<10112x144xf32, #tpu.memory_space<vmem_shared>>
        tpu.wait_indirect_dma semaphore(%run_scoped3A_57 : memref<!tpu.dma_semaphore, #tpu.memory_space<semaphore_mem>>) src(%arg9 : memref<128x144xf32, #tpu.memory_space<vmem>>) dst(%dma_wait3A_63 : memref<10112x144xf32, #tpu.memory_space<vmem_shared>>)
        tpu.yield
      }) : () -> ()
    }
    %barrier3A_30 = arith.constant 0 : index
    tpu.barrier barrier_id(%barrier3A_30)
    %mul3A_31 = arith.constant 632 : i32
    %mul3A_32 = arith.muli %arg1, %mul3A_31 : i32
    %mul3A_33 = arith.constant 632 : i32
    %mul3A_34 = arith.muli %arg1, %mul3A_33 : i32
    "tpu.region"() ({
      %run_scoped3A = tpu.sem_alloc : memref<!tpu.dma_semaphore, #tpu.memory_space<semaphore_mem>>
      %dma_start3A = arith.constant 0 : i32
      %dma_start3A_35 = tpu.memref_slice %arg6[%arg0, %mul3A_34, %dma_start3A] : memref<2x10112x144xf32, #tpu.memory_space<hbm>> -> memref<1x632x144xf32, #tpu.memory_space<hbm>>
      %dma_start3A_36 = tpu.memref_squeeze %dma_start3A_35 : memref<1x632x144xf32, #tpu.memory_space<hbm>> -> memref<632x144xf32, #tpu.memory_space<hbm>>
      %dma_start3A_37 = arith.constant 0 : i32
      %dma_start3A_38 = tpu.memref_slice %arg11[%mul3A_32, %dma_start3A_37] : memref<10112x144xf32, #tpu.memory_space<vmem_shared>> -> memref<632x144xf32, #tpu.memory_space<vmem_shared>>
      tpu.enqueue_dma source(%dma_start3A_38 : memref<632x144xf32, #tpu.memory_space<vmem_shared>>) target(%dma_start3A_36 : memref<632x144xf32, #tpu.memory_space<hbm>>) target_semaphore(%run_scoped3A : memref<!tpu.dma_semaphore, #tpu.memory_space<semaphore_mem>>)
      %dma_wait3A = arith.constant 0 : i32
      %dma_wait3A_39 = tpu.memref_slice %arg6[%arg0, %mul3A_34, %dma_wait3A] : memref<2x10112x144xf32, #tpu.memory_space<hbm>> -> memref<1x632x144xf32, #tpu.memory_space<hbm>>
      %dma_wait3A_40 = tpu.memref_squeeze %dma_wait3A_39 : memref<1x632x144xf32, #tpu.memory_space<hbm>> -> memref<632x144xf32, #tpu.memory_space<hbm>>
      %dma_wait3A_41 = arith.constant 0 : i32
      %dma_wait3A_42 = tpu.memref_slice %arg11[%mul3A_32, %dma_wait3A_41] : memref<10112x144xf32, #tpu.memory_space<vmem_shared>> -> memref<632x144xf32, #tpu.memory_space<vmem_shared>>
      tpu.wait_dma2 semaphore(%run_scoped3A : memref<!tpu.dma_semaphore, #tpu.memory_space<semaphore_mem>>) src(%dma_wait3A_42 : memref<632x144xf32, #tpu.memory_space<vmem_shared>>) dst(%dma_wait3A_40 : memref<632x144xf32, #tpu.memory_space<hbm>>)
      tpu.yield
    }) : () -> ()
    return
  }
}

#map = affine_map<(d0, d1) -> (0, 0)>
#map1 = affine_map<(d0, d1) -> (0, 0, 0)>
module attributes {stable_mosaic.version = 14 : i64} {
  func.func @edge_kernel(%arg0: i32, %arg1: i32, %arg2: memref<10000x80xf32, #tpu.memory_space<hbm>>, %arg3: memref<10000x16xf32, #tpu.memory_space<hbm>>, %arg4: memref<2x320000xi32, #tpu.memory_space<hbm>>, %arg5: memref<632x80xf32, #tpu.memory_space<hbm>>, %arg6: memref<2x10112x80xf32, #tpu.memory_space<hbm>>, %arg7: memref<128xi32, #tpu.memory_space<vmem>>, %arg8: memref<128xi32, #tpu.memory_space<vmem>>, %arg9: memref<128x80xf32, #tpu.memory_space<vmem>>, %arg10: memref<128x16xf32, #tpu.memory_space<vmem>>, %arg11: memref<10112x80xf32, #tpu.memory_space<vmem_shared>>, %arg12: memref<!tpu.dma_semaphore, #tpu.memory_space<semaphore_mem>>, %arg13: memref<!tpu.dma_semaphore, #tpu.memory_space<semaphore_mem>>) attributes {dimension_semantics = [#tpu.dimension_semantics<core_parallel>, #tpu.dimension_semantics<subcore_parallel>], iteration_bounds = array<i64: 2, 16>, scalar_prefetch = 0 : i64, scratch_operands = 7 : i64, tpu.core_type = #tpu.core_type<sc_vector_subcore>, window_params = [{transform_indices = #map}, {transform_indices = #map}, {transform_indices = #map}, {transform_indices = #map}, {transform_indices = #map1}]} {
    %mul3A = arith.constant 16 : i32
    %mul3A_0 = arith.muli %arg0, %mul3A : i32
    %add3A = arith.addi %mul3A_0, %arg1 : i32
    %mul3A_1 = arith.constant 632 : i32
    %mul3A_2 = arith.muli %arg1, %mul3A_1 : i32
    "tpu.region"() ({
      %run_scoped3A = tpu.sem_alloc : memref<!tpu.dma_semaphore, #tpu.memory_space<semaphore_mem>>
      %dma_start3A = arith.constant 0 : i32
      %dma_start3A_35 = tpu.memref_slice %arg11[%mul3A_2, %dma_start3A] : memref<10112x80xf32, #tpu.memory_space<vmem_shared>> -> memref<632x80xf32, #tpu.memory_space<vmem_shared>>
      tpu.enqueue_dma source(%arg5 : memref<632x80xf32, #tpu.memory_space<hbm>>) target(%dma_start3A_35 : memref<632x80xf32, #tpu.memory_space<vmem_shared>>) target_semaphore(%run_scoped3A : memref<!tpu.dma_semaphore, #tpu.memory_space<semaphore_mem>>)
      %dma_wait3A = arith.constant 0 : i32
      %dma_wait3A_36 = tpu.memref_slice %arg11[%mul3A_2, %dma_wait3A] : memref<10112x80xf32, #tpu.memory_space<vmem_shared>> -> memref<632x80xf32, #tpu.memory_space<vmem_shared>>
      tpu.wait_dma2 semaphore(%run_scoped3A : memref<!tpu.dma_semaphore, #tpu.memory_space<semaphore_mem>>) src(%arg5 : memref<632x80xf32, #tpu.memory_space<hbm>>) dst(%dma_wait3A_36 : memref<632x80xf32, #tpu.memory_space<vmem_shared>>)
      tpu.yield
    }) : () -> ()
    %barrier3A = arith.constant 0 : index
    tpu.barrier barrier_id(%barrier3A)
    %sub3A = arith.constant 2531 : i32
    %sub3A_3 = arith.subi %sub3A, %add3A : i32
    %jit3A = arith.constant 32 : i32
    %div3A = arith.divsi %sub3A_3, %jit3A : i32
    %sign3A = arith.constant 0 : i32
    %sign3A_4 = arith.cmpi sgt, %sub3A_3, %sign3A : i32
    %sign3A_5 = arith.extui %sign3A_4 : i1 to i32
    %sign3A_6 = arith.constant 0 : i32
    %sign3A_7 = arith.cmpi slt, %sub3A_3, %sign3A_6 : i32
    %sign3A_8 = arith.extui %sign3A_7 : i1 to i32
    %sign3A_9 = arith.subi %sign3A_5, %sign3A_8 : i32
    %sign3A_10 = arith.constant 0 : i32
    %sign3A_11 = arith.cmpi sgt, %jit3A, %sign3A_10 : i32
    %sign3A_12 = arith.extui %sign3A_11 : i1 to i32
    %sign3A_13 = arith.constant 0 : i32
    %sign3A_14 = arith.cmpi slt, %jit3A, %sign3A_13 : i32
    %sign3A_15 = arith.extui %sign3A_14 : i1 to i32
    %sign3A_16 = arith.subi %sign3A_12, %sign3A_15 : i32
    %ne3A = arith.cmpi ne, %sign3A_9, %sign3A_16 : i32
    %rem3A = arith.remsi %sub3A_3, %jit3A : i32
    %ne3A_17 = arith.constant 0 : i32
    %ne3A_18 = arith.cmpi ne, %rem3A, %ne3A_17 : i32
    %and3A = arith.andi %ne3A, %ne3A_18 : i1
    %sub3A_19 = arith.constant 1 : i32
    %sub3A_20 = arith.subi %div3A, %sub3A_19 : i32
    %select_n3A = arith.select %and3A, %sub3A_20, %div3A : i32
    %while3A = arith.constant 0 : i32
    %while3A_21 = arith.constant 0 : i32
    %while3A_22 = arith.subi %select_n3A, %while3A_21 : i32
    %while3A_23 = arith.addi %while3A_21, %while3A_22 : i32
    %while3A_24 = arith.constant 1 : i32
    %while3A_25 = arith.divsi %while3A_22, %while3A_24 : i32
    %while3A_26 = arith.muli %while3A_25, %while3A_24 : i32
    %while3A_27 = arith.addi %while3A_21, %while3A_26 : i32
    %while3A_28 = arith.constant 1 : i32
    scf.for %while3A_35 = %while3A_21 to %while3A_27 step %while3A_28  : i32 {
      %mul3A_36 = arith.constant 32 : i32
      %mul3A_37 = arith.muli %while3A_35, %mul3A_36 : i32
      %add3A_38 = arith.addi %mul3A_37, %add3A : i32
      %mul3A_39 = arith.constant 128 : i32
      %mul3A_40 = arith.muli %add3A_38, %mul3A_39 : i32
      %run_scoped3A = arith.constant 0 : i32
      "tpu.region"() ({
        %run_scoped3A_57 = tpu.sem_alloc : memref<!tpu.dma_semaphore, #tpu.memory_space<semaphore_mem>>
        %dma_start3A_58 = tpu.memref_slice %arg4[%run_scoped3A, %mul3A_40] : memref<2x320000xi32, #tpu.memory_space<hbm>> -> memref<1x128xi32, #tpu.memory_space<hbm>>
        %dma_start3A_59 = tpu.memref_squeeze %dma_start3A_58 : memref<1x128xi32, #tpu.memory_space<hbm>> -> memref<128xi32, #tpu.memory_space<hbm>>
        %dma_start3A_60 = tpu.memref_slice %arg4[%run_scoped3A, %mul3A_40] : memref<2x320000xi32, #tpu.memory_space<hbm>> -> memref<1x128xi32, #tpu.memory_space<hbm>>
        %dma_start3A_61 = tpu.memref_squeeze %dma_start3A_60 : memref<1x128xi32, #tpu.memory_space<hbm>> -> memref<128xi32, #tpu.memory_space<hbm>>
        tpu.enqueue_dma source(%dma_start3A_61 : memref<128xi32, #tpu.memory_space<hbm>>) target(%arg7 : memref<128xi32, #tpu.memory_space<vmem>>) target_semaphore(%run_scoped3A_57 : memref<!tpu.dma_semaphore, #tpu.memory_space<semaphore_mem>>)
        %dma_wait3A_62 = tpu.memref_slice %arg4[%run_scoped3A, %mul3A_40] : memref<2x320000xi32, #tpu.memory_space<hbm>> -> memref<1x128xi32, #tpu.memory_space<hbm>>
        %dma_wait3A_63 = tpu.memref_squeeze %dma_wait3A_62 : memref<1x128xi32, #tpu.memory_space<hbm>> -> memref<128xi32, #tpu.memory_space<hbm>>
        %dma_wait3A_64 = tpu.memref_slice %arg4[%run_scoped3A, %mul3A_40] : memref<2x320000xi32, #tpu.memory_space<hbm>> -> memref<1x128xi32, #tpu.memory_space<hbm>>
        %dma_wait3A_65 = tpu.memref_squeeze %dma_wait3A_64 : memref<1x128xi32, #tpu.memory_space<hbm>> -> memref<128xi32, #tpu.memory_space<hbm>>
        tpu.wait_dma2 semaphore(%run_scoped3A_57 : memref<!tpu.dma_semaphore, #tpu.memory_space<semaphore_mem>>) src(%dma_wait3A_65 : memref<128xi32, #tpu.memory_space<hbm>>) dst(%arg7 : memref<128xi32, #tpu.memory_space<vmem>>)
        tpu.yield
      }) : () -> ()
      %run_scoped3A_41 = arith.constant 1 : i32
      "tpu.region"() ({
        %run_scoped3A_57 = tpu.sem_alloc : memref<!tpu.dma_semaphore, #tpu.memory_space<semaphore_mem>>
        %dma_start3A_58 = tpu.memref_slice %arg4[%run_scoped3A_41, %mul3A_40] : memref<2x320000xi32, #tpu.memory_space<hbm>> -> memref<1x128xi32, #tpu.memory_space<hbm>>
        %dma_start3A_59 = tpu.memref_squeeze %dma_start3A_58 : memref<1x128xi32, #tpu.memory_space<hbm>> -> memref<128xi32, #tpu.memory_space<hbm>>
        %dma_start3A_60 = tpu.memref_slice %arg4[%run_scoped3A_41, %mul3A_40] : memref<2x320000xi32, #tpu.memory_space<hbm>> -> memref<1x128xi32, #tpu.memory_space<hbm>>
        %dma_start3A_61 = tpu.memref_squeeze %dma_start3A_60 : memref<1x128xi32, #tpu.memory_space<hbm>> -> memref<128xi32, #tpu.memory_space<hbm>>
        tpu.enqueue_dma source(%dma_start3A_61 : memref<128xi32, #tpu.memory_space<hbm>>) target(%arg8 : memref<128xi32, #tpu.memory_space<vmem>>) target_semaphore(%run_scoped3A_57 : memref<!tpu.dma_semaphore, #tpu.memory_space<semaphore_mem>>)
        %dma_wait3A_62 = tpu.memref_slice %arg4[%run_scoped3A_41, %mul3A_40] : memref<2x320000xi32, #tpu.memory_space<hbm>> -> memref<1x128xi32, #tpu.memory_space<hbm>>
        %dma_wait3A_63 = tpu.memref_squeeze %dma_wait3A_62 : memref<1x128xi32, #tpu.memory_space<hbm>> -> memref<128xi32, #tpu.memory_space<hbm>>
        %dma_wait3A_64 = tpu.memref_slice %arg4[%run_scoped3A_41, %mul3A_40] : memref<2x320000xi32, #tpu.memory_space<hbm>> -> memref<1x128xi32, #tpu.memory_space<hbm>>
        %dma_wait3A_65 = tpu.memref_squeeze %dma_wait3A_64 : memref<1x128xi32, #tpu.memory_space<hbm>> -> memref<128xi32, #tpu.memory_space<hbm>>
        tpu.wait_dma2 semaphore(%run_scoped3A_57 : memref<!tpu.dma_semaphore, #tpu.memory_space<semaphore_mem>>) src(%dma_wait3A_65 : memref<128xi32, #tpu.memory_space<hbm>>) dst(%arg8 : memref<128xi32, #tpu.memory_space<vmem>>)
        tpu.yield
      }) : () -> ()
      %dma_start3A = arith.constant 0 : i32
      %dma_start3A_42 = arith.constant 0 : i32
      %dma_start3A_43 = tpu.memref_slice %arg2[%dma_start3A, %dma_start3A_42] : memref<10000x80xf32, #tpu.memory_space<hbm>> -> memref<10000x80xf32, #tpu.memory_space<hbm>>
      tpu.enqueue_indirect_dma source(%dma_start3A_43 : memref<10000x80xf32, #tpu.memory_space<hbm>>) target(%arg9 : memref<128x80xf32, #tpu.memory_space<vmem>>) offsets(%arg7 : memref<128xi32, #tpu.memory_space<vmem>>) semaphore(%arg12 : memref<!tpu.dma_semaphore, #tpu.memory_space<semaphore_mem>>)
      %dma_start3A_44 = arith.constant 0 : i32
      %dma_start3A_45 = arith.constant 0 : i32
      %dma_start3A_46 = tpu.memref_slice %arg3[%dma_start3A_44, %dma_start3A_45] : memref<10000x16xf32, #tpu.memory_space<hbm>> -> memref<10000x16xf32, #tpu.memory_space<hbm>>
      tpu.enqueue_indirect_dma source(%dma_start3A_46 : memref<10000x16xf32, #tpu.memory_space<hbm>>) target(%arg10 : memref<128x16xf32, #tpu.memory_space<vmem>>) offsets(%arg8 : memref<128xi32, #tpu.memory_space<vmem>>) semaphore(%arg13 : memref<!tpu.dma_semaphore, #tpu.memory_space<semaphore_mem>>)
      %dma_wait3A = arith.constant 0 : i32
      %dma_wait3A_47 = arith.constant 0 : i32
      %dma_wait3A_48 = tpu.memref_slice %arg2[%dma_wait3A, %dma_wait3A_47] : memref<10000x80xf32, #tpu.memory_space<hbm>> -> memref<10000x80xf32, #tpu.memory_space<hbm>>
      tpu.wait_indirect_dma semaphore(%arg12 : memref<!tpu.dma_semaphore, #tpu.memory_space<semaphore_mem>>) src(%dma_wait3A_48 : memref<10000x80xf32, #tpu.memory_space<hbm>>) dst(%arg9 : memref<128x80xf32, #tpu.memory_space<vmem>>)
      %dma_wait3A_49 = arith.constant 0 : i32
      %dma_wait3A_50 = arith.constant 0 : i32
      %dma_wait3A_51 = tpu.memref_slice %arg3[%dma_wait3A_49, %dma_wait3A_50] : memref<10000x16xf32, #tpu.memory_space<hbm>> -> memref<10000x16xf32, #tpu.memory_space<hbm>>
      tpu.wait_indirect_dma semaphore(%arg13 : memref<!tpu.dma_semaphore, #tpu.memory_space<semaphore_mem>>) src(%dma_wait3A_51 : memref<10000x16xf32, #tpu.memory_space<hbm>>) dst(%arg10 : memref<128x16xf32, #tpu.memory_space<vmem>>)
      %scan3A = arith.constant 0 : i32
      %scan3A_52 = arith.constant 0 : i32
      %scan3A_53 = arith.constant 128 : i32
      %scan3A_54 = arith.addi %scan3A_52, %scan3A_53 : i32
      %scan3A_55 = arith.constant 4 : i32
      scf.for %scan3A_57 = %scan3A_52 to %scan3A_54 step %scan3A_55  : i32 {
        %get3A = arith.index_cast %scan3A_57 : i32 to index
        %get3A_58 = arith.constant 64 : index
        %get3A_59 = tpu.vector_load %arg9[%get3A, %get3A_58] {strides = array<i32>} : memref<128x80xf32, #tpu.memory_space<vmem>>, vector<1x16xf32>,
        %get3A_60 = vector.shape_cast %get3A_59 : vector<1x16xf32> to vector<16xf32>
        %get3A_61 = arith.index_cast %scan3A_57 : i32 to index
        %get3A_62 = arith.constant 0 : index
        %get3A_63 = tpu.vector_load %arg10[%get3A_61, %get3A_62] {strides = array<i32>} : memref<128x16xf32, #tpu.memory_space<vmem>>, vector<1x16xf32>,
        %get3A_64 = vector.shape_cast %get3A_63 : vector<1x16xf32> to vector<16xf32>
        %add3A_65 = arith.addf %get3A_60, %get3A_64 : vector<16xf32>
        %gt3A = arith.constant 0.000000e+00 : f32
        %gt3A_66 = vector.broadcast %gt3A : f32 to vector<16xf32>
        %gt3A_67 = arith.cmpf ogt, %add3A_65, %gt3A_66 : vector<16xf32>
        %mul3A_68 = arith.constant 2.000000e-01 : f32
        %mul3A_69 = vector.broadcast %mul3A_68 : f32 to vector<16xf32>
        %mul3A_70 = arith.mulf %mul3A_69, %add3A_65 : vector<16xf32>
        %select_n3A_71 = arith.select %gt3A_67, %add3A_65, %mul3A_70 : vector<16xi1>, vector<16xf32>
        %exp3A = math.exp %select_n3A_71 : vector<16xf32>
        %swap3A = arith.index_cast %scan3A_57 : i32 to index
        %swap3A_72 = arith.constant 64 : index
        %swap3A_73 = tpu.vector_load %arg9[%swap3A, %swap3A_72] {strides = array<i32>} : memref<128x80xf32, #tpu.memory_space<vmem>>, vector<1x16xf32>,
        %swap3A_74 = vector.shape_cast %swap3A_73 : vector<1x16xf32> to vector<16xf32>
        %swap3A_75 = vector.shape_cast %exp3A : vector<16xf32> to vector<1x16xf32>
        tpu.vector_store %arg9[%swap3A, %swap3A_72], %swap3A_75 {strides = array<i32>} : memref<128x80xf32, #tpu.memory_space<vmem>>, vector<1x16xf32>,
        %get3A_76 = arith.index_cast %scan3A_57 : i32 to index
        %get3A_77 = arith.constant 0 : index
        %get3A_78 = tpu.vector_load %arg9[%get3A_76, %get3A_77] {strides = array<i32>} : memref<128x80xf32, #tpu.memory_space<vmem>>, vector<1x16xf32>,
        %get3A_79 = vector.shape_cast %get3A_78 : vector<1x16xf32> to vector<16xf32>
        %mul3A_80 = arith.mulf %get3A_79, %exp3A : vector<16xf32>
        %swap3A_81 = arith.index_cast %scan3A_57 : i32 to index
        %swap3A_82 = arith.constant 0 : index
        %swap3A_83 = tpu.vector_load %arg9[%swap3A_81, %swap3A_82] {strides = array<i32>} : memref<128x80xf32, #tpu.memory_space<vmem>>, vector<1x16xf32>,
        %swap3A_84 = vector.shape_cast %swap3A_83 : vector<1x16xf32> to vector<16xf32>
        %swap3A_85 = vector.shape_cast %mul3A_80 : vector<16xf32> to vector<1x16xf32>
        tpu.vector_store %arg9[%swap3A_81, %swap3A_82], %swap3A_85 {strides = array<i32>} : memref<128x80xf32, #tpu.memory_space<vmem>>, vector<1x16xf32>,
        %get3A_86 = arith.index_cast %scan3A_57 : i32 to index
        %get3A_87 = arith.constant 16 : index
        %get3A_88 = tpu.vector_load %arg9[%get3A_86, %get3A_87] {strides = array<i32>} : memref<128x80xf32, #tpu.memory_space<vmem>>, vector<1x16xf32>,
        %get3A_89 = vector.shape_cast %get3A_88 : vector<1x16xf32> to vector<16xf32>
        %mul3A_90 = arith.mulf %get3A_89, %exp3A : vector<16xf32>
        %swap3A_91 = arith.index_cast %scan3A_57 : i32 to index
        %swap3A_92 = arith.constant 16 : index
        %swap3A_93 = tpu.vector_load %arg9[%swap3A_91, %swap3A_92] {strides = array<i32>} : memref<128x80xf32, #tpu.memory_space<vmem>>, vector<1x16xf32>,
        %swap3A_94 = vector.shape_cast %swap3A_93 : vector<1x16xf32> to vector<16xf32>
        %swap3A_95 = vector.shape_cast %mul3A_90 : vector<16xf32> to vector<1x16xf32>
        tpu.vector_store %arg9[%swap3A_91, %swap3A_92], %swap3A_95 {strides = array<i32>} : memref<128x80xf32, #tpu.memory_space<vmem>>, vector<1x16xf32>,
        %get3A_96 = arith.index_cast %scan3A_57 : i32 to index
        %get3A_97 = arith.constant 32 : index
        %get3A_98 = tpu.vector_load %arg9[%get3A_96, %get3A_97] {strides = array<i32>} : memref<128x80xf32, #tpu.memory_space<vmem>>, vector<1x16xf32>,
        %get3A_99 = vector.shape_cast %get3A_98 : vector<1x16xf32> to vector<16xf32>
        %mul3A_100 = arith.mulf %get3A_99, %exp3A : vector<16xf32>
        %swap3A_101 = arith.index_cast %scan3A_57 : i32 to index
        %swap3A_102 = arith.constant 32 : index
        %swap3A_103 = tpu.vector_load %arg9[%swap3A_101, %swap3A_102] {strides = array<i32>} : memref<128x80xf32, #tpu.memory_space<vmem>>, vector<1x16xf32>,
        %swap3A_104 = vector.shape_cast %swap3A_103 : vector<1x16xf32> to vector<16xf32>
        %swap3A_105 = vector.shape_cast %mul3A_100 : vector<16xf32> to vector<1x16xf32>
        tpu.vector_store %arg9[%swap3A_101, %swap3A_102], %swap3A_105 {strides = array<i32>} : memref<128x80xf32, #tpu.memory_space<vmem>>, vector<1x16xf32>,
        %get3A_106 = arith.index_cast %scan3A_57 : i32 to index
        %get3A_107 = arith.constant 48 : index
        %get3A_108 = tpu.vector_load %arg9[%get3A_106, %get3A_107] {strides = array<i32>} : memref<128x80xf32, #tpu.memory_space<vmem>>, vector<1x16xf32>,
        %get3A_109 = vector.shape_cast %get3A_108 : vector<1x16xf32> to vector<16xf32>
        %mul3A_110 = arith.mulf %get3A_109, %exp3A : vector<16xf32>
        %swap3A_111 = arith.index_cast %scan3A_57 : i32 to index
        %swap3A_112 = arith.constant 48 : index
        %swap3A_113 = tpu.vector_load %arg9[%swap3A_111, %swap3A_112] {strides = array<i32>} : memref<128x80xf32, #tpu.memory_space<vmem>>, vector<1x16xf32>,
        %swap3A_114 = vector.shape_cast %swap3A_113 : vector<1x16xf32> to vector<16xf32>
        %swap3A_115 = vector.shape_cast %mul3A_110 : vector<16xf32> to vector<1x16xf32>
        tpu.vector_store %arg9[%swap3A_111, %swap3A_112], %swap3A_115 {strides = array<i32>} : memref<128x80xf32, #tpu.memory_space<vmem>>, vector<1x16xf32>,
        %scan3A_116 = arith.constant 1 : i32
        %scan3A_117 = arith.addi %scan3A_57, %scan3A_116 : i32
        %get3A_118 = arith.index_cast %scan3A_117 : i32 to index
        %get3A_119 = arith.constant 64 : index
        %get3A_120 = tpu.vector_load %arg9[%get3A_118, %get3A_119] {strides = array<i32>} : memref<128x80xf32, #tpu.memory_space<vmem>>, vector<1x16xf32>,
        %get3A_121 = vector.shape_cast %get3A_120 : vector<1x16xf32> to vector<16xf32>
        %get3A_122 = arith.index_cast %scan3A_117 : i32 to index
        %get3A_123 = arith.constant 0 : index
        %get3A_124 = tpu.vector_load %arg10[%get3A_122, %get3A_123] {strides = array<i32>} : memref<128x16xf32, #tpu.memory_space<vmem>>, vector<1x16xf32>,
        %get3A_125 = vector.shape_cast %get3A_124 : vector<1x16xf32> to vector<16xf32>
        %add3A_126 = arith.addf %get3A_121, %get3A_125 : vector<16xf32>
        %gt3A_127 = arith.constant 0.000000e+00 : f32
        %gt3A_128 = vector.broadcast %gt3A_127 : f32 to vector<16xf32>
        %gt3A_129 = arith.cmpf ogt, %add3A_126, %gt3A_128 : vector<16xf32>
        %mul3A_130 = arith.constant 2.000000e-01 : f32
        %mul3A_131 = vector.broadcast %mul3A_130 : f32 to vector<16xf32>
        %mul3A_132 = arith.mulf %mul3A_131, %add3A_126 : vector<16xf32>
        %select_n3A_133 = arith.select %gt3A_129, %add3A_126, %mul3A_132 : vector<16xi1>, vector<16xf32>
        %exp3A_134 = math.exp %select_n3A_133 : vector<16xf32>
        %swap3A_135 = arith.index_cast %scan3A_117 : i32 to index
        %swap3A_136 = arith.constant 64 : index
        %swap3A_137 = tpu.vector_load %arg9[%swap3A_135, %swap3A_136] {strides = array<i32>} : memref<128x80xf32, #tpu.memory_space<vmem>>, vector<1x16xf32>,
        %swap3A_138 = vector.shape_cast %swap3A_137 : vector<1x16xf32> to vector<16xf32>
        %swap3A_139 = vector.shape_cast %exp3A_134 : vector<16xf32> to vector<1x16xf32>
        tpu.vector_store %arg9[%swap3A_135, %swap3A_136], %swap3A_139 {strides = array<i32>} : memref<128x80xf32, #tpu.memory_space<vmem>>, vector<1x16xf32>,
        %get3A_140 = arith.index_cast %scan3A_117 : i32 to index
        %get3A_141 = arith.constant 0 : index
        %get3A_142 = tpu.vector_load %arg9[%get3A_140, %get3A_141] {strides = array<i32>} : memref<128x80xf32, #tpu.memory_space<vmem>>, vector<1x16xf32>,
        %get3A_143 = vector.shape_cast %get3A_142 : vector<1x16xf32> to vector<16xf32>
        %mul3A_144 = arith.mulf %get3A_143, %exp3A_134 : vector<16xf32>
        %swap3A_145 = arith.index_cast %scan3A_117 : i32 to index
        %swap3A_146 = arith.constant 0 : index
        %swap3A_147 = tpu.vector_load %arg9[%swap3A_145, %swap3A_146] {strides = array<i32>} : memref<128x80xf32, #tpu.memory_space<vmem>>, vector<1x16xf32>,
        %swap3A_148 = vector.shape_cast %swap3A_147 : vector<1x16xf32> to vector<16xf32>
        %swap3A_149 = vector.shape_cast %mul3A_144 : vector<16xf32> to vector<1x16xf32>
        tpu.vector_store %arg9[%swap3A_145, %swap3A_146], %swap3A_149 {strides = array<i32>} : memref<128x80xf32, #tpu.memory_space<vmem>>, vector<1x16xf32>,
        %get3A_150 = arith.index_cast %scan3A_117 : i32 to index
        %get3A_151 = arith.constant 16 : index
        %get3A_152 = tpu.vector_load %arg9[%get3A_150, %get3A_151] {strides = array<i32>} : memref<128x80xf32, #tpu.memory_space<vmem>>, vector<1x16xf32>,
        %get3A_153 = vector.shape_cast %get3A_152 : vector<1x16xf32> to vector<16xf32>
        %mul3A_154 = arith.mulf %get3A_153, %exp3A_134 : vector<16xf32>
        %swap3A_155 = arith.index_cast %scan3A_117 : i32 to index
        %swap3A_156 = arith.constant 16 : index
        %swap3A_157 = tpu.vector_load %arg9[%swap3A_155, %swap3A_156] {strides = array<i32>} : memref<128x80xf32, #tpu.memory_space<vmem>>, vector<1x16xf32>,
        %swap3A_158 = vector.shape_cast %swap3A_157 : vector<1x16xf32> to vector<16xf32>
        %swap3A_159 = vector.shape_cast %mul3A_154 : vector<16xf32> to vector<1x16xf32>
        tpu.vector_store %arg9[%swap3A_155, %swap3A_156], %swap3A_159 {strides = array<i32>} : memref<128x80xf32, #tpu.memory_space<vmem>>, vector<1x16xf32>,
        %get3A_160 = arith.index_cast %scan3A_117 : i32 to index
        %get3A_161 = arith.constant 32 : index
        %get3A_162 = tpu.vector_load %arg9[%get3A_160, %get3A_161] {strides = array<i32>} : memref<128x80xf32, #tpu.memory_space<vmem>>, vector<1x16xf32>,
        %get3A_163 = vector.shape_cast %get3A_162 : vector<1x16xf32> to vector<16xf32>
        %mul3A_164 = arith.mulf %get3A_163, %exp3A_134 : vector<16xf32>
        %swap3A_165 = arith.index_cast %scan3A_117 : i32 to index
        %swap3A_166 = arith.constant 32 : index
        %swap3A_167 = tpu.vector_load %arg9[%swap3A_165, %swap3A_166] {strides = array<i32>} : memref<128x80xf32, #tpu.memory_space<vmem>>, vector<1x16xf32>,
        %swap3A_168 = vector.shape_cast %swap3A_167 : vector<1x16xf32> to vector<16xf32>
        %swap3A_169 = vector.shape_cast %mul3A_164 : vector<16xf32> to vector<1x16xf32>
        tpu.vector_store %arg9[%swap3A_165, %swap3A_166], %swap3A_169 {strides = array<i32>} : memref<128x80xf32, #tpu.memory_space<vmem>>, vector<1x16xf32>,
        %get3A_170 = arith.index_cast %scan3A_117 : i32 to index
        %get3A_171 = arith.constant 48 : index
        %get3A_172 = tpu.vector_load %arg9[%get3A_170, %get3A_171] {strides = array<i32>} : memref<128x80xf32, #tpu.memory_space<vmem>>, vector<1x16xf32>,
        %get3A_173 = vector.shape_cast %get3A_172 : vector<1x16xf32> to vector<16xf32>
        %mul3A_174 = arith.mulf %get3A_173, %exp3A_134 : vector<16xf32>
        %swap3A_175 = arith.index_cast %scan3A_117 : i32 to index
        %swap3A_176 = arith.constant 48 : index
        %swap3A_177 = tpu.vector_load %arg9[%swap3A_175, %swap3A_176] {strides = array<i32>} : memref<128x80xf32, #tpu.memory_space<vmem>>, vector<1x16xf32>,
        %swap3A_178 = vector.shape_cast %swap3A_177 : vector<1x16xf32> to vector<16xf32>
        %swap3A_179 = vector.shape_cast %mul3A_174 : vector<16xf32> to vector<1x16xf32>
        tpu.vector_store %arg9[%swap3A_175, %swap3A_176], %swap3A_179 {strides = array<i32>} : memref<128x80xf32, #tpu.memory_space<vmem>>, vector<1x16xf32>,
        %scan3A_180 = arith.constant 2 : i32
        %scan3A_181 = arith.addi %scan3A_57, %scan3A_180 : i32
        %get3A_182 = arith.index_cast %scan3A_181 : i32 to index
        %get3A_183 = arith.constant 64 : index
        %get3A_184 = tpu.vector_load %arg9[%get3A_182, %get3A_183] {strides = array<i32>} : memref<128x80xf32, #tpu.memory_space<vmem>>, vector<1x16xf32>,
        %get3A_185 = vector.shape_cast %get3A_184 : vector<1x16xf32> to vector<16xf32>
        %get3A_186 = arith.index_cast %scan3A_181 : i32 to index
        %get3A_187 = arith.constant 0 : index
        %get3A_188 = tpu.vector_load %arg10[%get3A_186, %get3A_187] {strides = array<i32>} : memref<128x16xf32, #tpu.memory_space<vmem>>, vector<1x16xf32>,
        %get3A_189 = vector.shape_cast %get3A_188 : vector<1x16xf32> to vector<16xf32>
        %add3A_190 = arith.addf %get3A_185, %get3A_189 : vector<16xf32>
        %gt3A_191 = arith.constant 0.000000e+00 : f32
        %gt3A_192 = vector.broadcast %gt3A_191 : f32 to vector<16xf32>
        %gt3A_193 = arith.cmpf ogt, %add3A_190, %gt3A_192 : vector<16xf32>
        %mul3A_194 = arith.constant 2.000000e-01 : f32
        %mul3A_195 = vector.broadcast %mul3A_194 : f32 to vector<16xf32>
        %mul3A_196 = arith.mulf %mul3A_195, %add3A_190 : vector<16xf32>
        %select_n3A_197 = arith.select %gt3A_193, %add3A_190, %mul3A_196 : vector<16xi1>, vector<16xf32>
        %exp3A_198 = math.exp %select_n3A_197 : vector<16xf32>
        %swap3A_199 = arith.index_cast %scan3A_181 : i32 to index
        %swap3A_200 = arith.constant 64 : index
        %swap3A_201 = tpu.vector_load %arg9[%swap3A_199, %swap3A_200] {strides = array<i32>} : memref<128x80xf32, #tpu.memory_space<vmem>>, vector<1x16xf32>,
        %swap3A_202 = vector.shape_cast %swap3A_201 : vector<1x16xf32> to vector<16xf32>
        %swap3A_203 = vector.shape_cast %exp3A_198 : vector<16xf32> to vector<1x16xf32>
        tpu.vector_store %arg9[%swap3A_199, %swap3A_200], %swap3A_203 {strides = array<i32>} : memref<128x80xf32, #tpu.memory_space<vmem>>, vector<1x16xf32>,
        %get3A_204 = arith.index_cast %scan3A_181 : i32 to index
        %get3A_205 = arith.constant 0 : index
        %get3A_206 = tpu.vector_load %arg9[%get3A_204, %get3A_205] {strides = array<i32>} : memref<128x80xf32, #tpu.memory_space<vmem>>, vector<1x16xf32>,
        %get3A_207 = vector.shape_cast %get3A_206 : vector<1x16xf32> to vector<16xf32>
        %mul3A_208 = arith.mulf %get3A_207, %exp3A_198 : vector<16xf32>
        %swap3A_209 = arith.index_cast %scan3A_181 : i32 to index
        %swap3A_210 = arith.constant 0 : index
        %swap3A_211 = tpu.vector_load %arg9[%swap3A_209, %swap3A_210] {strides = array<i32>} : memref<128x80xf32, #tpu.memory_space<vmem>>, vector<1x16xf32>,
        %swap3A_212 = vector.shape_cast %swap3A_211 : vector<1x16xf32> to vector<16xf32>
        %swap3A_213 = vector.shape_cast %mul3A_208 : vector<16xf32> to vector<1x16xf32>
        tpu.vector_store %arg9[%swap3A_209, %swap3A_210], %swap3A_213 {strides = array<i32>} : memref<128x80xf32, #tpu.memory_space<vmem>>, vector<1x16xf32>,
        %get3A_214 = arith.index_cast %scan3A_181 : i32 to index
        %get3A_215 = arith.constant 16 : index
        %get3A_216 = tpu.vector_load %arg9[%get3A_214, %get3A_215] {strides = array<i32>} : memref<128x80xf32, #tpu.memory_space<vmem>>, vector<1x16xf32>,
        %get3A_217 = vector.shape_cast %get3A_216 : vector<1x16xf32> to vector<16xf32>
        %mul3A_218 = arith.mulf %get3A_217, %exp3A_198 : vector<16xf32>
        %swap3A_219 = arith.index_cast %scan3A_181 : i32 to index
        %swap3A_220 = arith.constant 16 : index
        %swap3A_221 = tpu.vector_load %arg9[%swap3A_219, %swap3A_220] {strides = array<i32>} : memref<128x80xf32, #tpu.memory_space<vmem>>, vector<1x16xf32>,
        %swap3A_222 = vector.shape_cast %swap3A_221 : vector<1x16xf32> to vector<16xf32>
        %swap3A_223 = vector.shape_cast %mul3A_218 : vector<16xf32> to vector<1x16xf32>
        tpu.vector_store %arg9[%swap3A_219, %swap3A_220], %swap3A_223 {strides = array<i32>} : memref<128x80xf32, #tpu.memory_space<vmem>>, vector<1x16xf32>,
        %get3A_224 = arith.index_cast %scan3A_181 : i32 to index
        %get3A_225 = arith.constant 32 : index
        %get3A_226 = tpu.vector_load %arg9[%get3A_224, %get3A_225] {strides = array<i32>} : memref<128x80xf32, #tpu.memory_space<vmem>>, vector<1x16xf32>,
        %get3A_227 = vector.shape_cast %get3A_226 : vector<1x16xf32> to vector<16xf32>
        %mul3A_228 = arith.mulf %get3A_227, %exp3A_198 : vector<16xf32>
        %swap3A_229 = arith.index_cast %scan3A_181 : i32 to index
        %swap3A_230 = arith.constant 32 : index
        %swap3A_231 = tpu.vector_load %arg9[%swap3A_229, %swap3A_230] {strides = array<i32>} : memref<128x80xf32, #tpu.memory_space<vmem>>, vector<1x16xf32>,
        %swap3A_232 = vector.shape_cast %swap3A_231 : vector<1x16xf32> to vector<16xf32>
        %swap3A_233 = vector.shape_cast %mul3A_228 : vector<16xf32> to vector<1x16xf32>
        tpu.vector_store %arg9[%swap3A_229, %swap3A_230], %swap3A_233 {strides = array<i32>} : memref<128x80xf32, #tpu.memory_space<vmem>>, vector<1x16xf32>,
        %get3A_234 = arith.index_cast %scan3A_181 : i32 to index
        %get3A_235 = arith.constant 48 : index
        %get3A_236 = tpu.vector_load %arg9[%get3A_234, %get3A_235] {strides = array<i32>} : memref<128x80xf32, #tpu.memory_space<vmem>>, vector<1x16xf32>,
        %get3A_237 = vector.shape_cast %get3A_236 : vector<1x16xf32> to vector<16xf32>
        %mul3A_238 = arith.mulf %get3A_237, %exp3A_198 : vector<16xf32>
        %swap3A_239 = arith.index_cast %scan3A_181 : i32 to index
        %swap3A_240 = arith.constant 48 : index
        %swap3A_241 = tpu.vector_load %arg9[%swap3A_239, %swap3A_240] {strides = array<i32>} : memref<128x80xf32, #tpu.memory_space<vmem>>, vector<1x16xf32>,
        %swap3A_242 = vector.shape_cast %swap3A_241 : vector<1x16xf32> to vector<16xf32>
        %swap3A_243 = vector.shape_cast %mul3A_238 : vector<16xf32> to vector<1x16xf32>
        tpu.vector_store %arg9[%swap3A_239, %swap3A_240], %swap3A_243 {strides = array<i32>} : memref<128x80xf32, #tpu.memory_space<vmem>>, vector<1x16xf32>,
        %scan3A_244 = arith.constant 3 : i32
        %scan3A_245 = arith.addi %scan3A_57, %scan3A_244 : i32
        %get3A_246 = arith.index_cast %scan3A_245 : i32 to index
        %get3A_247 = arith.constant 64 : index
        %get3A_248 = tpu.vector_load %arg9[%get3A_246, %get3A_247] {strides = array<i32>} : memref<128x80xf32, #tpu.memory_space<vmem>>, vector<1x16xf32>,
        %get3A_249 = vector.shape_cast %get3A_248 : vector<1x16xf32> to vector<16xf32>
        %get3A_250 = arith.index_cast %scan3A_245 : i32 to index
        %get3A_251 = arith.constant 0 : index
        %get3A_252 = tpu.vector_load %arg10[%get3A_250, %get3A_251] {strides = array<i32>} : memref<128x16xf32, #tpu.memory_space<vmem>>, vector<1x16xf32>,
        %get3A_253 = vector.shape_cast %get3A_252 : vector<1x16xf32> to vector<16xf32>
        %add3A_254 = arith.addf %get3A_249, %get3A_253 : vector<16xf32>
        %gt3A_255 = arith.constant 0.000000e+00 : f32
        %gt3A_256 = vector.broadcast %gt3A_255 : f32 to vector<16xf32>
        %gt3A_257 = arith.cmpf ogt, %add3A_254, %gt3A_256 : vector<16xf32>
        %mul3A_258 = arith.constant 2.000000e-01 : f32
        %mul3A_259 = vector.broadcast %mul3A_258 : f32 to vector<16xf32>
        %mul3A_260 = arith.mulf %mul3A_259, %add3A_254 : vector<16xf32>
        %select_n3A_261 = arith.select %gt3A_257, %add3A_254, %mul3A_260 : vector<16xi1>, vector<16xf32>
        %exp3A_262 = math.exp %select_n3A_261 : vector<16xf32>
        %swap3A_263 = arith.index_cast %scan3A_245 : i32 to index
        %swap3A_264 = arith.constant 64 : index
        %swap3A_265 = tpu.vector_load %arg9[%swap3A_263, %swap3A_264] {strides = array<i32>} : memref<128x80xf32, #tpu.memory_space<vmem>>, vector<1x16xf32>,
        %swap3A_266 = vector.shape_cast %swap3A_265 : vector<1x16xf32> to vector<16xf32>
        %swap3A_267 = vector.shape_cast %exp3A_262 : vector<16xf32> to vector<1x16xf32>
        tpu.vector_store %arg9[%swap3A_263, %swap3A_264], %swap3A_267 {strides = array<i32>} : memref<128x80xf32, #tpu.memory_space<vmem>>, vector<1x16xf32>,
        %get3A_268 = arith.index_cast %scan3A_245 : i32 to index
        %get3A_269 = arith.constant 0 : index
        %get3A_270 = tpu.vector_load %arg9[%get3A_268, %get3A_269] {strides = array<i32>} : memref<128x80xf32, #tpu.memory_space<vmem>>, vector<1x16xf32>,
        %get3A_271 = vector.shape_cast %get3A_270 : vector<1x16xf32> to vector<16xf32>
        %mul3A_272 = arith.mulf %get3A_271, %exp3A_262 : vector<16xf32>
        %swap3A_273 = arith.index_cast %scan3A_245 : i32 to index
        %swap3A_274 = arith.constant 0 : index
        %swap3A_275 = tpu.vector_load %arg9[%swap3A_273, %swap3A_274] {strides = array<i32>} : memref<128x80xf32, #tpu.memory_space<vmem>>, vector<1x16xf32>,
        %swap3A_276 = vector.shape_cast %swap3A_275 : vector<1x16xf32> to vector<16xf32>
        %swap3A_277 = vector.shape_cast %mul3A_272 : vector<16xf32> to vector<1x16xf32>
        tpu.vector_store %arg9[%swap3A_273, %swap3A_274], %swap3A_277 {strides = array<i32>} : memref<128x80xf32, #tpu.memory_space<vmem>>, vector<1x16xf32>,
        %get3A_278 = arith.index_cast %scan3A_245 : i32 to index
        %get3A_279 = arith.constant 16 : index
        %get3A_280 = tpu.vector_load %arg9[%get3A_278, %get3A_279] {strides = array<i32>} : memref<128x80xf32, #tpu.memory_space<vmem>>, vector<1x16xf32>,
        %get3A_281 = vector.shape_cast %get3A_280 : vector<1x16xf32> to vector<16xf32>
        %mul3A_282 = arith.mulf %get3A_281, %exp3A_262 : vector<16xf32>
        %swap3A_283 = arith.index_cast %scan3A_245 : i32 to index
        %swap3A_284 = arith.constant 16 : index
        %swap3A_285 = tpu.vector_load %arg9[%swap3A_283, %swap3A_284] {strides = array<i32>} : memref<128x80xf32, #tpu.memory_space<vmem>>, vector<1x16xf32>,
        %swap3A_286 = vector.shape_cast %swap3A_285 : vector<1x16xf32> to vector<16xf32>
        %swap3A_287 = vector.shape_cast %mul3A_282 : vector<16xf32> to vector<1x16xf32>
        tpu.vector_store %arg9[%swap3A_283, %swap3A_284], %swap3A_287 {strides = array<i32>} : memref<128x80xf32, #tpu.memory_space<vmem>>, vector<1x16xf32>,
        %get3A_288 = arith.index_cast %scan3A_245 : i32 to index
        %get3A_289 = arith.constant 32 : index
        %get3A_290 = tpu.vector_load %arg9[%get3A_288, %get3A_289] {strides = array<i32>} : memref<128x80xf32, #tpu.memory_space<vmem>>, vector<1x16xf32>,
        %get3A_291 = vector.shape_cast %get3A_290 : vector<1x16xf32> to vector<16xf32>
        %mul3A_292 = arith.mulf %get3A_291, %exp3A_262 : vector<16xf32>
        %swap3A_293 = arith.index_cast %scan3A_245 : i32 to index
        %swap3A_294 = arith.constant 32 : index
        %swap3A_295 = tpu.vector_load %arg9[%swap3A_293, %swap3A_294] {strides = array<i32>} : memref<128x80xf32, #tpu.memory_space<vmem>>, vector<1x16xf32>,
        %swap3A_296 = vector.shape_cast %swap3A_295 : vector<1x16xf32> to vector<16xf32>
        %swap3A_297 = vector.shape_cast %mul3A_292 : vector<16xf32> to vector<1x16xf32>
        tpu.vector_store %arg9[%swap3A_293, %swap3A_294], %swap3A_297 {strides = array<i32>} : memref<128x80xf32, #tpu.memory_space<vmem>>, vector<1x16xf32>,
        %get3A_298 = arith.index_cast %scan3A_245 : i32 to index
        %get3A_299 = arith.constant 48 : index
        %get3A_300 = tpu.vector_load %arg9[%get3A_298, %get3A_299] {strides = array<i32>} : memref<128x80xf32, #tpu.memory_space<vmem>>, vector<1x16xf32>,
        %get3A_301 = vector.shape_cast %get3A_300 : vector<1x16xf32> to vector<16xf32>
        %mul3A_302 = arith.mulf %get3A_301, %exp3A_262 : vector<16xf32>
        %swap3A_303 = arith.index_cast %scan3A_245 : i32 to index
        %swap3A_304 = arith.constant 48 : index
        %swap3A_305 = tpu.vector_load %arg9[%swap3A_303, %swap3A_304] {strides = array<i32>} : memref<128x80xf32, #tpu.memory_space<vmem>>, vector<1x16xf32>,
        %swap3A_306 = vector.shape_cast %swap3A_305 : vector<1x16xf32> to vector<16xf32>
        %swap3A_307 = vector.shape_cast %mul3A_302 : vector<16xf32> to vector<1x16xf32>
        tpu.vector_store %arg9[%swap3A_303, %swap3A_304], %swap3A_307 {strides = array<i32>} : memref<128x80xf32, #tpu.memory_space<vmem>>, vector<1x16xf32>,
      }
      %scan3A_56 = arith.constant 128 : i32
      "tpu.region"() ({
        %run_scoped3A_57 = tpu.sem_alloc : memref<!tpu.dma_semaphore, #tpu.memory_space<semaphore_mem>>
        %dma_start3A_58 = arith.constant 0 : i32
        %dma_start3A_59 = arith.constant 0 : i32
        %dma_start3A_60 = tpu.memref_slice %arg11[%dma_start3A_58, %dma_start3A_59] : memref<10112x80xf32, #tpu.memory_space<vmem_shared>> -> memref<10112x80xf32, #tpu.memory_space<vmem_shared>>
        tpu.enqueue_indirect_dma source(%arg9 : memref<128x80xf32, #tpu.memory_space<vmem>>) target(%dma_start3A_60 : memref<10112x80xf32, #tpu.memory_space<vmem_shared>>) offsets(%arg8 : memref<128xi32, #tpu.memory_space<vmem>>) semaphore(%run_scoped3A_57 : memref<!tpu.dma_semaphore, #tpu.memory_space<semaphore_mem>>) {add = true}
        %dma_wait3A_61 = arith.constant 0 : i32
        %dma_wait3A_62 = arith.constant 0 : i32
        %dma_wait3A_63 = tpu.memref_slice %arg11[%dma_wait3A_61, %dma_wait3A_62] : memref<10112x80xf32, #tpu.memory_space<vmem_shared>> -> memref<10112x80xf32, #tpu.memory_space<vmem_shared>>
        tpu.wait_indirect_dma semaphore(%run_scoped3A_57 : memref<!tpu.dma_semaphore, #tpu.memory_space<semaphore_mem>>) src(%arg9 : memref<128x80xf32, #tpu.memory_space<vmem>>) dst(%dma_wait3A_63 : memref<10112x80xf32, #tpu.memory_space<vmem_shared>>)
        tpu.yield
      }) : () -> ()
    }
    %while3A_29 = arith.constant 1 : i32
    scf.for %while3A_35 = %while3A_27 to %while3A_23 step %while3A_29  : i32 {
      %mul3A_36 = arith.constant 32 : i32
      %mul3A_37 = arith.muli %while3A_35, %mul3A_36 : i32
      %add3A_38 = arith.addi %mul3A_37, %add3A : i32
      %mul3A_39 = arith.constant 128 : i32
      %mul3A_40 = arith.muli %add3A_38, %mul3A_39 : i32
      %run_scoped3A = arith.constant 0 : i32
      "tpu.region"() ({
        %run_scoped3A_57 = tpu.sem_alloc : memref<!tpu.dma_semaphore, #tpu.memory_space<semaphore_mem>>
        %dma_start3A_58 = tpu.memref_slice %arg4[%run_scoped3A, %mul3A_40] : memref<2x320000xi32, #tpu.memory_space<hbm>> -> memref<1x128xi32, #tpu.memory_space<hbm>>
        %dma_start3A_59 = tpu.memref_squeeze %dma_start3A_58 : memref<1x128xi32, #tpu.memory_space<hbm>> -> memref<128xi32, #tpu.memory_space<hbm>>
        %dma_start3A_60 = tpu.memref_slice %arg4[%run_scoped3A, %mul3A_40] : memref<2x320000xi32, #tpu.memory_space<hbm>> -> memref<1x128xi32, #tpu.memory_space<hbm>>
        %dma_start3A_61 = tpu.memref_squeeze %dma_start3A_60 : memref<1x128xi32, #tpu.memory_space<hbm>> -> memref<128xi32, #tpu.memory_space<hbm>>
        tpu.enqueue_dma source(%dma_start3A_61 : memref<128xi32, #tpu.memory_space<hbm>>) target(%arg7 : memref<128xi32, #tpu.memory_space<vmem>>) target_semaphore(%run_scoped3A_57 : memref<!tpu.dma_semaphore, #tpu.memory_space<semaphore_mem>>)
        %dma_wait3A_62 = tpu.memref_slice %arg4[%run_scoped3A, %mul3A_40] : memref<2x320000xi32, #tpu.memory_space<hbm>> -> memref<1x128xi32, #tpu.memory_space<hbm>>
        %dma_wait3A_63 = tpu.memref_squeeze %dma_wait3A_62 : memref<1x128xi32, #tpu.memory_space<hbm>> -> memref<128xi32, #tpu.memory_space<hbm>>
        %dma_wait3A_64 = tpu.memref_slice %arg4[%run_scoped3A, %mul3A_40] : memref<2x320000xi32, #tpu.memory_space<hbm>> -> memref<1x128xi32, #tpu.memory_space<hbm>>
        %dma_wait3A_65 = tpu.memref_squeeze %dma_wait3A_64 : memref<1x128xi32, #tpu.memory_space<hbm>> -> memref<128xi32, #tpu.memory_space<hbm>>
        tpu.wait_dma2 semaphore(%run_scoped3A_57 : memref<!tpu.dma_semaphore, #tpu.memory_space<semaphore_mem>>) src(%dma_wait3A_65 : memref<128xi32, #tpu.memory_space<hbm>>) dst(%arg7 : memref<128xi32, #tpu.memory_space<vmem>>)
        tpu.yield
      }) : () -> ()
      %run_scoped3A_41 = arith.constant 1 : i32
      "tpu.region"() ({
        %run_scoped3A_57 = tpu.sem_alloc : memref<!tpu.dma_semaphore, #tpu.memory_space<semaphore_mem>>
        %dma_start3A_58 = tpu.memref_slice %arg4[%run_scoped3A_41, %mul3A_40] : memref<2x320000xi32, #tpu.memory_space<hbm>> -> memref<1x128xi32, #tpu.memory_space<hbm>>
        %dma_start3A_59 = tpu.memref_squeeze %dma_start3A_58 : memref<1x128xi32, #tpu.memory_space<hbm>> -> memref<128xi32, #tpu.memory_space<hbm>>
        %dma_start3A_60 = tpu.memref_slice %arg4[%run_scoped3A_41, %mul3A_40] : memref<2x320000xi32, #tpu.memory_space<hbm>> -> memref<1x128xi32, #tpu.memory_space<hbm>>
        %dma_start3A_61 = tpu.memref_squeeze %dma_start3A_60 : memref<1x128xi32, #tpu.memory_space<hbm>> -> memref<128xi32, #tpu.memory_space<hbm>>
        tpu.enqueue_dma source(%dma_start3A_61 : memref<128xi32, #tpu.memory_space<hbm>>) target(%arg8 : memref<128xi32, #tpu.memory_space<vmem>>) target_semaphore(%run_scoped3A_57 : memref<!tpu.dma_semaphore, #tpu.memory_space<semaphore_mem>>)
        %dma_wait3A_62 = tpu.memref_slice %arg4[%run_scoped3A_41, %mul3A_40] : memref<2x320000xi32, #tpu.memory_space<hbm>> -> memref<1x128xi32, #tpu.memory_space<hbm>>
        %dma_wait3A_63 = tpu.memref_squeeze %dma_wait3A_62 : memref<1x128xi32, #tpu.memory_space<hbm>> -> memref<128xi32, #tpu.memory_space<hbm>>
        %dma_wait3A_64 = tpu.memref_slice %arg4[%run_scoped3A_41, %mul3A_40] : memref<2x320000xi32, #tpu.memory_space<hbm>> -> memref<1x128xi32, #tpu.memory_space<hbm>>
        %dma_wait3A_65 = tpu.memref_squeeze %dma_wait3A_64 : memref<1x128xi32, #tpu.memory_space<hbm>> -> memref<128xi32, #tpu.memory_space<hbm>>
        tpu.wait_dma2 semaphore(%run_scoped3A_57 : memref<!tpu.dma_semaphore, #tpu.memory_space<semaphore_mem>>) src(%dma_wait3A_65 : memref<128xi32, #tpu.memory_space<hbm>>) dst(%arg8 : memref<128xi32, #tpu.memory_space<vmem>>)
        tpu.yield
      }) : () -> ()
      %dma_start3A = arith.constant 0 : i32
      %dma_start3A_42 = arith.constant 0 : i32
      %dma_start3A_43 = tpu.memref_slice %arg2[%dma_start3A, %dma_start3A_42] : memref<10000x80xf32, #tpu.memory_space<hbm>> -> memref<10000x80xf32, #tpu.memory_space<hbm>>
      tpu.enqueue_indirect_dma source(%dma_start3A_43 : memref<10000x80xf32, #tpu.memory_space<hbm>>) target(%arg9 : memref<128x80xf32, #tpu.memory_space<vmem>>) offsets(%arg7 : memref<128xi32, #tpu.memory_space<vmem>>) semaphore(%arg12 : memref<!tpu.dma_semaphore, #tpu.memory_space<semaphore_mem>>)
      %dma_start3A_44 = arith.constant 0 : i32
      %dma_start3A_45 = arith.constant 0 : i32
      %dma_start3A_46 = tpu.memref_slice %arg3[%dma_start3A_44, %dma_start3A_45] : memref<10000x16xf32, #tpu.memory_space<hbm>> -> memref<10000x16xf32, #tpu.memory_space<hbm>>
      tpu.enqueue_indirect_dma source(%dma_start3A_46 : memref<10000x16xf32, #tpu.memory_space<hbm>>) target(%arg10 : memref<128x16xf32, #tpu.memory_space<vmem>>) offsets(%arg8 : memref<128xi32, #tpu.memory_space<vmem>>) semaphore(%arg13 : memref<!tpu.dma_semaphore, #tpu.memory_space<semaphore_mem>>)
      %dma_wait3A = arith.constant 0 : i32
      %dma_wait3A_47 = arith.constant 0 : i32
      %dma_wait3A_48 = tpu.memref_slice %arg2[%dma_wait3A, %dma_wait3A_47] : memref<10000x80xf32, #tpu.memory_space<hbm>> -> memref<10000x80xf32, #tpu.memory_space<hbm>>
      tpu.wait_indirect_dma semaphore(%arg12 : memref<!tpu.dma_semaphore, #tpu.memory_space<semaphore_mem>>) src(%dma_wait3A_48 : memref<10000x80xf32, #tpu.memory_space<hbm>>) dst(%arg9 : memref<128x80xf32, #tpu.memory_space<vmem>>)
      %dma_wait3A_49 = arith.constant 0 : i32
      %dma_wait3A_50 = arith.constant 0 : i32
      %dma_wait3A_51 = tpu.memref_slice %arg3[%dma_wait3A_49, %dma_wait3A_50] : memref<10000x16xf32, #tpu.memory_space<hbm>> -> memref<10000x16xf32, #tpu.memory_space<hbm>>
      tpu.wait_indirect_dma semaphore(%arg13 : memref<!tpu.dma_semaphore, #tpu.memory_space<semaphore_mem>>) src(%dma_wait3A_51 : memref<10000x16xf32, #tpu.memory_space<hbm>>) dst(%arg10 : memref<128x16xf32, #tpu.memory_space<vmem>>)
      %scan3A = arith.constant 0 : i32
      %scan3A_52 = arith.constant 0 : i32
      %scan3A_53 = arith.constant 128 : i32
      %scan3A_54 = arith.addi %scan3A_52, %scan3A_53 : i32
      %scan3A_55 = arith.constant 4 : i32
      scf.for %scan3A_57 = %scan3A_52 to %scan3A_54 step %scan3A_55  : i32 {
        %get3A = arith.index_cast %scan3A_57 : i32 to index
        %get3A_58 = arith.constant 64 : index
        %get3A_59 = tpu.vector_load %arg9[%get3A, %get3A_58] {strides = array<i32>} : memref<128x80xf32, #tpu.memory_space<vmem>>, vector<1x16xf32>,
        %get3A_60 = vector.shape_cast %get3A_59 : vector<1x16xf32> to vector<16xf32>
        %get3A_61 = arith.index_cast %scan3A_57 : i32 to index
        %get3A_62 = arith.constant 0 : index
        %get3A_63 = tpu.vector_load %arg10[%get3A_61, %get3A_62] {strides = array<i32>} : memref<128x16xf32, #tpu.memory_space<vmem>>, vector<1x16xf32>,
        %get3A_64 = vector.shape_cast %get3A_63 : vector<1x16xf32> to vector<16xf32>
        %add3A_65 = arith.addf %get3A_60, %get3A_64 : vector<16xf32>
        %gt3A = arith.constant 0.000000e+00 : f32
        %gt3A_66 = vector.broadcast %gt3A : f32 to vector<16xf32>
        %gt3A_67 = arith.cmpf ogt, %add3A_65, %gt3A_66 : vector<16xf32>
        %mul3A_68 = arith.constant 2.000000e-01 : f32
        %mul3A_69 = vector.broadcast %mul3A_68 : f32 to vector<16xf32>
        %mul3A_70 = arith.mulf %mul3A_69, %add3A_65 : vector<16xf32>
        %select_n3A_71 = arith.select %gt3A_67, %add3A_65, %mul3A_70 : vector<16xi1>, vector<16xf32>
        %exp3A = math.exp %select_n3A_71 : vector<16xf32>
        %swap3A = arith.index_cast %scan3A_57 : i32 to index
        %swap3A_72 = arith.constant 64 : index
        %swap3A_73 = tpu.vector_load %arg9[%swap3A, %swap3A_72] {strides = array<i32>} : memref<128x80xf32, #tpu.memory_space<vmem>>, vector<1x16xf32>,
        %swap3A_74 = vector.shape_cast %swap3A_73 : vector<1x16xf32> to vector<16xf32>
        %swap3A_75 = vector.shape_cast %exp3A : vector<16xf32> to vector<1x16xf32>
        tpu.vector_store %arg9[%swap3A, %swap3A_72], %swap3A_75 {strides = array<i32>} : memref<128x80xf32, #tpu.memory_space<vmem>>, vector<1x16xf32>,
        %get3A_76 = arith.index_cast %scan3A_57 : i32 to index
        %get3A_77 = arith.constant 0 : index
        %get3A_78 = tpu.vector_load %arg9[%get3A_76, %get3A_77] {strides = array<i32>} : memref<128x80xf32, #tpu.memory_space<vmem>>, vector<1x16xf32>,
        %get3A_79 = vector.shape_cast %get3A_78 : vector<1x16xf32> to vector<16xf32>
        %mul3A_80 = arith.mulf %get3A_79, %exp3A : vector<16xf32>
        %swap3A_81 = arith.index_cast %scan3A_57 : i32 to index
        %swap3A_82 = arith.constant 0 : index
        %swap3A_83 = tpu.vector_load %arg9[%swap3A_81, %swap3A_82] {strides = array<i32>} : memref<128x80xf32, #tpu.memory_space<vmem>>, vector<1x16xf32>,
        %swap3A_84 = vector.shape_cast %swap3A_83 : vector<1x16xf32> to vector<16xf32>
        %swap3A_85 = vector.shape_cast %mul3A_80 : vector<16xf32> to vector<1x16xf32>
        tpu.vector_store %arg9[%swap3A_81, %swap3A_82], %swap3A_85 {strides = array<i32>} : memref<128x80xf32, #tpu.memory_space<vmem>>, vector<1x16xf32>,
        %get3A_86 = arith.index_cast %scan3A_57 : i32 to index
        %get3A_87 = arith.constant 16 : index
        %get3A_88 = tpu.vector_load %arg9[%get3A_86, %get3A_87] {strides = array<i32>} : memref<128x80xf32, #tpu.memory_space<vmem>>, vector<1x16xf32>,
        %get3A_89 = vector.shape_cast %get3A_88 : vector<1x16xf32> to vector<16xf32>
        %mul3A_90 = arith.mulf %get3A_89, %exp3A : vector<16xf32>
        %swap3A_91 = arith.index_cast %scan3A_57 : i32 to index
        %swap3A_92 = arith.constant 16 : index
        %swap3A_93 = tpu.vector_load %arg9[%swap3A_91, %swap3A_92] {strides = array<i32>} : memref<128x80xf32, #tpu.memory_space<vmem>>, vector<1x16xf32>,
        %swap3A_94 = vector.shape_cast %swap3A_93 : vector<1x16xf32> to vector<16xf32>
        %swap3A_95 = vector.shape_cast %mul3A_90 : vector<16xf32> to vector<1x16xf32>
        tpu.vector_store %arg9[%swap3A_91, %swap3A_92], %swap3A_95 {strides = array<i32>} : memref<128x80xf32, #tpu.memory_space<vmem>>, vector<1x16xf32>,
        %get3A_96 = arith.index_cast %scan3A_57 : i32 to index
        %get3A_97 = arith.constant 32 : index
        %get3A_98 = tpu.vector_load %arg9[%get3A_96, %get3A_97] {strides = array<i32>} : memref<128x80xf32, #tpu.memory_space<vmem>>, vector<1x16xf32>,
        %get3A_99 = vector.shape_cast %get3A_98 : vector<1x16xf32> to vector<16xf32>
        %mul3A_100 = arith.mulf %get3A_99, %exp3A : vector<16xf32>
        %swap3A_101 = arith.index_cast %scan3A_57 : i32 to index
        %swap3A_102 = arith.constant 32 : index
        %swap3A_103 = tpu.vector_load %arg9[%swap3A_101, %swap3A_102] {strides = array<i32>} : memref<128x80xf32, #tpu.memory_space<vmem>>, vector<1x16xf32>,
        %swap3A_104 = vector.shape_cast %swap3A_103 : vector<1x16xf32> to vector<16xf32>
        %swap3A_105 = vector.shape_cast %mul3A_100 : vector<16xf32> to vector<1x16xf32>
        tpu.vector_store %arg9[%swap3A_101, %swap3A_102], %swap3A_105 {strides = array<i32>} : memref<128x80xf32, #tpu.memory_space<vmem>>, vector<1x16xf32>,
        %get3A_106 = arith.index_cast %scan3A_57 : i32 to index
        %get3A_107 = arith.constant 48 : index
        %get3A_108 = tpu.vector_load %arg9[%get3A_106, %get3A_107] {strides = array<i32>} : memref<128x80xf32, #tpu.memory_space<vmem>>, vector<1x16xf32>,
        %get3A_109 = vector.shape_cast %get3A_108 : vector<1x16xf32> to vector<16xf32>
        %mul3A_110 = arith.mulf %get3A_109, %exp3A : vector<16xf32>
        %swap3A_111 = arith.index_cast %scan3A_57 : i32 to index
        %swap3A_112 = arith.constant 48 : index
        %swap3A_113 = tpu.vector_load %arg9[%swap3A_111, %swap3A_112] {strides = array<i32>} : memref<128x80xf32, #tpu.memory_space<vmem>>, vector<1x16xf32>,
        %swap3A_114 = vector.shape_cast %swap3A_113 : vector<1x16xf32> to vector<16xf32>
        %swap3A_115 = vector.shape_cast %mul3A_110 : vector<16xf32> to vector<1x16xf32>
        tpu.vector_store %arg9[%swap3A_111, %swap3A_112], %swap3A_115 {strides = array<i32>} : memref<128x80xf32, #tpu.memory_space<vmem>>, vector<1x16xf32>,
        %scan3A_116 = arith.constant 1 : i32
        %scan3A_117 = arith.addi %scan3A_57, %scan3A_116 : i32
        %get3A_118 = arith.index_cast %scan3A_117 : i32 to index
        %get3A_119 = arith.constant 64 : index
        %get3A_120 = tpu.vector_load %arg9[%get3A_118, %get3A_119] {strides = array<i32>} : memref<128x80xf32, #tpu.memory_space<vmem>>, vector<1x16xf32>,
        %get3A_121 = vector.shape_cast %get3A_120 : vector<1x16xf32> to vector<16xf32>
        %get3A_122 = arith.index_cast %scan3A_117 : i32 to index
        %get3A_123 = arith.constant 0 : index
        %get3A_124 = tpu.vector_load %arg10[%get3A_122, %get3A_123] {strides = array<i32>} : memref<128x16xf32, #tpu.memory_space<vmem>>, vector<1x16xf32>,
        %get3A_125 = vector.shape_cast %get3A_124 : vector<1x16xf32> to vector<16xf32>
        %add3A_126 = arith.addf %get3A_121, %get3A_125 : vector<16xf32>
        %gt3A_127 = arith.constant 0.000000e+00 : f32
        %gt3A_128 = vector.broadcast %gt3A_127 : f32 to vector<16xf32>
        %gt3A_129 = arith.cmpf ogt, %add3A_126, %gt3A_128 : vector<16xf32>
        %mul3A_130 = arith.constant 2.000000e-01 : f32
        %mul3A_131 = vector.broadcast %mul3A_130 : f32 to vector<16xf32>
        %mul3A_132 = arith.mulf %mul3A_131, %add3A_126 : vector<16xf32>
        %select_n3A_133 = arith.select %gt3A_129, %add3A_126, %mul3A_132 : vector<16xi1>, vector<16xf32>
        %exp3A_134 = math.exp %select_n3A_133 : vector<16xf32>
        %swap3A_135 = arith.index_cast %scan3A_117 : i32 to index
        %swap3A_136 = arith.constant 64 : index
        %swap3A_137 = tpu.vector_load %arg9[%swap3A_135, %swap3A_136] {strides = array<i32>} : memref<128x80xf32, #tpu.memory_space<vmem>>, vector<1x16xf32>,
        %swap3A_138 = vector.shape_cast %swap3A_137 : vector<1x16xf32> to vector<16xf32>
        %swap3A_139 = vector.shape_cast %exp3A_134 : vector<16xf32> to vector<1x16xf32>
        tpu.vector_store %arg9[%swap3A_135, %swap3A_136], %swap3A_139 {strides = array<i32>} : memref<128x80xf32, #tpu.memory_space<vmem>>, vector<1x16xf32>,
        %get3A_140 = arith.index_cast %scan3A_117 : i32 to index
        %get3A_141 = arith.constant 0 : index
        %get3A_142 = tpu.vector_load %arg9[%get3A_140, %get3A_141] {strides = array<i32>} : memref<128x80xf32, #tpu.memory_space<vmem>>, vector<1x16xf32>,
        %get3A_143 = vector.shape_cast %get3A_142 : vector<1x16xf32> to vector<16xf32>
        %mul3A_144 = arith.mulf %get3A_143, %exp3A_134 : vector<16xf32>
        %swap3A_145 = arith.index_cast %scan3A_117 : i32 to index
        %swap3A_146 = arith.constant 0 : index
        %swap3A_147 = tpu.vector_load %arg9[%swap3A_145, %swap3A_146] {strides = array<i32>} : memref<128x80xf32, #tpu.memory_space<vmem>>, vector<1x16xf32>,
        %swap3A_148 = vector.shape_cast %swap3A_147 : vector<1x16xf32> to vector<16xf32>
        %swap3A_149 = vector.shape_cast %mul3A_144 : vector<16xf32> to vector<1x16xf32>
        tpu.vector_store %arg9[%swap3A_145, %swap3A_146], %swap3A_149 {strides = array<i32>} : memref<128x80xf32, #tpu.memory_space<vmem>>, vector<1x16xf32>,
        %get3A_150 = arith.index_cast %scan3A_117 : i32 to index
        %get3A_151 = arith.constant 16 : index
        %get3A_152 = tpu.vector_load %arg9[%get3A_150, %get3A_151] {strides = array<i32>} : memref<128x80xf32, #tpu.memory_space<vmem>>, vector<1x16xf32>,
        %get3A_153 = vector.shape_cast %get3A_152 : vector<1x16xf32> to vector<16xf32>
        %mul3A_154 = arith.mulf %get3A_153, %exp3A_134 : vector<16xf32>
        %swap3A_155 = arith.index_cast %scan3A_117 : i32 to index
        %swap3A_156 = arith.constant 16 : index
        %swap3A_157 = tpu.vector_load %arg9[%swap3A_155, %swap3A_156] {strides = array<i32>} : memref<128x80xf32, #tpu.memory_space<vmem>>, vector<1x16xf32>,
        %swap3A_158 = vector.shape_cast %swap3A_157 : vector<1x16xf32> to vector<16xf32>
        %swap3A_159 = vector.shape_cast %mul3A_154 : vector<16xf32> to vector<1x16xf32>
        tpu.vector_store %arg9[%swap3A_155, %swap3A_156], %swap3A_159 {strides = array<i32>} : memref<128x80xf32, #tpu.memory_space<vmem>>, vector<1x16xf32>,
        %get3A_160 = arith.index_cast %scan3A_117 : i32 to index
        %get3A_161 = arith.constant 32 : index
        %get3A_162 = tpu.vector_load %arg9[%get3A_160, %get3A_161] {strides = array<i32>} : memref<128x80xf32, #tpu.memory_space<vmem>>, vector<1x16xf32>,
        %get3A_163 = vector.shape_cast %get3A_162 : vector<1x16xf32> to vector<16xf32>
        %mul3A_164 = arith.mulf %get3A_163, %exp3A_134 : vector<16xf32>
        %swap3A_165 = arith.index_cast %scan3A_117 : i32 to index
        %swap3A_166 = arith.constant 32 : index
        %swap3A_167 = tpu.vector_load %arg9[%swap3A_165, %swap3A_166] {strides = array<i32>} : memref<128x80xf32, #tpu.memory_space<vmem>>, vector<1x16xf32>,
        %swap3A_168 = vector.shape_cast %swap3A_167 : vector<1x16xf32> to vector<16xf32>
        %swap3A_169 = vector.shape_cast %mul3A_164 : vector<16xf32> to vector<1x16xf32>
        tpu.vector_store %arg9[%swap3A_165, %swap3A_166], %swap3A_169 {strides = array<i32>} : memref<128x80xf32, #tpu.memory_space<vmem>>, vector<1x16xf32>,
        %get3A_170 = arith.index_cast %scan3A_117 : i32 to index
        %get3A_171 = arith.constant 48 : index
        %get3A_172 = tpu.vector_load %arg9[%get3A_170, %get3A_171] {strides = array<i32>} : memref<128x80xf32, #tpu.memory_space<vmem>>, vector<1x16xf32>,
        %get3A_173 = vector.shape_cast %get3A_172 : vector<1x16xf32> to vector<16xf32>
        %mul3A_174 = arith.mulf %get3A_173, %exp3A_134 : vector<16xf32>
        %swap3A_175 = arith.index_cast %scan3A_117 : i32 to index
        %swap3A_176 = arith.constant 48 : index
        %swap3A_177 = tpu.vector_load %arg9[%swap3A_175, %swap3A_176] {strides = array<i32>} : memref<128x80xf32, #tpu.memory_space<vmem>>, vector<1x16xf32>,
        %swap3A_178 = vector.shape_cast %swap3A_177 : vector<1x16xf32> to vector<16xf32>
        %swap3A_179 = vector.shape_cast %mul3A_174 : vector<16xf32> to vector<1x16xf32>
        tpu.vector_store %arg9[%swap3A_175, %swap3A_176], %swap3A_179 {strides = array<i32>} : memref<128x80xf32, #tpu.memory_space<vmem>>, vector<1x16xf32>,
        %scan3A_180 = arith.constant 2 : i32
        %scan3A_181 = arith.addi %scan3A_57, %scan3A_180 : i32
        %get3A_182 = arith.index_cast %scan3A_181 : i32 to index
        %get3A_183 = arith.constant 64 : index
        %get3A_184 = tpu.vector_load %arg9[%get3A_182, %get3A_183] {strides = array<i32>} : memref<128x80xf32, #tpu.memory_space<vmem>>, vector<1x16xf32>,
        %get3A_185 = vector.shape_cast %get3A_184 : vector<1x16xf32> to vector<16xf32>
        %get3A_186 = arith.index_cast %scan3A_181 : i32 to index
        %get3A_187 = arith.constant 0 : index
        %get3A_188 = tpu.vector_load %arg10[%get3A_186, %get3A_187] {strides = array<i32>} : memref<128x16xf32, #tpu.memory_space<vmem>>, vector<1x16xf32>,
        %get3A_189 = vector.shape_cast %get3A_188 : vector<1x16xf32> to vector<16xf32>
        %add3A_190 = arith.addf %get3A_185, %get3A_189 : vector<16xf32>
        %gt3A_191 = arith.constant 0.000000e+00 : f32
        %gt3A_192 = vector.broadcast %gt3A_191 : f32 to vector<16xf32>
        %gt3A_193 = arith.cmpf ogt, %add3A_190, %gt3A_192 : vector<16xf32>
        %mul3A_194 = arith.constant 2.000000e-01 : f32
        %mul3A_195 = vector.broadcast %mul3A_194 : f32 to vector<16xf32>
        %mul3A_196 = arith.mulf %mul3A_195, %add3A_190 : vector<16xf32>
        %select_n3A_197 = arith.select %gt3A_193, %add3A_190, %mul3A_196 : vector<16xi1>, vector<16xf32>
        %exp3A_198 = math.exp %select_n3A_197 : vector<16xf32>
        %swap3A_199 = arith.index_cast %scan3A_181 : i32 to index
        %swap3A_200 = arith.constant 64 : index
        %swap3A_201 = tpu.vector_load %arg9[%swap3A_199, %swap3A_200] {strides = array<i32>} : memref<128x80xf32, #tpu.memory_space<vmem>>, vector<1x16xf32>,
        %swap3A_202 = vector.shape_cast %swap3A_201 : vector<1x16xf32> to vector<16xf32>
        %swap3A_203 = vector.shape_cast %exp3A_198 : vector<16xf32> to vector<1x16xf32>
        tpu.vector_store %arg9[%swap3A_199, %swap3A_200], %swap3A_203 {strides = array<i32>} : memref<128x80xf32, #tpu.memory_space<vmem>>, vector<1x16xf32>,
        %get3A_204 = arith.index_cast %scan3A_181 : i32 to index
        %get3A_205 = arith.constant 0 : index
        %get3A_206 = tpu.vector_load %arg9[%get3A_204, %get3A_205] {strides = array<i32>} : memref<128x80xf32, #tpu.memory_space<vmem>>, vector<1x16xf32>,
        %get3A_207 = vector.shape_cast %get3A_206 : vector<1x16xf32> to vector<16xf32>
        %mul3A_208 = arith.mulf %get3A_207, %exp3A_198 : vector<16xf32>
        %swap3A_209 = arith.index_cast %scan3A_181 : i32 to index
        %swap3A_210 = arith.constant 0 : index
        %swap3A_211 = tpu.vector_load %arg9[%swap3A_209, %swap3A_210] {strides = array<i32>} : memref<128x80xf32, #tpu.memory_space<vmem>>, vector<1x16xf32>,
        %swap3A_212 = vector.shape_cast %swap3A_211 : vector<1x16xf32> to vector<16xf32>
        %swap3A_213 = vector.shape_cast %mul3A_208 : vector<16xf32> to vector<1x16xf32>
        tpu.vector_store %arg9[%swap3A_209, %swap3A_210], %swap3A_213 {strides = array<i32>} : memref<128x80xf32, #tpu.memory_space<vmem>>, vector<1x16xf32>,
        %get3A_214 = arith.index_cast %scan3A_181 : i32 to index
        %get3A_215 = arith.constant 16 : index
        %get3A_216 = tpu.vector_load %arg9[%get3A_214, %get3A_215] {strides = array<i32>} : memref<128x80xf32, #tpu.memory_space<vmem>>, vector<1x16xf32>,
        %get3A_217 = vector.shape_cast %get3A_216 : vector<1x16xf32> to vector<16xf32>
        %mul3A_218 = arith.mulf %get3A_217, %exp3A_198 : vector<16xf32>
        %swap3A_219 = arith.index_cast %scan3A_181 : i32 to index
        %swap3A_220 = arith.constant 16 : index
        %swap3A_221 = tpu.vector_load %arg9[%swap3A_219, %swap3A_220] {strides = array<i32>} : memref<128x80xf32, #tpu.memory_space<vmem>>, vector<1x16xf32>,
        %swap3A_222 = vector.shape_cast %swap3A_221 : vector<1x16xf32> to vector<16xf32>
        %swap3A_223 = vector.shape_cast %mul3A_218 : vector<16xf32> to vector<1x16xf32>
        tpu.vector_store %arg9[%swap3A_219, %swap3A_220], %swap3A_223 {strides = array<i32>} : memref<128x80xf32, #tpu.memory_space<vmem>>, vector<1x16xf32>,
        %get3A_224 = arith.index_cast %scan3A_181 : i32 to index
        %get3A_225 = arith.constant 32 : index
        %get3A_226 = tpu.vector_load %arg9[%get3A_224, %get3A_225] {strides = array<i32>} : memref<128x80xf32, #tpu.memory_space<vmem>>, vector<1x16xf32>,
        %get3A_227 = vector.shape_cast %get3A_226 : vector<1x16xf32> to vector<16xf32>
        %mul3A_228 = arith.mulf %get3A_227, %exp3A_198 : vector<16xf32>
        %swap3A_229 = arith.index_cast %scan3A_181 : i32 to index
        %swap3A_230 = arith.constant 32 : index
        %swap3A_231 = tpu.vector_load %arg9[%swap3A_229, %swap3A_230] {strides = array<i32>} : memref<128x80xf32, #tpu.memory_space<vmem>>, vector<1x16xf32>,
        %swap3A_232 = vector.shape_cast %swap3A_231 : vector<1x16xf32> to vector<16xf32>
        %swap3A_233 = vector.shape_cast %mul3A_228 : vector<16xf32> to vector<1x16xf32>
        tpu.vector_store %arg9[%swap3A_229, %swap3A_230], %swap3A_233 {strides = array<i32>} : memref<128x80xf32, #tpu.memory_space<vmem>>, vector<1x16xf32>,
        %get3A_234 = arith.index_cast %scan3A_181 : i32 to index
        %get3A_235 = arith.constant 48 : index
        %get3A_236 = tpu.vector_load %arg9[%get3A_234, %get3A_235] {strides = array<i32>} : memref<128x80xf32, #tpu.memory_space<vmem>>, vector<1x16xf32>,
        %get3A_237 = vector.shape_cast %get3A_236 : vector<1x16xf32> to vector<16xf32>
        %mul3A_238 = arith.mulf %get3A_237, %exp3A_198 : vector<16xf32>
        %swap3A_239 = arith.index_cast %scan3A_181 : i32 to index
        %swap3A_240 = arith.constant 48 : index
        %swap3A_241 = tpu.vector_load %arg9[%swap3A_239, %swap3A_240] {strides = array<i32>} : memref<128x80xf32, #tpu.memory_space<vmem>>, vector<1x16xf32>,
        %swap3A_242 = vector.shape_cast %swap3A_241 : vector<1x16xf32> to vector<16xf32>
        %swap3A_243 = vector.shape_cast %mul3A_238 : vector<16xf32> to vector<1x16xf32>
        tpu.vector_store %arg9[%swap3A_239, %swap3A_240], %swap3A_243 {strides = array<i32>} : memref<128x80xf32, #tpu.memory_space<vmem>>, vector<1x16xf32>,
        %scan3A_244 = arith.constant 3 : i32
        %scan3A_245 = arith.addi %scan3A_57, %scan3A_244 : i32
        %get3A_246 = arith.index_cast %scan3A_245 : i32 to index
        %get3A_247 = arith.constant 64 : index
        %get3A_248 = tpu.vector_load %arg9[%get3A_246, %get3A_247] {strides = array<i32>} : memref<128x80xf32, #tpu.memory_space<vmem>>, vector<1x16xf32>,
        %get3A_249 = vector.shape_cast %get3A_248 : vector<1x16xf32> to vector<16xf32>
        %get3A_250 = arith.index_cast %scan3A_245 : i32 to index
        %get3A_251 = arith.constant 0 : index
        %get3A_252 = tpu.vector_load %arg10[%get3A_250, %get3A_251] {strides = array<i32>} : memref<128x16xf32, #tpu.memory_space<vmem>>, vector<1x16xf32>,
        %get3A_253 = vector.shape_cast %get3A_252 : vector<1x16xf32> to vector<16xf32>
        %add3A_254 = arith.addf %get3A_249, %get3A_253 : vector<16xf32>
        %gt3A_255 = arith.constant 0.000000e+00 : f32
        %gt3A_256 = vector.broadcast %gt3A_255 : f32 to vector<16xf32>
        %gt3A_257 = arith.cmpf ogt, %add3A_254, %gt3A_256 : vector<16xf32>
        %mul3A_258 = arith.constant 2.000000e-01 : f32
        %mul3A_259 = vector.broadcast %mul3A_258 : f32 to vector<16xf32>
        %mul3A_260 = arith.mulf %mul3A_259, %add3A_254 : vector<16xf32>
        %select_n3A_261 = arith.select %gt3A_257, %add3A_254, %mul3A_260 : vector<16xi1>, vector<16xf32>
        %exp3A_262 = math.exp %select_n3A_261 : vector<16xf32>
        %swap3A_263 = arith.index_cast %scan3A_245 : i32 to index
        %swap3A_264 = arith.constant 64 : index
        %swap3A_265 = tpu.vector_load %arg9[%swap3A_263, %swap3A_264] {strides = array<i32>} : memref<128x80xf32, #tpu.memory_space<vmem>>, vector<1x16xf32>,
        %swap3A_266 = vector.shape_cast %swap3A_265 : vector<1x16xf32> to vector<16xf32>
        %swap3A_267 = vector.shape_cast %exp3A_262 : vector<16xf32> to vector<1x16xf32>
        tpu.vector_store %arg9[%swap3A_263, %swap3A_264], %swap3A_267 {strides = array<i32>} : memref<128x80xf32, #tpu.memory_space<vmem>>, vector<1x16xf32>,
        %get3A_268 = arith.index_cast %scan3A_245 : i32 to index
        %get3A_269 = arith.constant 0 : index
        %get3A_270 = tpu.vector_load %arg9[%get3A_268, %get3A_269] {strides = array<i32>} : memref<128x80xf32, #tpu.memory_space<vmem>>, vector<1x16xf32>,
        %get3A_271 = vector.shape_cast %get3A_270 : vector<1x16xf32> to vector<16xf32>
        %mul3A_272 = arith.mulf %get3A_271, %exp3A_262 : vector<16xf32>
        %swap3A_273 = arith.index_cast %scan3A_245 : i32 to index
        %swap3A_274 = arith.constant 0 : index
        %swap3A_275 = tpu.vector_load %arg9[%swap3A_273, %swap3A_274] {strides = array<i32>} : memref<128x80xf32, #tpu.memory_space<vmem>>, vector<1x16xf32>,
        %swap3A_276 = vector.shape_cast %swap3A_275 : vector<1x16xf32> to vector<16xf32>
        %swap3A_277 = vector.shape_cast %mul3A_272 : vector<16xf32> to vector<1x16xf32>
        tpu.vector_store %arg9[%swap3A_273, %swap3A_274], %swap3A_277 {strides = array<i32>} : memref<128x80xf32, #tpu.memory_space<vmem>>, vector<1x16xf32>,
        %get3A_278 = arith.index_cast %scan3A_245 : i32 to index
        %get3A_279 = arith.constant 16 : index
        %get3A_280 = tpu.vector_load %arg9[%get3A_278, %get3A_279] {strides = array<i32>} : memref<128x80xf32, #tpu.memory_space<vmem>>, vector<1x16xf32>,
        %get3A_281 = vector.shape_cast %get3A_280 : vector<1x16xf32> to vector<16xf32>
        %mul3A_282 = arith.mulf %get3A_281, %exp3A_262 : vector<16xf32>
        %swap3A_283 = arith.index_cast %scan3A_245 : i32 to index
        %swap3A_284 = arith.constant 16 : index
        %swap3A_285 = tpu.vector_load %arg9[%swap3A_283, %swap3A_284] {strides = array<i32>} : memref<128x80xf32, #tpu.memory_space<vmem>>, vector<1x16xf32>,
        %swap3A_286 = vector.shape_cast %swap3A_285 : vector<1x16xf32> to vector<16xf32>
        %swap3A_287 = vector.shape_cast %mul3A_282 : vector<16xf32> to vector<1x16xf32>
        tpu.vector_store %arg9[%swap3A_283, %swap3A_284], %swap3A_287 {strides = array<i32>} : memref<128x80xf32, #tpu.memory_space<vmem>>, vector<1x16xf32>,
        %get3A_288 = arith.index_cast %scan3A_245 : i32 to index
        %get3A_289 = arith.constant 32 : index
        %get3A_290 = tpu.vector_load %arg9[%get3A_288, %get3A_289] {strides = array<i32>} : memref<128x80xf32, #tpu.memory_space<vmem>>, vector<1x16xf32>,
        %get3A_291 = vector.shape_cast %get3A_290 : vector<1x16xf32> to vector<16xf32>
        %mul3A_292 = arith.mulf %get3A_291, %exp3A_262 : vector<16xf32>
        %swap3A_293 = arith.index_cast %scan3A_245 : i32 to index
        %swap3A_294 = arith.constant 32 : index
        %swap3A_295 = tpu.vector_load %arg9[%swap3A_293, %swap3A_294] {strides = array<i32>} : memref<128x80xf32, #tpu.memory_space<vmem>>, vector<1x16xf32>,
        %swap3A_296 = vector.shape_cast %swap3A_295 : vector<1x16xf32> to vector<16xf32>
        %swap3A_297 = vector.shape_cast %mul3A_292 : vector<16xf32> to vector<1x16xf32>
        tpu.vector_store %arg9[%swap3A_293, %swap3A_294], %swap3A_297 {strides = array<i32>} : memref<128x80xf32, #tpu.memory_space<vmem>>, vector<1x16xf32>,
        %get3A_298 = arith.index_cast %scan3A_245 : i32 to index
        %get3A_299 = arith.constant 48 : index
        %get3A_300 = tpu.vector_load %arg9[%get3A_298, %get3A_299] {strides = array<i32>} : memref<128x80xf32, #tpu.memory_space<vmem>>, vector<1x16xf32>,
        %get3A_301 = vector.shape_cast %get3A_300 : vector<1x16xf32> to vector<16xf32>
        %mul3A_302 = arith.mulf %get3A_301, %exp3A_262 : vector<16xf32>
        %swap3A_303 = arith.index_cast %scan3A_245 : i32 to index
        %swap3A_304 = arith.constant 48 : index
        %swap3A_305 = tpu.vector_load %arg9[%swap3A_303, %swap3A_304] {strides = array<i32>} : memref<128x80xf32, #tpu.memory_space<vmem>>, vector<1x16xf32>,
        %swap3A_306 = vector.shape_cast %swap3A_305 : vector<1x16xf32> to vector<16xf32>
        %swap3A_307 = vector.shape_cast %mul3A_302 : vector<16xf32> to vector<1x16xf32>
        tpu.vector_store %arg9[%swap3A_303, %swap3A_304], %swap3A_307 {strides = array<i32>} : memref<128x80xf32, #tpu.memory_space<vmem>>, vector<1x16xf32>,
      }
      %scan3A_56 = arith.constant 128 : i32
      "tpu.region"() ({
        %run_scoped3A_57 = tpu.sem_alloc : memref<!tpu.dma_semaphore, #tpu.memory_space<semaphore_mem>>
        %dma_start3A_58 = arith.constant 0 : i32
        %dma_start3A_59 = arith.constant 0 : i32
        %dma_start3A_60 = tpu.memref_slice %arg11[%dma_start3A_58, %dma_start3A_59] : memref<10112x80xf32, #tpu.memory_space<vmem_shared>> -> memref<10112x80xf32, #tpu.memory_space<vmem_shared>>
        tpu.enqueue_indirect_dma source(%arg9 : memref<128x80xf32, #tpu.memory_space<vmem>>) target(%dma_start3A_60 : memref<10112x80xf32, #tpu.memory_space<vmem_shared>>) offsets(%arg8 : memref<128xi32, #tpu.memory_space<vmem>>) semaphore(%run_scoped3A_57 : memref<!tpu.dma_semaphore, #tpu.memory_space<semaphore_mem>>) {add = true}
        %dma_wait3A_61 = arith.constant 0 : i32
        %dma_wait3A_62 = arith.constant 0 : i32
        %dma_wait3A_63 = tpu.memref_slice %arg11[%dma_wait3A_61, %dma_wait3A_62] : memref<10112x80xf32, #tpu.memory_space<vmem_shared>> -> memref<10112x80xf32, #tpu.memory_space<vmem_shared>>
        tpu.wait_indirect_dma semaphore(%run_scoped3A_57 : memref<!tpu.dma_semaphore, #tpu.memory_space<semaphore_mem>>) src(%arg9 : memref<128x80xf32, #tpu.memory_space<vmem>>) dst(%dma_wait3A_63 : memref<10112x80xf32, #tpu.memory_space<vmem_shared>>)
        tpu.yield
      }) : () -> ()
    }
    %barrier3A_30 = arith.constant 0 : index
    tpu.barrier barrier_id(%barrier3A_30)
    %mul3A_31 = arith.constant 632 : i32
    %mul3A_32 = arith.muli %arg1, %mul3A_31 : i32
    %mul3A_33 = arith.constant 632 : i32
    %mul3A_34 = arith.muli %arg1, %mul3A_33 : i32
    "tpu.region"() ({
      %run_scoped3A = tpu.sem_alloc : memref<!tpu.dma_semaphore, #tpu.memory_space<semaphore_mem>>
      %dma_start3A = arith.constant 0 : i32
      %dma_start3A_35 = tpu.memref_slice %arg6[%arg0, %mul3A_34, %dma_start3A] : memref<2x10112x80xf32, #tpu.memory_space<hbm>> -> memref<1x632x80xf32, #tpu.memory_space<hbm>>
      %dma_start3A_36 = tpu.memref_squeeze %dma_start3A_35 : memref<1x632x80xf32, #tpu.memory_space<hbm>> -> memref<632x80xf32, #tpu.memory_space<hbm>>
      %dma_start3A_37 = arith.constant 0 : i32
      %dma_start3A_38 = tpu.memref_slice %arg11[%mul3A_32, %dma_start3A_37] : memref<10112x80xf32, #tpu.memory_space<vmem_shared>> -> memref<632x80xf32, #tpu.memory_space<vmem_shared>>
      tpu.enqueue_dma source(%dma_start3A_38 : memref<632x80xf32, #tpu.memory_space<vmem_shared>>) target(%dma_start3A_36 : memref<632x80xf32, #tpu.memory_space<hbm>>) target_semaphore(%run_scoped3A : memref<!tpu.dma_semaphore, #tpu.memory_space<semaphore_mem>>)
      %dma_wait3A = arith.constant 0 : i32
      %dma_wait3A_39 = tpu.memref_slice %arg6[%arg0, %mul3A_34, %dma_wait3A] : memref<2x10112x80xf32, #tpu.memory_space<hbm>> -> memref<1x632x80xf32, #tpu.memory_space<hbm>>
      %dma_wait3A_40 = tpu.memref_squeeze %dma_wait3A_39 : memref<1x632x80xf32, #tpu.memory_space<hbm>> -> memref<632x80xf32, #tpu.memory_space<hbm>>
      %dma_wait3A_41 = arith.constant 0 : i32
      %dma_wait3A_42 = tpu.memref_slice %arg11[%mul3A_32, %dma_wait3A_41] : memref<10112x80xf32, #tpu.memory_space<vmem_shared>> -> memref<632x80xf32, #tpu.memory_space<vmem_shared>>
      tpu.wait_dma2 semaphore(%run_scoped3A : memref<!tpu.dma_semaphore, #tpu.memory_space<semaphore_mem>>) src(%dma_wait3A_42 : memref<632x80xf32, #tpu.memory_space<vmem_shared>>) dst(%dma_wait3A_40 : memref<632x80xf32, #tpu.memory_space<hbm>>)
      tpu.yield
    }) : () -> ()
    return
  }
}

module attributes {stable_mosaic.version = 14 : i64} {
  func.func @_tc1_body(%arg0: i32, %arg1: memref<400x128xf32, #tpu.memory_space<vmem>>, %arg2: memref<128x144xf32, #tpu.memory_space<vmem>>, %arg3: memref<128x16xf32, #tpu.memory_space<vmem>>, %arg4: memref<400x144xf32, #tpu.memory_space<vmem>>, %arg5: memref<400x16xf32, #tpu.memory_space<vmem>>) attributes {dimension_semantics = [#tpu.dimension_semantics<arbitrary>], iteration_bounds = array<i64: 25>, scalar_prefetch = 0 : i64, scratch_operands = 0 : i64, tpu.core_type = #tpu.core_type<tc>, window_params = [{transform_indices = @transform_0, window_bounds = array<i64: 400, 128>}, {pipeline_mode = #tpu.pipeline_mode<synchronous>, transform_indices = @transform_1, window_bounds = array<i64: 128, 144>}, {pipeline_mode = #tpu.pipeline_mode<synchronous>, transform_indices = @transform_2, window_bounds = array<i64: 128, 16>}, {transform_indices = @transform_3, window_bounds = array<i64: 400, 144>}, {transform_indices = @transform_4, window_bounds = array<i64: 400, 16>}]} {
    %get3A = arith.constant 0 : index
    %get3A_0 = arith.constant 0 : index
    %get3A_1 = vector.load %arg1[%get3A, %get3A_0] : memref<400x128xf32, #tpu.memory_space<vmem>>, vector<400x128xf32>
    %get3A_2 = arith.constant 0 : index
    %get3A_3 = arith.constant 0 : index
    %get3A_4 = vector.load %arg2[%get3A_2, %get3A_3] : memref<128x144xf32, #tpu.memory_space<vmem>>, vector<128x144xf32>
    %dot_general3A = arith.constant dense<0.000000e+00> : vector<400x144xf32>
    %dot_general3A_5 = tpu.matmul %get3A_1, %get3A_4, %dot_general3A {dimension_numbers = #tpu.dot_dimension_numbers<[1], [0], [0], [1], [0, 0, 1, 1], [], []>, transpose_lhs_hint = false} : vector<400x128xf32>, vector<128x144xf32>, vector<400x144xf32> -> vector<400x144xf32>
    %swap3A = arith.constant 0 : index
    %swap3A_6 = arith.constant 0 : index
    %swap3A_7 = vector.load %arg4[%swap3A, %swap3A_6] : memref<400x144xf32, #tpu.memory_space<vmem>>, vector<400x144xf32>
    tpu.vector_store %arg4[%swap3A, %swap3A_6], %dot_general3A_5 {strides = array<i32>} : memref<400x144xf32, #tpu.memory_space<vmem>>, vector<400x144xf32>,
    %get3A_8 = arith.constant 0 : index
    %get3A_9 = arith.constant 0 : index
    %get3A_10 = vector.load %arg3[%get3A_8, %get3A_9] : memref<128x16xf32, #tpu.memory_space<vmem>>, vector<128x16xf32>
    %dot_general3A_11 = arith.constant dense<0.000000e+00> : vector<400x16xf32>
    %dot_general3A_12 = tpu.matmul %get3A_1, %get3A_10, %dot_general3A_11 {dimension_numbers = #tpu.dot_dimension_numbers<[1], [0], [0], [1], [0, 0, 1, 1], [], []>, transpose_lhs_hint = false} : vector<400x128xf32>, vector<128x16xf32>, vector<400x16xf32> -> vector<400x16xf32>
    %swap3A_13 = arith.constant 0 : index
    %swap3A_14 = arith.constant 0 : index
    %swap3A_15 = vector.load %arg5[%swap3A_13, %swap3A_14] : memref<400x16xf32, #tpu.memory_space<vmem>>, vector<400x16xf32>
    tpu.vector_store %arg5[%swap3A_13, %swap3A_14], %dot_general3A_12 {strides = array<i32>} : memref<400x16xf32, #tpu.memory_space<vmem>>, vector<400x16xf32>,
    return
  }
  func.func @transform_0(%arg0: i32) -> (i32, i32) {
    %c0_i32 = arith.constant 0 : i32
    %c0_i32_0 = arith.constant 0 : i32
    return %arg0, %c0_i32 : i32, i32
  }
  func.func @transform_1(%arg0: i32) -> (i32, i32) {
    %c0_i32 = arith.constant 0 : i32
    %c0_i32_0 = arith.constant 0 : i32
    %c0_i32_1 = arith.constant 0 : i32
    return %c0_i32, %c0_i32_0 : i32, i32
  }
  func.func @transform_2(%arg0: i32) -> (i32, i32) {
    %c0_i32 = arith.constant 0 : i32
    %c0_i32_0 = arith.constant 0 : i32
    %c0_i32_1 = arith.constant 0 : i32
    return %c0_i32, %c0_i32_0 : i32, i32
  }
  func.func @transform_3(%arg0: i32) -> (i32, i32) {
    %c0_i32 = arith.constant 0 : i32
    %c0_i32_0 = arith.constant 0 : i32
    return %arg0, %c0_i32 : i32, i32
  }
  func.func @transform_4(%arg0: i32) -> (i32, i32) {
    %c0_i32 = arith.constant 0 : i32
    %c0_i32_0 = arith.constant 0 : i32
    return %arg0, %c0_i32 : i32, i32
  }
}

module attributes {stable_mosaic.version = 14 : i64} {
  func.func @_tc2_body(%arg0: i32, %arg1: memref<2x400x144xf32, #tpu.memory_space<vmem>>, %arg2: memref<8x128xf32, #tpu.memory_space<vmem>>, %arg3: memref<1x128xf32, #tpu.memory_space<vmem>>, %arg4: memref<128x80xf32, #tpu.memory_space<vmem>>, %arg5: memref<128x16xf32, #tpu.memory_space<vmem>>, %arg6: memref<400x80xf32, #tpu.memory_space<vmem>>, %arg7: memref<400x16xf32, #tpu.memory_space<vmem>>) attributes {dimension_semantics = [#tpu.dimension_semantics<arbitrary>], iteration_bounds = array<i64: 25>, scalar_prefetch = 0 : i64, scratch_operands = 0 : i64, tpu.core_type = #tpu.core_type<tc>, window_params = [{transform_indices = @transform_0, window_bounds = array<i64: 2, 400, 144>}, {pipeline_mode = #tpu.pipeline_mode<synchronous>, transform_indices = @transform_1, window_bounds = array<i64: 8, 128>}, {pipeline_mode = #tpu.pipeline_mode<synchronous>, transform_indices = @transform_2, window_bounds = array<i64: 1, 128>}, {pipeline_mode = #tpu.pipeline_mode<synchronous>, transform_indices = @transform_3, window_bounds = array<i64: 128, 80>}, {pipeline_mode = #tpu.pipeline_mode<synchronous>, transform_indices = @transform_4, window_bounds = array<i64: 128, 16>}, {transform_indices = @transform_5, window_bounds = array<i64: 400, 80>}, {transform_indices = @transform_6, window_bounds = array<i64: 400, 16>}]} {
    %get3A = arith.constant 0 : index
    %get3A_0 = arith.constant 0 : index
    %get3A_1 = arith.constant 0 : index
    %get3A_2 = vector.load %arg1[%get3A, %get3A_0, %get3A_1] : memref<2x400x144xf32, #tpu.memory_space<vmem>>, vector<1x400x144xf32>
    %get3A_3 = vector.shape_cast %get3A_2 : vector<1x400x144xf32> to vector<400x144xf32>
    %get3A_4 = arith.constant 1 : index
    %get3A_5 = arith.constant 0 : index
    %get3A_6 = arith.constant 0 : index
    %get3A_7 = vector.load %arg1[%get3A_4, %get3A_5, %get3A_6] : memref<2x400x144xf32, #tpu.memory_space<vmem>>, vector<1x400x144xf32>
    %get3A_8 = vector.shape_cast %get3A_7 : vector<1x400x144xf32> to vector<400x144xf32>
    %add3A = arith.addf %get3A_3, %get3A_8 : vector<400x144xf32>
    %slice3A = vector.extract_strided_slice %add3A {offsets = [0, 0], sizes = [400, 128], strides = [1, 1]} : vector<400x144xf32> to vector<400x128xf32>
    %slice3A_9 = vector.extract_strided_slice %add3A {offsets = [0, 128], sizes = [400, 8], strides = [1, 1]} : vector<400x144xf32> to vector<400x8xf32>
    %get3A_10 = arith.constant 0 : index
    %get3A_11 = arith.constant 0 : index
    %get3A_12 = vector.load %arg2[%get3A_10, %get3A_11] : memref<8x128xf32, #tpu.memory_space<vmem>>, vector<8x128xf32>
    %dot_general3A = arith.constant dense<0.000000e+00> : vector<400x128xf32>
    %dot_general3A_13 = tpu.matmul %slice3A_9, %get3A_12, %dot_general3A {dimension_numbers = #tpu.dot_dimension_numbers<[1], [0], [0], [1], [0, 0, 1, 1], [], []>, transpose_lhs_hint = false} : vector<400x8xf32>, vector<8x128xf32>, vector<400x128xf32> -> vector<400x128xf32>
    %add3A_14 = arith.constant 1.000000e-16 : f32
    %add3A_15 = vector.broadcast %add3A_14 : f32 to vector<400x128xf32>
    %add3A_16 = arith.addf %dot_general3A_13, %add3A_15 : vector<400x128xf32>
    %div3A = arith.divf %slice3A, %add3A_16 : vector<400x128xf32>
    %get3A_17 = arith.constant 0 : index
    %get3A_18 = arith.constant 0 : index
    %get3A_19 = vector.load %arg3[%get3A_17, %get3A_18] : memref<1x128xf32, #tpu.memory_space<vmem>>, vector<1x128xf32>
    %add3A_20 = vector.broadcast %get3A_19 : vector<1x128xf32> to vector<400x128xf32>
    %add3A_21 = arith.addf %div3A, %add3A_20 : vector<400x128xf32>
    %max3A = arith.constant 0.000000e+00 : f32
    %max3A_22 = vector.broadcast %max3A : f32 to vector<400x128xf32>
    %max3A_23 = arith.maximumf %add3A_21, %max3A_22 : vector<400x128xf32>
    %get3A_24 = arith.constant 0 : index
    %get3A_25 = arith.constant 0 : index
    %get3A_26 = vector.load %arg4[%get3A_24, %get3A_25] : memref<128x80xf32, #tpu.memory_space<vmem>>, vector<128x80xf32>
    %dot_general3A_27 = arith.constant dense<0.000000e+00> : vector<400x80xf32>
    %dot_general3A_28 = tpu.matmul %max3A_23, %get3A_26, %dot_general3A_27 {dimension_numbers = #tpu.dot_dimension_numbers<[1], [0], [0], [1], [0, 0, 1, 1], [], []>, transpose_lhs_hint = false} : vector<400x128xf32>, vector<128x80xf32>, vector<400x80xf32> -> vector<400x80xf32>
    %swap3A = arith.constant 0 : index
    %swap3A_29 = arith.constant 0 : index
    %swap3A_30 = vector.load %arg6[%swap3A, %swap3A_29] : memref<400x80xf32, #tpu.memory_space<vmem>>, vector<400x80xf32>
    tpu.vector_store %arg6[%swap3A, %swap3A_29], %dot_general3A_28 {strides = array<i32>} : memref<400x80xf32, #tpu.memory_space<vmem>>, vector<400x80xf32>,
    %get3A_31 = arith.constant 0 : index
    %get3A_32 = arith.constant 0 : index
    %get3A_33 = vector.load %arg5[%get3A_31, %get3A_32] : memref<128x16xf32, #tpu.memory_space<vmem>>, vector<128x16xf32>
    %dot_general3A_34 = arith.constant dense<0.000000e+00> : vector<400x16xf32>
    %dot_general3A_35 = tpu.matmul %max3A_23, %get3A_33, %dot_general3A_34 {dimension_numbers = #tpu.dot_dimension_numbers<[1], [0], [0], [1], [0, 0, 1, 1], [], []>, transpose_lhs_hint = false} : vector<400x128xf32>, vector<128x16xf32>, vector<400x16xf32> -> vector<400x16xf32>
    %swap3A_36 = arith.constant 0 : index
    %swap3A_37 = arith.constant 0 : index
    %swap3A_38 = vector.load %arg7[%swap3A_36, %swap3A_37] : memref<400x16xf32, #tpu.memory_space<vmem>>, vector<400x16xf32>
    tpu.vector_store %arg7[%swap3A_36, %swap3A_37], %dot_general3A_35 {strides = array<i32>} : memref<400x16xf32, #tpu.memory_space<vmem>>, vector<400x16xf32>,
    return
  }
  func.func @transform_0(%arg0: i32) -> (i32, i32, i32) {
    %c0_i32 = arith.constant 0 : i32
    %c0_i32_0 = arith.constant 0 : i32
    %c0_i32_1 = arith.constant 0 : i32
    return %c0_i32, %arg0, %c0_i32_0 : i32, i32, i32
  }
  func.func @transform_1(%arg0: i32) -> (i32, i32) {
    %c0_i32 = arith.constant 0 : i32
    %c0_i32_0 = arith.constant 0 : i32
    %c0_i32_1 = arith.constant 0 : i32
    return %c0_i32, %c0_i32_0 : i32, i32
  }
  func.func @transform_2(%arg0: i32) -> (i32, i32) {
    %c0_i32 = arith.constant 0 : i32
    %c0_i32_0 = arith.constant 0 : i32
    %c0_i32_1 = arith.constant 0 : i32
    return %c0_i32, %c0_i32_0 : i32, i32
  }
  func.func @transform_3(%arg0: i32) -> (i32, i32) {
    %c0_i32 = arith.constant 0 : i32
    %c0_i32_0 = arith.constant 0 : i32
    %c0_i32_1 = arith.constant 0 : i32
    return %c0_i32, %c0_i32_0 : i32, i32
  }
  func.func @transform_4(%arg0: i32) -> (i32, i32) {
    %c0_i32 = arith.constant 0 : i32
    %c0_i32_0 = arith.constant 0 : i32
    %c0_i32_1 = arith.constant 0 : i32
    return %c0_i32, %c0_i32_0 : i32, i32
  }
  func.func @transform_5(%arg0: i32) -> (i32, i32) {
    %c0_i32 = arith.constant 0 : i32
    %c0_i32_0 = arith.constant 0 : i32
    return %arg0, %c0_i32 : i32, i32
  }
  func.func @transform_6(%arg0: i32) -> (i32, i32) {
    %c0_i32 = arith.constant 0 : i32
    %c0_i32_0 = arith.constant 0 : i32
    return %arg0, %c0_i32 : i32, i32
  }
}

module attributes {stable_mosaic.version = 14 : i64} {
  func.func @_tc3_body(%arg0: i32, %arg1: memref<2x400x80xf32, #tpu.memory_space<vmem>>, %arg2: memref<8x64xf32, #tpu.memory_space<vmem>>, %arg3: memref<64x64xf32, #tpu.memory_space<vmem>>, %arg4: memref<1x64xf32, #tpu.memory_space<vmem>>, %arg5: memref<400x64xf32, #tpu.memory_space<vmem>>, %arg6: memref<400x64xf32, #tpu.memory_space<vmem>>) attributes {dimension_semantics = [#tpu.dimension_semantics<arbitrary>], iteration_bounds = array<i64: 25>, scalar_prefetch = 0 : i64, scratch_operands = 0 : i64, tpu.core_type = #tpu.core_type<tc>, window_params = [{transform_indices = @transform_0, window_bounds = array<i64: 2, 400, 80>}, {pipeline_mode = #tpu.pipeline_mode<synchronous>, transform_indices = @transform_1, window_bounds = array<i64: 8, 64>}, {pipeline_mode = #tpu.pipeline_mode<synchronous>, transform_indices = @transform_2, window_bounds = array<i64: 64, 64>}, {pipeline_mode = #tpu.pipeline_mode<synchronous>, transform_indices = @transform_3, window_bounds = array<i64: 1, 64>}, {transform_indices = @transform_4, window_bounds = array<i64: 400, 64>}, {transform_indices = @transform_5, window_bounds = array<i64: 400, 64>}]} {
    %get3A = arith.constant 0 : index
    %get3A_0 = arith.constant 0 : index
    %get3A_1 = arith.constant 0 : index
    %get3A_2 = vector.load %arg1[%get3A, %get3A_0, %get3A_1] : memref<2x400x80xf32, #tpu.memory_space<vmem>>, vector<1x400x80xf32>
    %get3A_3 = vector.shape_cast %get3A_2 : vector<1x400x80xf32> to vector<400x80xf32>
    %get3A_4 = arith.constant 1 : index
    %get3A_5 = arith.constant 0 : index
    %get3A_6 = arith.constant 0 : index
    %get3A_7 = vector.load %arg1[%get3A_4, %get3A_5, %get3A_6] : memref<2x400x80xf32, #tpu.memory_space<vmem>>, vector<1x400x80xf32>
    %get3A_8 = vector.shape_cast %get3A_7 : vector<1x400x80xf32> to vector<400x80xf32>
    %add3A = arith.addf %get3A_3, %get3A_8 : vector<400x80xf32>
    %slice3A = vector.extract_strided_slice %add3A {offsets = [0, 0], sizes = [400, 64], strides = [1, 1]} : vector<400x80xf32> to vector<400x64xf32>
    %slice3A_9 = vector.extract_strided_slice %add3A {offsets = [0, 64], sizes = [400, 8], strides = [1, 1]} : vector<400x80xf32> to vector<400x8xf32>
    %get3A_10 = arith.constant 0 : index
    %get3A_11 = arith.constant 0 : index
    %get3A_12 = vector.load %arg2[%get3A_10, %get3A_11] : memref<8x64xf32, #tpu.memory_space<vmem>>, vector<8x64xf32>
    %dot_general3A = arith.constant dense<0.000000e+00> : vector<400x64xf32>
    %dot_general3A_13 = tpu.matmul %slice3A_9, %get3A_12, %dot_general3A {dimension_numbers = #tpu.dot_dimension_numbers<[1], [0], [0], [1], [0, 0, 1, 1], [], []>, transpose_lhs_hint = false} : vector<400x8xf32>, vector<8x64xf32>, vector<400x64xf32> -> vector<400x64xf32>
    %add3A_14 = arith.constant 1.000000e-16 : f32
    %add3A_15 = vector.broadcast %add3A_14 : f32 to vector<400x64xf32>
    %add3A_16 = arith.addf %dot_general3A_13, %add3A_15 : vector<400x64xf32>
    %div3A = arith.divf %slice3A, %add3A_16 : vector<400x64xf32>
    %get3A_17 = arith.constant 0 : index
    %get3A_18 = arith.constant 0 : index
    %get3A_19 = vector.load %arg3[%get3A_17, %get3A_18] : memref<64x64xf32, #tpu.memory_space<vmem>>, vector<64x64xf32>
    %dot_general3A_20 = arith.constant dense<0.000000e+00> : vector<400x64xf32>
    %dot_general3A_21 = tpu.matmul %div3A, %get3A_19, %dot_general3A_20 {dimension_numbers = #tpu.dot_dimension_numbers<[1], [0], [0], [1], [0, 0, 1, 1], [], []>, transpose_lhs_hint = false} : vector<400x64xf32>, vector<64x64xf32>, vector<400x64xf32> -> vector<400x64xf32>
    %get3A_22 = arith.constant 0 : index
    %get3A_23 = arith.constant 0 : index
    %get3A_24 = vector.load %arg4[%get3A_22, %get3A_23] : memref<1x64xf32, #tpu.memory_space<vmem>>, vector<1x64xf32>
    %add3A_25 = vector.broadcast %get3A_24 : vector<1x64xf32> to vector<400x64xf32>
    %add3A_26 = arith.addf %dot_general3A_21, %add3A_25 : vector<400x64xf32>
    %reduce_max3A = arith.constant dense<0xFF800000> : vector<400xf32>
    %reduce_max3A_27 = vector.multi_reduction <maximumf>, %add3A_26, %reduce_max3A [1] : vector<400x64xf32> to vector<400xf32>
    %broadcast_in_dim3A = vector.shape_cast %reduce_max3A_27 : vector<400xf32> to vector<400x1xf32>
    %sub3A = vector.broadcast %broadcast_in_dim3A : vector<400x1xf32> to vector<400x64xf32>
    %sub3A_28 = arith.subf %add3A_26, %sub3A : vector<400x64xf32>
    %exp3A = math.exp %sub3A_28 : vector<400x64xf32>
    %reduce_sum3A = arith.constant dense<0.000000e+00> : vector<400xf32>
    %reduce_sum3A_29 = vector.multi_reduction <add>, %exp3A, %reduce_sum3A [1] : vector<400x64xf32> to vector<400xf32>
    %broadcast_in_dim3A_30 = vector.shape_cast %reduce_sum3A_29 : vector<400xf32> to vector<400x1xf32>
    %log3A = math.log %broadcast_in_dim3A_30 : vector<400x1xf32>
    %add3A_31 = arith.addf %log3A, %broadcast_in_dim3A : vector<400x1xf32>
    %swap3A = arith.constant 0 : index
    %swap3A_32 = arith.constant 0 : index
    %swap3A_33 = vector.load %arg5[%swap3A, %swap3A_32] : memref<400x64xf32, #tpu.memory_space<vmem>>, vector<400x64xf32>
    tpu.vector_store %arg5[%swap3A, %swap3A_32], %add3A_26 {strides = array<i32>} : memref<400x64xf32, #tpu.memory_space<vmem>>, vector<400x64xf32>,
    %sub3A_34 = vector.broadcast %add3A_31 : vector<400x1xf32> to vector<400x64xf32>
    %sub3A_35 = arith.subf %add3A_26, %sub3A_34 : vector<400x64xf32>
    %swap3A_36 = arith.constant 0 : index
    %swap3A_37 = arith.constant 0 : index
    %swap3A_38 = vector.load %arg6[%swap3A_36, %swap3A_37] : memref<400x64xf32, #tpu.memory_space<vmem>>, vector<400x64xf32>
    tpu.vector_store %arg6[%swap3A_36, %swap3A_37], %sub3A_35 {strides = array<i32>} : memref<400x64xf32, #tpu.memory_space<vmem>>, vector<400x64xf32>,
    return
  }
  func.func @transform_0(%arg0: i32) -> (i32, i32, i32) {
    %c0_i32 = arith.constant 0 : i32
    %c0_i32_0 = arith.constant 0 : i32
    %c0_i32_1 = arith.constant 0 : i32
    return %c0_i32, %arg0, %c0_i32_0 : i32, i32, i32
  }
  func.func @transform_1(%arg0: i32) -> (i32, i32) {
    %c0_i32 = arith.constant 0 : i32
    %c0_i32_0 = arith.constant 0 : i32
    %c0_i32_1 = arith.constant 0 : i32
    return %c0_i32, %c0_i32_0 : i32, i32
  }
  func.func @transform_2(%arg0: i32) -> (i32, i32) {
    %c0_i32 = arith.constant 0 : i32
    %c0_i32_0 = arith.constant 0 : i32
    %c0_i32_1 = arith.constant 0 : i32
    return %c0_i32, %c0_i32_0 : i32, i32
  }
  func.func @transform_3(%arg0: i32) -> (i32, i32) {
    %c0_i32 = arith.constant 0 : i32
    %c0_i32_0 = arith.constant 0 : i32
    %c0_i32_1 = arith.constant 0 : i32
    return %c0_i32, %c0_i32_0 : i32, i32
  }
  func.func @transform_4(%arg0: i32) -> (i32, i32) {
    %c0_i32 = arith.constant 0 : i32
    %c0_i32_0 = arith.constant 0 : i32
    return %arg0, %c0_i32 : i32, i32
  }
  func.func @transform_5(%arg0: i32) -> (i32, i32) {
    %c0_i32 = arith.constant 0 : i32
    %c0_i32_0 = arith.constant 0 : i32
    return %arg0, %c0_i32 : i32, i32
  }
}

</mosaic_0001>

<sc_bundles>
// kernel: kernel.10.cloned.1.call-start
scs
__scs_entry_jumppad:
0x0: {  	(pc) =	sbr.rel $0x88, $3  }
0x1: {  	(tag) =	ssettag $0x0;
	lr =	simm.s32 $0x1  }
0x2: {  	[smem:$0x3F97] =	sst lr;
	_ =	strace $0xD0000000  }
0x3: {  	_ = 	snop  }
0x4: {  	_ = 	snop  }
0x5: {  	_ = 	snop  }
0x6: {  	_ = 	snop  }
0x7: {  	_ = 	snop  }
__scs_overlays_trampoline_lowered:
0x8: {  	[smem:$0x3FA6] =	sst s0  }
0x9: {  	[smem:$0x3FA7] =	sst s1  }
0xa: {  	[smem:$0x3FA8] =	sst s2  }
0xb: {  	[smem:$0x3FA9] =	sst s3  }
0xc: {  	[smem:$0x3FAA] =	sst s4  }
0xd: {  	[smem:$0x3FAB] =	sst s5  }
0xe: {  	[smem:$0x3FAC] =	sst s6  }
0xf: {  	[smem:$0x3FAD] =	sst s7  }
0x10: {  	[smem:$0x3FAE] =	sst s8  }
0x11: {  	[smem:$0x3FAF] =	sst s9;
	s0 =	simm.s32 @!p0 $0x0  }
0x12: {  	s1 =	sld [smem:$0x3F95];
	s0 =	simm.s32 @p0 $0x1  }
0x13: {  	[smem:$0x3FB0] =	sst s0;
	s0 =	simm.s32 @!p1 $0x0  }
0x14: {  	s2 =	sld [smem:$0x3F94];
	s0 =	simm.s32 @p1 $0x1  }
0x15: {  	[smem:$0x3FB1] =	sst s0;
	s0 =	simm.s32 @!p2 $0x0  }
0x16: {  	s3 =	sld [smem:$0x3FDB];
	s0 =	simm.s32 @p2 $0x1  }
0x17: {  	s4 =	simm.s32 $0x1BF5;
	[smem:$0x3FB3] =	sst s0  }
0x18: {  	s0 =	sld [smem:$0x3F96];
	_ =	swait.ge [sflag:s4], $0x0  }
0x19: {  	s7 =	sld [smem:$0x3F97]  }
0x1a: {  	s8 =	sadd.s32 $0xFFFFE003, lr  }
0x1b: {  	s9 =	sadd.s32 $0xFFFFFEF7, lr;
	s5 =	simm.s32 $0xFFFFFFFF;
	p2 =	slt.u32 s8, $0xFFFFF086  }
0x1c: {  	p1 =	slt.u32 s9, $0xF7A;
	s5 =	simm.s32 @!p2 $0x0  }
0x1d: {  	s5 =	simm.s32 @p1 $0x1;
	p0 =	seq.s32 s7, s2  }
0x1e: {  	s7 =	smul.u32 @!p0 $0xF7A, s2;
	p2 =	seq.s32 @!p0 s5, $0x0  }
0x1f: {  	s9 =	smul.u32 $0xF7A, s1;
	s8 =	simm.s32 @!p0 $0x1BF5;
	p2 =	por !p2, p0  }
0x20: {  	[sflag:s8] =	ssyncset.s32 @!p0 $0xFFFFF086;
	s6 =	sadd.s32 @!p0 s3, s7;
	s7 =	simm.s32 @!p0 $0x108  }
0x21: {  	s3 =	sadd.s32 s3, s9;
	s6 =	sadd.s32 @!p0 $0x88, s6;
	s7 =	simm.s32 @p2 $0x1082  }
0x22: {  	[simem:s7], [sflag:s8] =	dma.local @!p0 [hbm:s6], $0xF7A  }
0x23: {  	s9 =	sor.u32 $0xD0000000, s2;
	s6 =	simm.s32 $0x108;
	_ =	swait.ge @!p0 [sflag:s8], $0x0  }
0x24: {  	s3 =	sadd.s32 $0x88, s3;
	s6 =	simm.s32 @!p1 $0x1082;
	[sflag:s4] =	ssyncset.s32 $0xFFFFF086  }
0x25: {  	[simem:s6], [sflag:s4] =	dma.local [hbm:s3], $0xF7A  }
0x26: {  	[smem:$0x3F97] =	sst s1;
	(tag) =	ssettag s2;
	_ =	strace s9  }
0x27: {  	s1 =	sld [smem:$0x3FA7]  }
0x28: {  	s2 =	sld [smem:$0x3FA8]  }
0x29: {  	s4 =	sld [smem:$0x3FAA]  }
0x2a: {  	p0 =	seq.s32 s5, $0x0;
	s5 =	sld [smem:$0x3FAB]  }
0x2b: {  	s6 =	sld [smem:$0x3FAC]  }
0x2c: {  	s7 =	sld [smem:$0x3FAD]  }
0x2d: {  	s3 =	simm.s32 $0x108;
	s8 =	sld [smem:$0x3FAE]  }
0x2e: {  	s3 =	simm.s32 @!p0 $0x1082;
	s9 =	sld [smem:$0x3FAF]  }
0x2f: {  	lr =	sadd.s32 s0, s3;
	s0 =	sld [smem:$0x3FA6]  }
0x30: {  	s3 =	sld [smem:$0x3FA9]  }
0x31: {  	[smem:$0x3FB2] =	sst s10  }
0x32: {  	s10 =	sld [smem:$0x3FB0];
	_ =	sdelay $0x3  }
0x33: {  	p0 =	seq.s32 s10, $0x1;
	s10 =	sld [smem:$0x3FB2];
	_ =	sdelay $0x3  }
0x34: {  	[smem:$0x3FB2] =	sst s10  }
0x35: {  	s10 =	sld [smem:$0x3FB1];
	_ =	sdelay $0x3  }
0x36: {  	p1 =	seq.s32 s10, $0x1;
	s10 =	sld [smem:$0x3FB2];
	_ =	sdelay $0x3  }
0x37: {  	[smem:$0x3FB2] =	sst s10  }
0x38: {  	s10 =	sld [smem:$0x3FB3]  }
0x39: {  	_ = 	snop;
	(pc) =	sbr.ind lr, $3  }
0x3a: {  	_ = 	snop  }
0x3b: {  	_ = 	snop  }
0x3c: {  	p2 =	seq.s32 s10, $0x1;
	s10 =	sld [smem:$0x3FB2]  }
0x3d: {  	_ =	shalt  }
0x3e: {  	_ =	shalt  }
0x3f: {  	_ =	shalt  }
0x40: {  	_ =	shalt  }
0x41: {  	_ =	shalt  }
0x42: {  	_ =	shalt  }
0x43: {  	_ =	shalt  }
0x44: {  	_ =	shalt  }
0x45: {  	_ =	shalt  }
0x46: {  	_ =	shalt  }
0x47: {  	_ =	shalt  }
0x48: {  	_ =	shalt  }
0x49: {  	_ =	shalt  }
0x4a: {  	_ =	shalt  }
0x4b: {  	_ =	shalt  }
0x4c: {  	_ =	shalt  }
0x4d: {  	_ =	shalt  }
0x4e: {  	_ =	shalt  }
0x4f: {  	_ =	shalt  }
0x50: {  	_ =	shalt  }
0x51: {  	_ =	shalt  }
0x52: {  	_ =	shalt  }
0x53: {  	_ =	shalt  }
0x54: {  	_ =	shalt  }
0x55: {  	_ =	shalt  }
0x56: {  	_ =	shalt  }
0x57: {  	_ =	shalt  }
0x58: {  	_ =	shalt  }
0x59: {  	_ =	shalt  }
0x5a: {  	_ =	shalt  }
0x5b: {  	_ =	shalt  }
0x5c: {  	_ =	shalt  }
0x5d: {  	_ =	shalt  }
0x5e: {  	_ =	shalt  }
0x5f: {  	_ =	shalt  }
0x60: {  	_ =	shalt  }
0x61: {  	_ =	shalt  }
0x62: {  	_ =	shalt  }
0x63: {  	_ =	shalt  }
0x64: {  	_ =	shalt  }
0x65: {  	_ =	shalt  }
0x66: {  	_ =	shalt  }
0x67: {  	_ =	shalt  }
0x68: {  	_ =	shalt  }
0x69: {  	_ =	shalt  }
0x6a: {  	_ =	shalt  }
0x6b: {  	_ =	shalt  }
0x6c: {  	_ =	shalt  }
0x6d: {  	_ =	shalt  }
0x6e: {  	_ =	shalt  }
0x6f: {  	_ =	shalt  }
0x70: {  	_ =	shalt  }
0x71: {  	_ =	shalt  }
0x72: {  	_ =	shalt  }
0x73: {  	_ =	shalt  }
0x74: {  	_ =	shalt  }
0x75: {  	_ =	shalt  }
0x76: {  	_ =	shalt  }
0x77: {  	_ =	shalt  }
0x78: {  	_ =	shalt  }
0x79: {  	_ =	shalt  }
0x7a: {  	_ =	shalt  }
0x7b: {  	_ =	shalt  }
0x7c: {  	_ =	shalt  }
0x7d: {  	_ =	shalt  }
0x7e: {  	_ =	shalt  }
0x7f: {  	_ =	shalt  }
0x80: {  	_ =	shalt  }
0x81: {  	_ =	shalt  }
0x82: {  	_ =	shalt  }
0x83: {  	_ =	shalt  }
0x84: {  	_ =	shalt  }
0x85: {  	_ =	shalt  }
0x86: {  	_ =	shalt  }
0x87: {  	_ =	shalt  }
.Lfunc_end0:
.L_simem_size_0:
called_computation.1_lowered:
.L_overlay_start_0:
0x88: {  	s2 =	sld [smem:$0x3FD9]  }
0x89: {  	s3 =	sld [smem:$0x3FFE];
	_ =	sdelay $0x1  }
0x8a: {  	s1 =	srdreg.scid  }
0x8b: {  	s0 =	sand.u32 $0x1, s1  }
0x8c: {  	s14 =	sshll.u32 s0, $0xA;
	s2 =	sadd.s32 s3, s2  }
0x8d: {  	s2 =	sadd.s32 s2, s14  }
0x8e: {  	[smem:$0x3FBE] =	sst s2  }
0x8f: {  	_ = 	snop  }
0x90: {  	s2 =	sld [smem:$0x3FD0];
	_ =	sdelay $0x2  }
0x91: {  	s15 =	simm.s32 $0xA;
	s4 =	simm.s32 $0x10  }
0x92: {  	[smem:s4], [sflag:s15] =	dma.local [hbm:s2], $0x1  }
0x93: {  	_ =	swait.eq [sflag:s15], $0x1  }
0x94: {  	[sflag:s15] =	ssyncset.done $0x0  }
0x95: {  	s16 =	sld [smem:$0x10];
	[sflag:s15] =	ssyncadd.s32 $0xFFFFFFFF  }
0x96: {  	s17 =	sld [smem:$0x11];
	(tm) =	ssettm $0x1  }
0x97: {  	s18 =	sld [smem:$0x3FFB];
	_ =	sdelay $0x3  }
0x98: {  	_ =	strace s18  }
0x99: {  	s4 =	sld [smem:$0x3FFC];
	_ =	sdelay $0x3  }
0x9a: {  	_ =	strace s4  }
0x9b: {  	s4 =	sld [smem:$0x3FFD];
	_ =	sdelay $0x3  }
0x9c: {  	_ =	strace s4  }
0x9d: {  	_ =	strace $0x8FFFFFFF  }
0x9e: {  	s19 =	sld [smem:$0x3FDB];
	_ =	sdelay $0x1  }
0x9f: {  	s5 =	simm.s32 $_scs_section_size  }
0xa0: {  	s6 =	simm.s32 $_size__tile_overlayer_lowered;
	s7 =	simm.s32 $_tile_overlayer_lowered  }
0xa1: {  	s22 =	simm.s32 $0x1BFF;
	s21 =	sshll.u32 s7, $0x1;
	s4 =	sadd.s32 s5, s19  }
0xa2: {  	s8 =	simm.s32 $0x0;
	s20 =	sshll.u32 s6, $0x1;
	s6 =	sadd.s32 s21, s4  }
0xa3: {  	[timem:s8], [sflag:s22] =	dma.local [hbm:s6], s20  }
0xa4: {  	_ =	swait.ge [sflag:s22], s20  }
0xa5: {  	s5 =	ssub.s32 $0x0, s20;
	[sflag:s22] =	ssyncset.done $0x0  }
0xa6: {  	[sflag:s22] =	ssyncadd.s32 s5;
	_ =	sdelay $0x1  }
0xa7: {  	s23 =	simm.s32 $0x1B8B  }
0xa8: {  	_ =	swait.ge [sflag:s23], $0x1  }
0xa9: {  	[sflag:s23] =	ssyncset.done $0x0  }
0xaa: {  	s25 =	simm.s32 $0x1B8E;
	s24 =	sld [smem:$0x3FFE];
	[sflag:s23] =	ssyncadd.s32 $0xFFFFFFFF  }
0xab: {  	s26 =	simm.s32 $execute0_lowered;
	[smem:$0x3FD2] =	sst s25  }
0xac: {  	s6 =	sshll.u32 s26, $0x1;
	_ =	strace $0x80000049;
	[dreg:$0x1] =	wrdreg $0xFFFFFFFF  }
0xad: {  	s28 =	simm.s32 $_size_execute0_lowered;
	s4 =	sadd.s32 s4, s6;
	[dreg:$0x0] =	wrdreg $0x0  }
0xae: {  	s6 =	sshll.u32 s28, $0x1;
	[dreg:$0x2] =	wrdreg s4  }
0xaf: {  	[dreg:$0x3] =	wrdreg s6  }
0xb0: {  	[dreg:$0x4] =	wrdreg $0xC0  }
0xb1: {  	_ =	task [dreg:s8], $0x5FFFF  }
0xb2: {  	[dreg:$0x1] =	wrdreg $0xFFFFFFFF  }
0xb3: {  	[dreg:$0x0] =	wrdreg $0x60  }
0xb4: {  	[dreg:$0x2] =	wrdreg s24  }
0xb5: {  	[dreg:$0x3] =	wrdreg s16  }
0xb6: {  	[dreg:$0x4] =	wrdreg s17  }
0xb7: {  	[dreg:$0x5] =	wrdreg $0x31000  }
0xb8: {  	[dreg:$0x6] =	wrdreg $0x9  }
0xb9: {  	_ =	task.clear_ibuf [dreg:s8], $0x7FFFF;
	_ =	strace $0x90000049  }
0xba: {  	s29 =	simm.s32 $0x9;
	_ =	strace $0x8000004B  }
0xbb: {  	_ =	swait.ge [sflag:s29], $0x1  }
0xbc: {  	[sflag:s29] =	ssyncadd.s32 $0xFFFFFFFF  }
0xbd: {  	_ =	strace $0x9000004B  }
0xbe: {  	_ =	sfence  }
0xbf: {  	s30 =	sld [smem:$0x0];
	_ =	sdelay $0x2  }
0xc0: {  	s31 =	sshll.u32 s1, $0xD;
	s1 =	sshrl.u32 s1, $0x2  }
0xc1: {  	s3 =	sand.u32 $0x4000, s31;
	s1 =	sadd.s32 s1, s30  }
0xc2: {  	s0 =	sor.u32 s3, s0;
	s1 =	sshll.u32 s1, $0x11  }
0xc3: {  	s0 =	sor.u32 s1, s0  }
0xc4: {  	s0 =	sadd.s32 $0x8F2B, s0  }
0xc5: {  	[sflag:s0] =	ssyncadd.remote.s32 $0x1  }
0xc6: {  	_ =	sfence.sel $0xFFFF  }
0xc7: {  	[dreg:$0x0] =	wrdreg $0xFFFFFFFF;
	(pc) =	sbr.abs _section_cstart, $3  }
0xc8: {  	[dreg:$0x1] =	wrdreg $0xFFFFFFFF  }
0xc9: {  	_ =	task.clear_ibuf [dreg:s8], $0x2FFFF;
	_ =	strace $0x9FFFFFFF  }
0xca: {  	(tm) =	ssettm $0x7FFFFFFF  }
0xcb: {  	_ =	shalt  }
tec
execute0_lowered:
.L_overlay_start_1:
0x0: {  	(tag) =	ssettag $0x1  }
0x1: {  	s8 =	rddreg [dreg:$0x0]  }
0x2: {  	s1 =	rddreg [dreg:$0x1]  }
0x3: {  	s3 =	rddreg [dreg:$0x2];
	s2 =	srdreg.scid  }
0x4: {  	s0 =	stileid.u32;
	s4 =	rddreg [dreg:$0x3]  }
0x5: {  	s5 =	simm.s32 $0x0;
	s15 =	simm.s32 $0x80;
	s16 =	simm.s32 $0x100  }
0x6: {  	s17 =	simm.s32 $0x2900;
	s18 =	simm.s32 $0x1;
	s19 =	simm.s32 $0x2  }
0x7: {  	s20 =	simm.s32 $0x0;
	s9 =	sand.u32 $0x1, s2;
	s2 =	rddreg [dreg:$0x4]  }
0x8: {  	s10 =	smul.u32 $0xC580, s0;
	[smem:$0x7FF] =	sst s5;
	s6 =	sadd.s32 $0x2800, s8  }
0x9: {  	s31 =	sshll.u32 s0, $0x6;
	s7 =	smul.u32 $0xC5800, s9;
	s12 =	ssub.s32 $0x2, s9  }
0xa: {  	_ =	strace $0x8000004A;
	s9 =	sshll.u32 s9, $0x4;
	s30 =	sshrl.u32 s12, $0x1  }
0xb: {  	s9 =	sor.u32 s0, s9;
	s13 =	sadd.s32 s10, s4;
	s11 =	sadd.s32 s10, s7  }
0xc: {  	s7 =	sadd.s32 $0x1B000, s8;
	s12 =	ssub.s32 s12, s30;
	s14 =	ssub.s32 $0x9E3, s9  }
0xd: {  	s9 =	sshll.u32 s9, $0x7;
	s13 =	sshrl.u32 s13, $0x3;
	s11 =	sshrl.u32 s11, $0x3  }
0xe: {  	s12 =	smax.u32 s12, $0x1;
	s11 =	sadd.s32 s11, s8;
	s8 =	sor.u32 $0x1C03, s31  }
0xf: {  	s10 =	sadd.s32 $0x1CA00, s11;
	s11 =	sshrl.u32 s14, $0x5;
	s14 =	simm.s32 $0x3  }
.LBB2_1:
0x10: {  	[spmem:s13], [sflag:s8] =	dma.local [hbm:s7], $0x18B0  }
0x11: {  	_ =	swait.ge [sflag:s14], $0x18B0  }
0x12: {  	[sflag:s14] =	ssyncset.done $0x0  }
0x13: {  	[sflag:s14] =	ssyncadd.s32 $0xFFFFE750  }
0x14: {  	s21 =	simm.s32 $0x0;
	[bflag:$0x0] =	sbarrier.arrive $0xFFFF  }
.LBB2_2:
0x15: {  	s22 =	sshll.u32 s21, $0xC  }
0x16: {  	s22 =	sor.u32 s9, s22  }
0x17: {  	s23 =	sshrl.u32 s22, $0x3  }
0x18: {  	s23 =	sadd.s32 s3, s23  }
0x19: {  	[tilespmem:s5], [sflag:$0x3] =	stream.linear.gather [hbm4b:s23+s5], $0x80, $0x38;
	[tilespmem:$0xF680] =	vst v63  }
0x1a: {  	s22 =	sadd.s32 $0x4E200, s22;
	_ =	swait.ge [sflag:s14], $0x80  }
0x1b: {  	s22 =	sshrl.u32 s22, $0x3;
	[sflag:s14] =	ssyncset.done $0x0  }
0x1c: {  	s22 =	sadd.s32 s3, s22;
	[sflag:s14] =	ssyncadd.s32 $0xFFFFFF80  }
0x1d: {  	[tilespmem:s15], [sflag:$0x3] =	stream.linear.gather [hbm4b:s22+s5], $0x80, $0x38;
	[tilespmem:$0xF680] =	vst v63  }
0x1e: {  	_ =	swait.ge [sflag:s14], $0x80  }
0x1f: {  	[sflag:s14] =	ssyncset.done $0x0  }
0x20: {  	[sflag:s14] =	ssyncadd.s32 $0xFFFFFF80  }
0x21: {  	[tilespmem:s16], [sflag:$0x1] =	stream.indirect.gather [hbm4b:s6+s15], $0x50, s5, s15, $0xb8;
	[tilespmem:$0xF680] =	vst v63  }
0x22: {  	_ = 	snop  }
0x23: {  	[tilespmem:s17], [sflag:$0x2] =	stream.indirect.gather [hbm4b:s1+s15], $0x10, s15, s15, $0xb8;
	[tilespmem:$0xF680] =	vst v63  }
0x24: {  	_ =	swait.ge [sflag:s18], $0x2800  }
0x25: {  	[sflag:s18] =	ssyncset.done $0x0  }
0x26: {  	[sflag:s18] =	ssyncadd.s32 $0xFFFFD800  }
0x27: {  	_ =	swait.ge [sflag:s19], $0x800  }
0x28: {  	[sflag:s19] =	ssyncset.done $0x0  }
0x29: {  	s22 =	simm.s32 $0x1A0;
	[sflag:s19] =	ssyncadd.s32 $0xFFFFF800  }
0x2a: {  	s23 =	simm.s32 $0x2920;
	v0 =	vld [tilespmem:s22+$0xFFFFFFA0]  }
0x2b: {  	v1 =	vld [tilespmem:s23+$0xFFFFFFE0];
	_ =	sdelay $0x4  }
0x2c: {  	v0 =	vadd.f32 v1, v0;
	_ =	sdelay $0x1  }
0x2d: {  	v1 =	vmul.f32 $2.000000030e-01, v0  }
0x2e: {  	vm0 =	vgt.f32 v0, $0.0e+00  }
0x2f: {  	v0 =	vsel vm0, v0, v1  }
0x30: {  	v0 =	vmul.f32 $1.442695020e+00, v0;
	_ =	sdelay $0x1  }
0x31: {  	(erf) = vpow2.f32 v0;
	_ =	sdelay $0x4  }
0x32: {  	v46 =	vld [tilespmem:s22+$0xFFFFFF90]  }
0x33: {  	v47 =	vld [tilespmem:s22+$0xFFFFFF70]  }
0x34: {  	v2 =	vld [tilespmem:s22+$0xFFFFFF60]  }
0x35: {  	v3 =	vld [tilespmem:s22+$0xFFFFFF80]  }
0x36: {  	v4 =	vpop (erf)  }
0x37: {  	v0 =	vmul.f32 v46, v4  }
0x38: {  	v1 =	vmul.f32 v4, v47;
	[tilespmem:s22+$0xFFFFFFA0] =	vst v4  }
0x39: {  	v2 =	vmul.f32 v4, v2;
	[tilespmem:s22+$0xFFFFFF90] =	vst v0  }
0x3a: {  	v48 =	vmul.f32 v3, v4;
	[tilespmem:s22+$0xFFFFFF70] =	vst v1  }
0x3b: {  	[tilespmem:s22+$0xFFFFFF60] =	vst v2  }
0x3c: {  	v49 =	vld [tilespmem:s22+$0xFFFFFFF0];
	[tilespmem:s22+$0xFFFFFF80] =	vst v48  }
0x3d: {  	v1 =	vld [tilespmem:s23+$0xFFFFFFF0];
	_ =	sdelay $0x4  }
0x3e: {  	v0 =	vadd.f32 v1, v49;
	_ =	sdelay $0x1  }
0x3f: {  	v1 =	vmul.f32 $2.000000030e-01, v0  }
0x40: {  	vm13 =	vgt.f32 v0, $0.0e+00  }
0x41: {  	v0 =	vsel vm13, v0, v1  }
0x42: {  	v0 =	vmul.f32 $1.442695020e+00, v0;
	_ =	sdelay $0x1  }
0x43: {  	(erf) = vpow2.f32 v0;
	_ =	sdelay $0x4  }
0x44: {  	v50 =	vld [tilespmem:s22+$0xFFFFFFB0]  }
0x45: {  	v51 =	vld [tilespmem:s22+$0xFFFFFFC0]  }
0x46: {  	v52 =	vld [tilespmem:s22+$0xFFFFFFE0]  }
0x47: {  	v53 =	vld [tilespmem:s22+$0xFFFFFFD0]  }
0x48: {  	v54 =	vpop (erf)  }
0x49: {  	v0 =	vmul.f32 v54, v50  }
0x4a: {  	[tilespmem:s22+$0xFFFFFFF0] =	vst v54;
	v1 =	vmul.f32 v54, v51  }
0x4b: {  	v2 =	vmul.f32 v52, v54;
	[tilespmem:s22+$0xFFFFFFB0] =	vst v0  }
0x4c: {  	v55 =	vmul.f32 v53, v54;
	[tilespmem:s22+$0xFFFFFFC0] =	vst v1  }
0x4d: {  	[tilespmem:s22+$0xFFFFFFE0] =	vst v2  }
0x4e: {  	v56 =	vld [tilespmem:s22+$0x40];
	[tilespmem:s22+$0xFFFFFFD0] =	vst v55  }
0x4f: {  	v1 =	vld [tilespmem:s23+$0x0];
	_ =	sdelay $0x4  }
0x50: {  	v0 =	vadd.f32 v1, v56;
	_ =	sdelay $0x1  }
0x51: {  	v1 =	vmul.f32 $2.000000030e-01, v0  }
0x52: {  	vm14 =	vgt.f32 v0, $0.0e+00  }
0x53: {  	v0 =	vsel vm14, v0, v1  }
0x54: {  	v0 =	vmul.f32 $1.442695020e+00, v0;
	_ =	sdelay $0x1  }
0x55: {  	(erf) = vpow2.f32 v0;
	_ =	sdelay $0x4  }
0x56: {  	v57 =	vld [tilespmem:s22+$0x0]  }
0x57: {  	v58 =	vld [tilespmem:s22+$0x30]  }
0x58: {  	v59 =	vld [tilespmem:s22+$0x10]  }
0x59: {  	v60 =	vld [tilespmem:s22+$0x20]  }
0x5a: {  	v61 =	vpop (erf)  }
0x5b: {  	v0 =	vmul.f32 v61, v57  }
0x5c: {  	[tilespmem:s22+$0x40] =	vst v61;
	v1 =	vmul.f32 v58, v61  }
0x5d: {  	v2 =	vmul.f32 v61, v59;
	[tilespmem:s22+$0x0] =	vst v0  }
0x5e: {  	v62 =	vmul.f32 v60, v61;
	[tilespmem:s22+$0x30] =	vst v1  }
0x5f: {  	[tilespmem:s22+$0x10] =	vst v2  }
0x60: {  	v63 =	vld [tilespmem:s22+$0x90];
	[tilespmem:s22+$0x20] =	vst v62  }
0x61: {  	v1 =	vld [tilespmem:s23+$0x10];
	_ =	sdelay $0x4  }
0x62: {  	v0 =	vadd.f32 v1, v63;
	_ =	sdelay $0x1  }
0x63: {  	v1 =	vmul.f32 $2.000000030e-01, v0  }
0x64: {  	vm15 =	vgt.f32 v0, $0.0e+00  }
0x65: {  	v0 =	vsel vm15, v0, v1  }
0x66: {  	v0 =	vmul.f32 $1.442695020e+00, v0;
	_ =	sdelay $0x1  }
0x67: {  	s24 =	simm.s32 $0x0;
	s25 =	simm.s32 $0x1A0;
	(erf) = vpow2.f32 v0  }
.LBB2_3:
0x68: {  	_ =	sdelay $0x1  }
0x69: {  	s24 =	sadd.s32 $0x4, s24;
	v0 =	vld [tilespmem:s22+$0x50];
	s25 =	sadd.s32 $0x140, s25;
	s23 =	sadd.s32 $0x40, s23  }
0x6a: {  	p0 =	slt.u32 s24, $0x7C;
	v1 =	vld [tilespmem:s22+$0x80]  }
0x6b: {  	v2 =	vld [tilespmem:s22+$0x60]  }
0x6c: {  	v3 =	vld [tilespmem:s22+$0x70];
	_ =	sdelay $0x2  }
0x6d: {  	v4 =	vpop (erf)  }
0x6e: {  	[tilespmem:s22+$0x90] =	vst v4;
	v0 =	vmul.f32 v4, v0;
	v2 =	vmul.f32 v4, v2  }
0x6f: {  	v3 =	vmul.f32 v3, v4;
	v1 =	vmul.f32 v1, v4  }
0x70: {  	[tilespmem:s22+$0x50] =	vst v0  }
0x71: {  	[tilespmem:s22+$0x60] =	vst v2  }
0x72: {  	[tilespmem:s22+$0x80] =	vst v1  }
0x73: {  	v0 =	vld [tilespmem:s25+$0xFFFFFFA0];
	[tilespmem:s22+$0x70] =	vst v3;
	s22 =	smov.u32 s25  }
0x74: {  	v1 =	vld [tilespmem:s23+$0xFFFFFFE0];
	_ =	sdelay $0x4  }
0x75: {  	v0 =	vadd.f32 v1, v0;
	_ =	sdelay $0x1  }
0x76: {  	v1 =	vmul.f32 $2.000000030e-01, v0  }
0x77: {  	vm0 =	vgt.f32 v0, $0.0e+00  }
0x78: {  	v0 =	vsel vm0, v0, v1  }
0x79: {  	v0 =	vmul.f32 $1.442695020e+00, v0;
	_ =	sdelay $0x1  }
0x7a: {  	(erf) = vpow2.f32 v0;
	_ =	sdelay $0x2  }
0x7b: {  	v0 =	vld [tilespmem:s25+$0xFFFFFF80]  }
0x7c: {  	v1 =	vld [tilespmem:s25+$0xFFFFFF90]  }
0x7d: {  	v2 =	vld [tilespmem:s25+$0xFFFFFF70]  }
0x7e: {  	v3 =	vld [tilespmem:s25+$0xFFFFFF60];
	_ =	sdelay $0x2  }
0x7f: {  	v4 =	vpop (erf)  }
0x80: {  	v2 =	vmul.f32 v4, v2;
	v1 =	vmul.f32 v1, v4  }
0x81: {  	v0 =	vmul.f32 v0, v4;
	[tilespmem:s25+$0xFFFFFFA0] =	vst v4;
	v3 =	vmul.f32 v4, v3  }
0x82: {  	[tilespmem:s25+$0xFFFFFF90] =	vst v1  }
0x83: {  	[tilespmem:s25+$0xFFFFFF70] =	vst v2  }
0x84: {  	[tilespmem:s25+$0xFFFFFF60] =	vst v3  }
0x85: {  	[tilespmem:s25+$0xFFFFFF80] =	vst v0;
	v0 =	vld [tilespmem:s25+$0xFFFFFFF0]  }
0x86: {  	v1 =	vld [tilespmem:s23+$0xFFFFFFF0];
	_ =	sdelay $0x4  }
0x87: {  	v0 =	vadd.f32 v1, v0;
	_ =	sdelay $0x1  }
0x88: {  	v1 =	vmul.f32 $2.000000030e-01, v0  }
0x89: {  	vm0 =	vgt.f32 v0, $0.0e+00  }
0x8a: {  	v0 =	vsel vm0, v0, v1  }
0x8b: {  	v0 =	vmul.f32 $1.442695020e+00, v0;
	_ =	sdelay $0x1  }
0x8c: {  	(erf) = vpow2.f32 v0;
	_ =	sdelay $0x2  }
0x8d: {  	v0 =	vld [tilespmem:s25+$0xFFFFFFE0]  }
0x8e: {  	v1 =	vld [tilespmem:s25+$0xFFFFFFC0]  }
0x8f: {  	v2 =	vld [tilespmem:s25+$0xFFFFFFB0]  }
0x90: {  	v3 =	vld [tilespmem:s25+$0xFFFFFFD0];
	_ =	sdelay $0x2  }
0x91: {  	v4 =	vpop (erf)  }
0x92: {  	[tilespmem:s25+$0xFFFFFFF0] =	vst v4;
	v2 =	vmul.f32 v4, v2;
	v1 =	vmul.f32 v4, v1  }
0x93: {  	v0 =	vmul.f32 v0, v4;
	v3 =	vmul.f32 v3, v4  }
0x94: {  	[tilespmem:s25+$0xFFFFFFB0] =	vst v2  }
0x95: {  	[tilespmem:s25+$0xFFFFFFC0] =	vst v1  }
0x96: {  	[tilespmem:s25+$0xFFFFFFE0] =	vst v0  }
0x97: {  	[tilespmem:s25+$0xFFFFFFD0] =	vst v3;
	v0 =	vld [tilespmem:s25+$0x40]  }
0x98: {  	v1 =	vld [tilespmem:s23+$0x0];
	_ =	sdelay $0x4  }
0x99: {  	v0 =	vadd.f32 v1, v0;
	_ =	sdelay $0x1  }
0x9a: {  	v1 =	vmul.f32 $2.000000030e-01, v0  }
0x9b: {  	vm0 =	vgt.f32 v0, $0.0e+00  }
0x9c: {  	v0 =	vsel vm0, v0, v1  }
0x9d: {  	v0 =	vmul.f32 $1.442695020e+00, v0;
	_ =	sdelay $0x1  }
0x9e: {  	(erf) = vpow2.f32 v0;
	_ =	sdelay $0x2  }
0x9f: {  	v0 =	vld [tilespmem:s25+$0x30]  }
0xa0: {  	v1 =	vld [tilespmem:s25+$0x10]  }
0xa1: {  	v2 =	vld [tilespmem:s25+$0x0]  }
0xa2: {  	v3 =	vld [tilespmem:s25+$0x20];
	_ =	sdelay $0x2  }
0xa3: {  	v4 =	vpop (erf)  }
0xa4: {  	[tilespmem:s25+$0x40] =	vst v4;
	v2 =	vmul.f32 v4, v2;
	v1 =	vmul.f32 v4, v1  }
0xa5: {  	v0 =	vmul.f32 v0, v4;
	v3 =	vmul.f32 v3, v4  }
0xa6: {  	[tilespmem:s25+$0x0] =	vst v2  }
0xa7: {  	[tilespmem:s25+$0x30] =	vst v0  }
0xa8: {  	[tilespmem:s25+$0x10] =	vst v1  }
0xa9: {  	[tilespmem:s25+$0x20] =	vst v3;
	v0 =	vld [tilespmem:s25+$0x90]  }
0xaa: {  	v1 =	vld [tilespmem:s23+$0x10];
	_ =	sdelay $0x4  }
0xab: {  	v0 =	vadd.f32 v1, v0;
	_ =	sdelay $0x1  }
0xac: {  	v1 =	vmul.f32 $2.000000030e-01, v0  }
.Ltmp0:
0xad: {  	vm0 =	vgt.f32 v0, $0.0e+00;
	(pc) =	sbr.rel @p0 .LBB2_3-.Ltmp0, $3  }
0xae: {  	v0 =	vsel vm0, v0, v1  }
0xaf: {  	v0 =	vmul.f32 $1.442695020e+00, v0;
	_ =	sdelay $0x1  }
0xb0: {  	(erf) = vpow2.f32 v0  }
0xb1: {  	_ =	sdelay $0x3  }
0xb2: {  	v0 =	vld [tilespmem:s22+$0x50]  }
0xb3: {  	v1 =	vld [tilespmem:s22+$0x60]  }
0xb4: {  	v2 =	vld [tilespmem:s22+$0x80]  }
0xb5: {  	v3 =	vld [tilespmem:s22+$0x70]  }
0xb6: {  	v4 =	vpop (erf)  }
0xb7: {  	v0 =	vmul.f32 v4, v0  }
0xb8: {  	[tilespmem:s22+$0x90] =	vst v4;
	v1 =	vmul.f32 v4, v1  }
0xb9: {  	v2 =	vmul.f32 v2, v4;
	[tilespmem:s22+$0x50] =	vst v0  }
0xba: {  	s21 =	sadd.s32 $0x1, s21;
	v63 =	vmul.f32 v3, v4;
	[tilespmem:s22+$0x60] =	vst v1  }
0xbb: {  	p0 =	sne.s32 s21, s11;
	[tilespmem:s22+$0x80] =	vst v2  }
.Ltmp1:
0xbc: {  	[tilespmem:s22+$0x70] =	vst v63;
	(pc) =	sbr.rel @p0 .LBB2_2-.Ltmp1, $4  }
0xbd: {  	[spmem:s4] =	stream.indirect.scatter.add.f32 [tilespmem:s16], [sflag:$0x3], $0x50, s15, s15, $0xb8;
	[tilespmem:$0xF680] =	vst v63  }
0xbe: {  	_ =	swait.ge [sflag:s14], $0x2800  }
0xbf: {  	[sflag:s14] =	ssyncset.done $0x0  }
0xc0: {  	[sflag:s14] =	ssyncadd.s32 $0xFFFFD800  }
0xc1: {  	s20 =	sadd.s32 $0x1, s20  }
0xc2: {  	p0 =	sne.s32 s20, s12  }
.Ltmp2:
0xc3: {  	[bflag:$0x0] =	sbarrier.arrive $0xFFFF;
	(pc) =	sbr.rel @p0 .LBB2_1-.Ltmp2, $4  }
0xc4: {  	[hbm:s10], [sflag:s8] =	dma.local [spmem:s13], $0x18B0  }
0xc5: {  	_ =	swait.ge [sflag:s14], $0x18B0  }
0xc6: {  	[sflag:s14] =	ssyncset.done $0x0  }
0xc7: {  	[sflag:s14] =	ssyncadd.s32 $0xFFFFE750  }
0xc8: {  	_ =	sfence.sel $0x180000  }
0xc9: {  	[bflag:$0x0] =	sbarrier.arrive $0xFFFF  }
0xca: {  	p0 =	sne.s32 s0, $0x0;
	_ =	strace $0x9000004A  }
0xcb: {  	s0 =	sadd.s32 @!p0 $0x100000, s2;
	[bflag:$0x2] =	sbarrier.arrive $0xFFFF  }
0xcc: {  	[sflag:s0] =	ssyncadd.tile.s32 @!p0 $0x1;
	_ =	shalt  }
.Lfunc_end2:
_tile_overlayer_lowered:
.L_overlay_start_2:
0xcd: {  	(tag) =	ssettag $0x2  }
0xce: {  	s0 =	rddreg [dreg:$0x0];
	s2 =	stileid.u32  }
0xcf: {  	s1 =	rddreg [dreg:$0x1];
	p0 =	sne.s32 s2, $0x0  }
0xd0: {  	s3 =	rddreg [dreg:$0x2];
	[bflag:$0x3] =	sbarrier.arrive $0xFFFF;
	s2 =	simm.s32 @!p0 $0x1C03  }
0xd1: {  	[timem:s3], [sflag:s2] =	dma.local @!p0 [hbm:s0], s1  }
0xd2: {  	s0 =	simm.s32 @!p0 $0x3  }
0xd3: {  	_ =	swait.ge @!p0 [sflag:s0], s1  }
0xd4: {  	s1 =	ssub.s32 @!p0 $0x0, s1;
	[sflag:s0] =	ssyncset.done @!p0 $0x0  }
0xd5: {  	[sflag:s0] =	ssyncadd.s32 @!p0 s1  }
0xd6: {  	[bflag:$0x3] =	sbarrier.arrive $0xFFFF  }
0xd7: {  	_ =	shalt  }

// kernel: kernel.7.cloned.1.call-start
scs
__scs_entry_jumppad:
0x0: {  	(pc) =	sbr.rel $0x88, $3  }
0x1: {  	(tag) =	ssettag $0x0;
	lr =	simm.s32 $0x1  }
0x2: {  	[smem:$0x3F97] =	sst lr;
	_ =	strace $0xD0000000  }
0x3: {  	_ = 	snop  }
0x4: {  	_ = 	snop  }
0x5: {  	_ = 	snop  }
0x6: {  	_ = 	snop  }
0x7: {  	_ = 	snop  }
__scs_overlays_trampoline_lowered:
0x8: {  	[smem:$0x3FA6] =	sst s0  }
0x9: {  	[smem:$0x3FA7] =	sst s1  }
0xa: {  	[smem:$0x3FA8] =	sst s2  }
0xb: {  	[smem:$0x3FA9] =	sst s3  }
0xc: {  	[smem:$0x3FAA] =	sst s4  }
0xd: {  	[smem:$0x3FAB] =	sst s5  }
0xe: {  	[smem:$0x3FAC] =	sst s6  }
0xf: {  	[smem:$0x3FAD] =	sst s7  }
0x10: {  	[smem:$0x3FAE] =	sst s8  }
0x11: {  	[smem:$0x3FAF] =	sst s9;
	s0 =	simm.s32 @!p0 $0x0  }
0x12: {  	s1 =	sld [smem:$0x3F95];
	s0 =	simm.s32 @p0 $0x1  }
0x13: {  	[smem:$0x3FB0] =	sst s0;
	s0 =	simm.s32 @!p1 $0x0  }
0x14: {  	s2 =	sld [smem:$0x3F94];
	s0 =	simm.s32 @p1 $0x1  }
0x15: {  	[smem:$0x3FB1] =	sst s0;
	s0 =	simm.s32 @!p2 $0x0  }
0x16: {  	s3 =	sld [smem:$0x3FDB];
	s0 =	simm.s32 @p2 $0x1  }
0x17: {  	s4 =	simm.s32 $0x1BF5;
	[smem:$0x3FB3] =	sst s0  }
0x18: {  	s0 =	sld [smem:$0x3F96];
	_ =	swait.ge [sflag:s4], $0x0  }
0x19: {  	s7 =	sld [smem:$0x3F97]  }
0x1a: {  	s8 =	sadd.s32 $0xFFFFE003, lr  }
0x1b: {  	s9 =	sadd.s32 $0xFFFFFEF7, lr;
	s5 =	simm.s32 $0xFFFFFFFF;
	p2 =	slt.u32 s8, $0xFFFFF086  }
0x1c: {  	p1 =	slt.u32 s9, $0xF7A;
	s5 =	simm.s32 @!p2 $0x0  }
0x1d: {  	s5 =	simm.s32 @p1 $0x1;
	p0 =	seq.s32 s7, s2  }
0x1e: {  	s7 =	smul.u32 @!p0 $0xF7A, s2;
	p2 =	seq.s32 @!p0 s5, $0x0  }
0x1f: {  	s9 =	smul.u32 $0xF7A, s1;
	s8 =	simm.s32 @!p0 $0x1BF5;
	p2 =	por !p2, p0  }
0x20: {  	[sflag:s8] =	ssyncset.s32 @!p0 $0xFFFFF086;
	s6 =	sadd.s32 @!p0 s3, s7;
	s7 =	simm.s32 @!p0 $0x108  }
0x21: {  	s3 =	sadd.s32 s3, s9;
	s6 =	sadd.s32 @!p0 $0x88, s6;
	s7 =	simm.s32 @p2 $0x1082  }
0x22: {  	[simem:s7], [sflag:s8] =	dma.local @!p0 [hbm:s6], $0xF7A  }
0x23: {  	s9 =	sor.u32 $0xD0000000, s2;
	s6 =	simm.s32 $0x108;
	_ =	swait.ge @!p0 [sflag:s8], $0x0  }
0x24: {  	s3 =	sadd.s32 $0x88, s3;
	s6 =	simm.s32 @!p1 $0x1082;
	[sflag:s4] =	ssyncset.s32 $0xFFFFF086  }
0x25: {  	[simem:s6], [sflag:s4] =	dma.local [hbm:s3], $0xF7A  }
0x26: {  	[smem:$0x3F97] =	sst s1;
	(tag) =	ssettag s2;
	_ =	strace s9  }
0x27: {  	s1 =	sld [smem:$0x3FA7]  }
0x28: {  	s2 =	sld [smem:$0x3FA8]  }
0x29: {  	s4 =	sld [smem:$0x3FAA]  }
0x2a: {  	p0 =	seq.s32 s5, $0x0;
	s5 =	sld [smem:$0x3FAB]  }
0x2b: {  	s6 =	sld [smem:$0x3FAC]  }
0x2c: {  	s7 =	sld [smem:$0x3FAD]  }
0x2d: {  	s3 =	simm.s32 $0x108;
	s8 =	sld [smem:$0x3FAE]  }
0x2e: {  	s3 =	simm.s32 @!p0 $0x1082;
	s9 =	sld [smem:$0x3FAF]  }
0x2f: {  	lr =	sadd.s32 s0, s3;
	s0 =	sld [smem:$0x3FA6]  }
0x30: {  	s3 =	sld [smem:$0x3FA9]  }
0x31: {  	[smem:$0x3FB2] =	sst s10  }
0x32: {  	s10 =	sld [smem:$0x3FB0];
	_ =	sdelay $0x3  }
0x33: {  	p0 =	seq.s32 s10, $0x1;
	s10 =	sld [smem:$0x3FB2];
	_ =	sdelay $0x3  }
0x34: {  	[smem:$0x3FB2] =	sst s10  }
0x35: {  	s10 =	sld [smem:$0x3FB1];
	_ =	sdelay $0x3  }
0x36: {  	p1 =	seq.s32 s10, $0x1;
	s10 =	sld [smem:$0x3FB2];
	_ =	sdelay $0x3  }
0x37: {  	[smem:$0x3FB2] =	sst s10  }
0x38: {  	s10 =	sld [smem:$0x3FB3]  }
0x39: {  	_ = 	snop;
	(pc) =	sbr.ind lr, $3  }
0x3a: {  	_ = 	snop  }
0x3b: {  	_ = 	snop  }
0x3c: {  	p2 =	seq.s32 s10, $0x1;
	s10 =	sld [smem:$0x3FB2]  }
0x3d: {  	_ =	shalt  }
0x3e: {  	_ =	shalt  }
0x3f: {  	_ =	shalt  }
0x40: {  	_ =	shalt  }
0x41: {  	_ =	shalt  }
0x42: {  	_ =	shalt  }
0x43: {  	_ =	shalt  }
0x44: {  	_ =	shalt  }
0x45: {  	_ =	shalt  }
0x46: {  	_ =	shalt  }
0x47: {  	_ =	shalt  }
0x48: {  	_ =	shalt  }
0x49: {  	_ =	shalt  }
0x4a: {  	_ =	shalt  }
0x4b: {  	_ =	shalt  }
0x4c: {  	_ =	shalt  }
0x4d: {  	_ =	shalt  }
0x4e: {  	_ =	shalt  }
0x4f: {  	_ =	shalt  }
0x50: {  	_ =	shalt  }
0x51: {  	_ =	shalt  }
0x52: {  	_ =	shalt  }
0x53: {  	_ =	shalt  }
0x54: {  	_ =	shalt  }
0x55: {  	_ =	shalt  }
0x56: {  	_ =	shalt  }
0x57: {  	_ =	shalt  }
0x58: {  	_ =	shalt  }
0x59: {  	_ =	shalt  }
0x5a: {  	_ =	shalt  }
0x5b: {  	_ =	shalt  }
0x5c: {  	_ =	shalt  }
0x5d: {  	_ =	shalt  }
0x5e: {  	_ =	shalt  }
0x5f: {  	_ =	shalt  }
0x60: {  	_ =	shalt  }
0x61: {  	_ =	shalt  }
0x62: {  	_ =	shalt  }
0x63: {  	_ =	shalt  }
0x64: {  	_ =	shalt  }
0x65: {  	_ =	shalt  }
0x66: {  	_ =	shalt  }
0x67: {  	_ =	shalt  }
0x68: {  	_ =	shalt  }
0x69: {  	_ =	shalt  }
0x6a: {  	_ =	shalt  }
0x6b: {  	_ =	shalt  }
0x6c: {  	_ =	shalt  }
0x6d: {  	_ =	shalt  }
0x6e: {  	_ =	shalt  }
0x6f: {  	_ =	shalt  }
0x70: {  	_ =	shalt  }
0x71: {  	_ =	shalt  }
0x72: {  	_ =	shalt  }
0x73: {  	_ =	shalt  }
0x74: {  	_ =	shalt  }
0x75: {  	_ =	shalt  }
0x76: {  	_ =	shalt  }
0x77: {  	_ =	shalt  }
0x78: {  	_ =	shalt  }
0x79: {  	_ =	shalt  }
0x7a: {  	_ =	shalt  }
0x7b: {  	_ =	shalt  }
0x7c: {  	_ =	shalt  }
0x7d: {  	_ =	shalt  }
0x7e: {  	_ =	shalt  }
0x7f: {  	_ =	shalt  }
0x80: {  	_ =	shalt  }
0x81: {  	_ =	shalt  }
0x82: {  	_ =	shalt  }
0x83: {  	_ =	shalt  }
0x84: {  	_ =	shalt  }
0x85: {  	_ =	shalt  }
0x86: {  	_ =	shalt  }
0x87: {  	_ =	shalt  }
.Lfunc_end0:
.L_simem_size_0:
called_computation_lowered:
.L_overlay_start_0:
0x88: {  	s2 =	sld [smem:$0x3FD9]  }
0x89: {  	s3 =	sld [smem:$0x3FFE];
	_ =	sdelay $0x1  }
0x8a: {  	s1 =	srdreg.scid  }
0x8b: {  	s0 =	sand.u32 $0x1, s1  }
0x8c: {  	s14 =	sshll.u32 s0, $0xA;
	s2 =	sadd.s32 s3, s2  }
0x8d: {  	s2 =	sadd.s32 s2, s14  }
0x8e: {  	[smem:$0x3FBE] =	sst s2  }
0x8f: {  	_ = 	snop  }
0x90: {  	s2 =	sld [smem:$0x3FD0];
	_ =	sdelay $0x2  }
0x91: {  	s15 =	simm.s32 $0xA;
	s4 =	simm.s32 $0x10  }
0x92: {  	[smem:s4], [sflag:s15] =	dma.local [hbm:s2], $0x1  }
0x93: {  	_ =	swait.eq [sflag:s15], $0x1  }
0x94: {  	[sflag:s15] =	ssyncset.done $0x0  }
0x95: {  	s16 =	sld [smem:$0x10];
	[sflag:s15] =	ssyncadd.s32 $0xFFFFFFFF  }
0x96: {  	s17 =	sld [smem:$0x11];
	(tm) =	ssettm $0x1  }
0x97: {  	s18 =	sld [smem:$0x3FFB];
	_ =	sdelay $0x3  }
0x98: {  	_ =	strace s18  }
0x99: {  	s4 =	sld [smem:$0x3FFC];
	_ =	sdelay $0x3  }
0x9a: {  	_ =	strace s4  }
0x9b: {  	s4 =	sld [smem:$0x3FFD];
	_ =	sdelay $0x3  }
0x9c: {  	_ =	strace s4  }
0x9d: {  	_ =	strace $0x8FFFFFFF  }
0x9e: {  	s19 =	sld [smem:$0x3FDB];
	_ =	sdelay $0x1  }
0x9f: {  	s5 =	simm.s32 $_scs_section_size  }
0xa0: {  	s6 =	simm.s32 $_size__tile_overlayer_lowered;
	s7 =	simm.s32 $_tile_overlayer_lowered  }
0xa1: {  	s22 =	simm.s32 $0x1BFF;
	s21 =	sshll.u32 s7, $0x1;
	s4 =	sadd.s32 s5, s19  }
0xa2: {  	s8 =	simm.s32 $0x0;
	s20 =	sshll.u32 s6, $0x1;
	s6 =	sadd.s32 s21, s4  }
0xa3: {  	[timem:s8], [sflag:s22] =	dma.local [hbm:s6], s20  }
0xa4: {  	_ =	swait.ge [sflag:s22], s20  }
0xa5: {  	s5 =	ssub.s32 $0x0, s20;
	[sflag:s22] =	ssyncset.done $0x0  }
0xa6: {  	[sflag:s22] =	ssyncadd.s32 s5;
	_ =	sdelay $0x1  }
0xa7: {  	s23 =	simm.s32 $0x1B8B  }
0xa8: {  	_ =	swait.ge [sflag:s23], $0x1  }
0xa9: {  	[sflag:s23] =	ssyncset.done $0x0  }
0xaa: {  	s25 =	simm.s32 $0x1B8E;
	s24 =	sld [smem:$0x3FFE];
	[sflag:s23] =	ssyncadd.s32 $0xFFFFFFFF  }
0xab: {  	s26 =	simm.s32 $execute0_lowered;
	[smem:$0x3FD2] =	sst s25  }
0xac: {  	s6 =	sshll.u32 s26, $0x1;
	_ =	strace $0x80000046;
	[dreg:$0x1] =	wrdreg $0xFFFFFFFF  }
0xad: {  	s28 =	simm.s32 $_size_execute0_lowered;
	s4 =	sadd.s32 s4, s6;
	[dreg:$0x0] =	wrdreg $0x0  }
0xae: {  	s6 =	sshll.u32 s28, $0x1;
	[dreg:$0x2] =	wrdreg s4  }
0xaf: {  	[dreg:$0x3] =	wrdreg s6  }
0xb0: {  	[dreg:$0x4] =	wrdreg $0xC0  }
0xb1: {  	_ =	task [dreg:s8], $0x5FFFF  }
0xb2: {  	[dreg:$0x1] =	wrdreg $0xFFFFFFFF  }
0xb3: {  	[dreg:$0x0] =	wrdreg $0x60  }
0xb4: {  	[dreg:$0x2] =	wrdreg s24  }
0xb5: {  	[dreg:$0x3] =	wrdreg s16  }
0xb6: {  	[dreg:$0x4] =	wrdreg s17  }
0xb7: {  	[dreg:$0x5] =	wrdreg $0x51000  }
0xb8: {  	[dreg:$0x6] =	wrdreg $0x9  }
0xb9: {  	_ =	task.clear_ibuf [dreg:s8], $0x7FFFF;
	_ =	strace $0x90000046  }
0xba: {  	s29 =	simm.s32 $0x9;
	_ =	strace $0x80000048  }
0xbb: {  	_ =	swait.ge [sflag:s29], $0x1  }
0xbc: {  	[sflag:s29] =	ssyncadd.s32 $0xFFFFFFFF  }
0xbd: {  	_ =	strace $0x90000048  }
0xbe: {  	_ =	sfence  }
0xbf: {  	s30 =	sld [smem:$0x0];
	_ =	sdelay $0x2  }
0xc0: {  	s31 =	sshll.u32 s1, $0xD;
	s1 =	sshrl.u32 s1, $0x2  }
0xc1: {  	s3 =	sand.u32 $0x4000, s31;
	s1 =	sadd.s32 s1, s30  }
0xc2: {  	s0 =	sor.u32 s3, s0;
	s1 =	sshll.u32 s1, $0x11  }
0xc3: {  	s0 =	sor.u32 s1, s0  }
0xc4: {  	s0 =	sadd.s32 $0x8F2B, s0  }
0xc5: {  	[sflag:s0] =	ssyncadd.remote.s32 $0x1  }
0xc6: {  	_ =	sfence.sel $0xFFFF  }
0xc7: {  	[dreg:$0x0] =	wrdreg $0xFFFFFFFF;
	(pc) =	sbr.abs _section_cstart, $3  }
0xc8: {  	[dreg:$0x1] =	wrdreg $0xFFFFFFFF  }
0xc9: {  	_ =	task.clear_ibuf [dreg:s8], $0x2FFFF;
	_ =	strace $0x9FFFFFFF  }
0xca: {  	(tm) =	ssettm $0x7FFFFFFF  }
0xcb: {  	_ =	shalt  }
tec
execute0_lowered:
.L_overlay_start_1:
0x0: {  	(tag) =	ssettag $0x1  }
0x1: {  	s8 =	rddreg [dreg:$0x0]  }
0x2: {  	s1 =	rddreg [dreg:$0x1]  }
0x3: {  	s3 =	rddreg [dreg:$0x2];
	s2 =	srdreg.scid  }
0x4: {  	s0 =	stileid.u32;
	s4 =	rddreg [dreg:$0x3]  }
0x5: {  	s5 =	simm.s32 $0x0;
	s15 =	simm.s32 $0x80;
	s16 =	simm.s32 $0x100  }
0x6: {  	s17 =	simm.s32 $0x4900;
	s18 =	simm.s32 $0x1;
	s19 =	simm.s32 $0x2  }
0x7: {  	s20 =	simm.s32 $0x0;
	s9 =	sand.u32 $0x1, s2;
	s2 =	rddreg [dreg:$0x4]  }
0x8: {  	s10 =	smul.u32 $0x16380, s0;
	[smem:$0x7FF] =	sst s5;
	s6 =	sadd.s32 $0x2800, s8  }
0x9: {  	s31 =	sshll.u32 s0, $0x6;
	s7 =	smul.u32 $0x163800, s9;
	s12 =	ssub.s32 $0x2, s9  }
0xa: {  	_ =	strace $0x80000047;
	s9 =	sshll.u32 s9, $0x4;
	s30 =	sshrl.u32 s12, $0x1  }
0xb: {  	s9 =	sor.u32 s0, s9;
	s13 =	sadd.s32 s10, s4;
	s11 =	sadd.s32 s10, s7  }
0xc: {  	s7 =	sadd.s32 $0x2E800, s8;
	s12 =	ssub.s32 s12, s30;
	s14 =	ssub.s32 $0x9E3, s9  }
0xd: {  	s9 =	sshll.u32 s9, $0x7;
	s13 =	sshrl.u32 s13, $0x3;
	s11 =	sshrl.u32 s11, $0x3  }
0xe: {  	s12 =	smax.u32 s12, $0x1;
	s11 =	sadd.s32 s11, s8;
	s8 =	sor.u32 $0x1C03, s31  }
0xf: {  	s10 =	sadd.s32 $0x31600, s11;
	s11 =	sshrl.u32 s14, $0x5;
	s14 =	simm.s32 $0x3  }
.LBB2_1:
0x10: {  	[spmem:s13], [sflag:s8] =	dma.local [hbm:s7], $0x2C70  }
0x11: {  	_ =	swait.ge [sflag:s14], $0x2C70  }
0x12: {  	[sflag:s14] =	ssyncset.done $0x0  }
0x13: {  	[sflag:s14] =	ssyncadd.s32 $0xFFFFD390  }
0x14: {  	s21 =	simm.s32 $0x0;
	[bflag:$0x0] =	sbarrier.arrive $0xFFFF  }
.LBB2_2:
0x15: {  	s22 =	sshll.u32 s21, $0xC  }
0x16: {  	s22 =	sor.u32 s9, s22  }
0x17: {  	s23 =	sshrl.u32 s22, $0x3  }
0x18: {  	s23 =	sadd.s32 s3, s23  }
0x19: {  	[tilespmem:s5], [sflag:$0x3] =	stream.linear.gather [hbm4b:s23+s5], $0x80, $0x38;
	[tilespmem:$0x1B480] =	vst v63  }
0x1a: {  	s22 =	sadd.s32 $0x4E200, s22;
	_ =	swait.ge [sflag:s14], $0x80  }
0x1b: {  	s22 =	sshrl.u32 s22, $0x3;
	[sflag:s14] =	ssyncset.done $0x0  }
0x1c: {  	s22 =	sadd.s32 s3, s22;
	[sflag:s14] =	ssyncadd.s32 $0xFFFFFF80  }
0x1d: {  	[tilespmem:s15], [sflag:$0x3] =	stream.linear.gather [hbm4b:s22+s5], $0x80, $0x38;
	[tilespmem:$0x1B480] =	vst v63  }
0x1e: {  	_ =	swait.ge [sflag:s14], $0x80  }
0x1f: {  	[sflag:s14] =	ssyncset.done $0x0  }
0x20: {  	[sflag:s14] =	ssyncadd.s32 $0xFFFFFF80  }
0x21: {  	[tilespmem:s16], [sflag:$0x1] =	stream.indirect.gather [hbm4b:s6+s15], $0x90, s5, s15, $0xb8;
	[tilespmem:$0x1B480] =	vst v63  }
0x22: {  	_ = 	snop  }
0x23: {  	[tilespmem:s17], [sflag:$0x2] =	stream.indirect.gather [hbm4b:s1+s15], $0x10, s15, s15, $0xb8;
	[tilespmem:$0x1B480] =	vst v63  }
0x24: {  	_ =	swait.ge [sflag:s18], $0x4800  }
0x25: {  	[sflag:s18] =	ssyncset.done $0x0  }
0x26: {  	[sflag:s18] =	ssyncadd.s32 $0xFFFFB800  }
0x27: {  	_ =	swait.ge [sflag:s19], $0x800  }
0x28: {  	[sflag:s19] =	ssyncset.done $0x0  }
0x29: {  	s22 =	simm.s32 $0x220;
	[sflag:s19] =	ssyncadd.s32 $0xFFFFF800  }
0x2a: {  	s23 =	simm.s32 $0x4920;
	v0 =	vld [tilespmem:s22+$0xFFFFFF60]  }
0x2b: {  	v1 =	vld [tilespmem:s23+$0xFFFFFFE0];
	_ =	sdelay $0x4  }
0x2c: {  	v0 =	vadd.f32 v1, v0;
	_ =	sdelay $0x1  }
0x2d: {  	v1 =	vmul.f32 $2.000000030e-01, v0  }
0x2e: {  	vm0 =	vgt.f32 v0, $0.0e+00  }
0x2f: {  	v0 =	vsel vm0, v0, v1  }
0x30: {  	v0 =	vmul.f32 $1.442695020e+00, v0;
	_ =	sdelay $0x1  }
0x31: {  	(erf) = vpow2.f32 v0;
	_ =	sdelay $0x4  }
0x32: {  	v2 =	vld [tilespmem:s22+$0xFFFFFF00]  }
0x33: {  	v3 =	vld [tilespmem:s22+$0xFFFFFEE0]  }
0x34: {  	v4 =	vld [tilespmem:s22+$0xFFFFFF10]  }
0x35: {  	v0 =	vld [tilespmem:s22+$0xFFFFFF50]  }
0x36: {  	v1 =	vld [tilespmem:s22+$0xFFFFFF30];
	v7 =	vpop (erf)  }
0x37: {  	v5 =	vld [tilespmem:s22+$0xFFFFFEF0];
	v2 =	vmul.f32 v2, v7  }
0x38: {  	v6 =	vld [tilespmem:s22+$0xFFFFFF20];
	[tilespmem:s22+$0xFFFFFF60] =	vst v7;
	v3 =	vmul.f32 v7, v3  }
0x39: {  	v8 =	vld [tilespmem:s22+$0xFFFFFF40];
	v4 =	vmul.f32 v4, v7;
	[tilespmem:s22+$0xFFFFFF00] =	vst v2  }
0x3a: {  	v0 =	vmul.f32 v0, v7;
	[tilespmem:s22+$0xFFFFFEE0] =	vst v3  }
0x3b: {  	v1 =	vmul.f32 v1, v7;
	[tilespmem:s22+$0xFFFFFF10] =	vst v4  }
0x3c: {  	v2 =	vmul.f32 v7, v5;
	[tilespmem:s22+$0xFFFFFF50] =	vst v0  }
0x3d: {  	v3 =	vmul.f32 v6, v7;
	[tilespmem:s22+$0xFFFFFF30] =	vst v1  }
0x3e: {  	v0 =	vmul.f32 v8, v7;
	[tilespmem:s22+$0xFFFFFEF0] =	vst v2  }
0x3f: {  	[tilespmem:s22+$0xFFFFFF20] =	vst v3  }
0x40: {  	[tilespmem:s22+$0xFFFFFF40] =	vst v0;
	v0 =	vld [tilespmem:s22+$0xFFFFFFF0]  }
0x41: {  	v1 =	vld [tilespmem:s23+$0xFFFFFFF0];
	_ =	sdelay $0x4  }
0x42: {  	v0 =	vadd.f32 v1, v0;
	_ =	sdelay $0x1  }
0x43: {  	v1 =	vmul.f32 $2.000000030e-01, v0  }
0x44: {  	vm14 =	vgt.f32 v0, $0.0e+00  }
0x45: {  	v0 =	vsel vm14, v0, v1  }
0x46: {  	v0 =	vmul.f32 $1.442695020e+00, v0;
	_ =	sdelay $0x1  }
0x47: {  	(erf) = vpow2.f32 v0;
	_ =	sdelay $0x4  }
0x48: {  	v1 =	vld [tilespmem:s22+$0xFFFFFF70]  }
0x49: {  	v2 =	vld [tilespmem:s22+$0xFFFFFFC0]  }
0x4a: {  	v0 =	vld [tilespmem:s22+$0xFFFFFFE0]  }
0x4b: {  	v3 =	vld [tilespmem:s22+$0xFFFFFF80]  }
0x4c: {  	v54 =	vld [tilespmem:s22+$0xFFFFFFA0];
	v56 =	vpop (erf)  }
0x4d: {  	v55 =	vld [tilespmem:s22+$0xFFFFFFD0];
	v1 =	vmul.f32 v56, v1  }
0x4e: {  	v57 =	vld [tilespmem:s22+$0xFFFFFF90];
	[tilespmem:s22+$0xFFFFFFF0] =	vst v56;
	v2 =	vmul.f32 v2, v56  }
0x4f: {  	v58 =	vld [tilespmem:s22+$0xFFFFFFB0];
	v0 =	vmul.f32 v0, v56;
	[tilespmem:s22+$0xFFFFFF70] =	vst v1  }
0x50: {  	v1 =	vmul.f32 v56, v3;
	[tilespmem:s22+$0xFFFFFFC0] =	vst v2  }
0x51: {  	v3 =	vmul.f32 v54, v56;
	[tilespmem:s22+$0xFFFFFFE0] =	vst v0  }
0x52: {  	v2 =	vmul.f32 v55, v56;
	[tilespmem:s22+$0xFFFFFF80] =	vst v1  }
0x53: {  	v1 =	vmul.f32 v57, v56;
	[tilespmem:s22+$0xFFFFFFA0] =	vst v3  }
0x54: {  	v3 =	vmul.f32 v58, v56;
	[tilespmem:s22+$0xFFFFFFD0] =	vst v2  }
0x55: {  	[tilespmem:s22+$0xFFFFFF90] =	vst v1  }
0x56: {  	v0 =	vld [tilespmem:s22+$0x80];
	[tilespmem:s22+$0xFFFFFFB0] =	vst v3  }
0x57: {  	v1 =	vld [tilespmem:s23+$0x0];
	_ =	sdelay $0x4  }
0x58: {  	v0 =	vadd.f32 v1, v0;
	_ =	sdelay $0x1  }
0x59: {  	v1 =	vmul.f32 $2.000000030e-01, v0  }
0x5a: {  	vm15 =	vgt.f32 v0, $0.0e+00  }
0x5b: {  	v0 =	vsel vm15, v0, v1  }
0x5c: {  	v0 =	vmul.f32 $1.442695020e+00, v0;
	_ =	sdelay $0x1  }
0x5d: {  	(erf) = vpow2.f32 v0;
	_ =	sdelay $0x4  }
0x5e: {  	v2 =	vld [tilespmem:s22+$0x0]  }
0x5f: {  	v3 =	vld [tilespmem:s22+$0x20]  }
0x60: {  	v59 =	vld [tilespmem:s22+$0x30]  }
0x61: {  	v0 =	vld [tilespmem:s22+$0x70]  }
0x62: {  	v1 =	vld [tilespmem:s22+$0x50];
	v62 =	vpop (erf)  }
0x63: {  	v60 =	vld [tilespmem:s22+$0x10];
	v2 =	vmul.f32 v62, v2  }
0x64: {  	v61 =	vld [tilespmem:s22+$0x40];
	[tilespmem:s22+$0x80] =	vst v62;
	v3 =	vmul.f32 v3, v62  }
0x65: {  	v63 =	vld [tilespmem:s22+$0x60];
	v4 =	vmul.f32 v59, v62;
	[tilespmem:s22+$0x0] =	vst v2  }
0x66: {  	v0 =	vmul.f32 v0, v62;
	[tilespmem:s22+$0x20] =	vst v3  }
0x67: {  	v1 =	vmul.f32 v1, v62;
	[tilespmem:s22+$0x30] =	vst v4  }
0x68: {  	v2 =	vmul.f32 v62, v60;
	[tilespmem:s22+$0x70] =	vst v0  }
0x69: {  	v3 =	vmul.f32 v61, v62;
	[tilespmem:s22+$0x50] =	vst v1  }
0x6a: {  	[tilespmem:s22+$0x10] =	vst v2;
	v2 =	vmul.f32 v63, v62  }
0x6b: {  	[tilespmem:s22+$0x40] =	vst v3  }
0x6c: {  	v0 =	vld [tilespmem:s22+$0x110];
	[tilespmem:s22+$0x60] =	vst v2  }
0x6d: {  	s25 =	simm.s32 $0x0;
	s24 =	simm.s32 $0x220;
	v1 =	vld [tilespmem:s23+$0x10]  }
.LBB2_3:
0x6e: {  	s25 =	sadd.s32 $0x4, s25;
	s22 =	sadd.s32 $0x240, s22;
	s23 =	sadd.s32 $0x40, s23  }
0x6f: {  	p0 =	slt.u32 s25, $0x7C;
	_ =	sdelay $0x2  }
0x70: {  	v0 =	vadd.f32 v1, v0;
	_ =	sdelay $0x1  }
0x71: {  	v1 =	vmul.f32 $2.000000030e-01, v0  }
0x72: {  	vm0 =	vgt.f32 v0, $0.0e+00  }
0x73: {  	v0 =	vsel vm0, v0, v1  }
0x74: {  	v0 =	vmul.f32 $1.442695020e+00, v0;
	_ =	sdelay $0x1  }
0x75: {  	(erf) = vpow2.f32 v0  }
0x76: {  	v0 =	vld [tilespmem:s24+$0x100]  }
0x77: {  	v1 =	vld [tilespmem:s24+$0xE0]  }
0x78: {  	v2 =	vld [tilespmem:s24+$0xC0]  }
0x79: {  	v3 =	vld [tilespmem:s24+$0x90]  }
0x7a: {  	v4 =	vld [tilespmem:s24+$0xA0]  }
0x7b: {  	v5 =	vld [tilespmem:s24+$0xB0]  }
0x7c: {  	v6 =	vld [tilespmem:s24+$0xD0]  }
0x7d: {  	v7 =	vld [tilespmem:s24+$0xF0]  }
0x7e: {  	v8 =	vpop (erf)  }
0x7f: {  	[tilespmem:s24+$0x110] =	vst v8;
	v3 =	vmul.f32 v8, v3;
	v4 =	vmul.f32 v8, v4  }
0x80: {  	v2 =	vmul.f32 v2, v8;
	v5 =	vmul.f32 v5, v8  }
0x81: {  	v1 =	vmul.f32 v1, v8;
	[tilespmem:s24+$0x90] =	vst v3;
	v3 =	vmul.f32 v6, v8  }
0x82: {  	v0 =	vmul.f32 v0, v8;
	[tilespmem:s24+$0xC0] =	vst v2;
	v2 =	vmul.f32 v7, v8  }
0x83: {  	[tilespmem:s24+$0xD0] =	vst v3  }
0x84: {  	[tilespmem:s24+$0xE0] =	vst v1  }
0x85: {  	[tilespmem:s24+$0xF0] =	vst v2  }
0x86: {  	[tilespmem:s24+$0x100] =	vst v0  }
0x87: {  	[tilespmem:s24+$0xA0] =	vst v4  }
0x88: {  	v0 =	vld [tilespmem:s22+$0xFFFFFF60];
	[tilespmem:s24+$0xB0] =	vst v5;
	s24 =	smov.u32 s22  }
0x89: {  	v1 =	vld [tilespmem:s23+$0xFFFFFFE0];
	_ =	sdelay $0x4  }
0x8a: {  	v0 =	vadd.f32 v1, v0;
	_ =	sdelay $0x1  }
0x8b: {  	v1 =	vmul.f32 $2.000000030e-01, v0  }
0x8c: {  	vm0 =	vgt.f32 v0, $0.0e+00  }
0x8d: {  	v0 =	vsel vm0, v0, v1  }
0x8e: {  	v0 =	vmul.f32 $1.442695020e+00, v0;
	_ =	sdelay $0x1  }
0x8f: {  	(erf) = vpow2.f32 v0;
	_ =	sdelay $0x1  }
0x90: {  	v0 =	vld [tilespmem:s22+$0xFFFFFF50]  }
0x91: {  	v1 =	vld [tilespmem:s22+$0xFFFFFF30]  }
0x92: {  	v2 =	vld [tilespmem:s22+$0xFFFFFF10]  }
0x93: {  	v3 =	vld [tilespmem:s22+$0xFFFFFF00]  }
0x94: {  	v4 =	vld [tilespmem:s22+$0xFFFFFEE0]  }
0x95: {  	v5 =	vld [tilespmem:s22+$0xFFFFFEF0]  }
0x96: {  	v6 =	vld [tilespmem:s22+$0xFFFFFF20]  }
0x97: {  	v7 =	vld [tilespmem:s22+$0xFFFFFF40];
	v8 =	vpop (erf)  }
0x98: {  	[tilespmem:s22+$0xFFFFFF60] =	vst v8;
	v3 =	vmul.f32 v3, v8;
	v2 =	vmul.f32 v2, v8  }
0x99: {  	v1 =	vmul.f32 v1, v8;
	v4 =	vmul.f32 v8, v4  }
0x9a: {  	v0 =	vmul.f32 v0, v8;
	v5 =	vmul.f32 v8, v5;
	[tilespmem:s22+$0xFFFFFF00] =	vst v3  }
0x9b: {  	[tilespmem:s22+$0xFFFFFEE0] =	vst v4;
	v3 =	vmul.f32 v6, v8  }
0x9c: {  	[tilespmem:s22+$0xFFFFFF10] =	vst v2;
	v2 =	vmul.f32 v7, v8  }
0x9d: {  	[tilespmem:s22+$0xFFFFFF50] =	vst v0  }
0x9e: {  	[tilespmem:s22+$0xFFFFFEF0] =	vst v5  }
0x9f: {  	[tilespmem:s22+$0xFFFFFF20] =	vst v3  }
0xa0: {  	[tilespmem:s22+$0xFFFFFF40] =	vst v2  }
0xa1: {  	[tilespmem:s22+$0xFFFFFF30] =	vst v1;
	v0 =	vld [tilespmem:s22+$0xFFFFFFF0]  }
0xa2: {  	v1 =	vld [tilespmem:s23+$0xFFFFFFF0];
	_ =	sdelay $0x4  }
0xa3: {  	v0 =	vadd.f32 v1, v0;
	_ =	sdelay $0x1  }
0xa4: {  	v1 =	vmul.f32 $2.000000030e-01, v0  }
0xa5: {  	vm0 =	vgt.f32 v0, $0.0e+00  }
0xa6: {  	v0 =	vsel vm0, v0, v1  }
0xa7: {  	v0 =	vmul.f32 $1.442695020e+00, v0;
	_ =	sdelay $0x1  }
0xa8: {  	(erf) = vpow2.f32 v0  }
0xa9: {  	v0 =	vld [tilespmem:s22+$0xFFFFFFE0]  }
0xaa: {  	v1 =	vld [tilespmem:s22+$0xFFFFFFB0]  }
0xab: {  	v2 =	vld [tilespmem:s22+$0xFFFFFFA0]  }
0xac: {  	v3 =	vld [tilespmem:s22+$0xFFFFFFC0]  }
0xad: {  	v4 =	vld [tilespmem:s22+$0xFFFFFF70]  }
0xae: {  	v5 =	vld [tilespmem:s22+$0xFFFFFF90]  }
0xaf: {  	v6 =	vld [tilespmem:s22+$0xFFFFFF80]  }
0xb0: {  	v7 =	vld [tilespmem:s22+$0xFFFFFFD0]  }
0xb1: {  	v8 =	vpop (erf)  }
0xb2: {  	[tilespmem:s22+$0xFFFFFFF0] =	vst v8;
	v4 =	vmul.f32 v8, v4;
	v3 =	vmul.f32 v3, v8  }
0xb3: {  	v2 =	vmul.f32 v2, v8;
	v5 =	vmul.f32 v5, v8  }
0xb4: {  	v1 =	vmul.f32 v1, v8;
	[tilespmem:s22+$0xFFFFFF70] =	vst v4;
	v4 =	vmul.f32 v8, v6  }
0xb5: {  	v0 =	vmul.f32 v0, v8;
	[tilespmem:s22+$0xFFFFFFC0] =	vst v3;
	v3 =	vmul.f32 v7, v8  }
0xb6: {  	[tilespmem:s22+$0xFFFFFF80] =	vst v4  }
0xb7: {  	[tilespmem:s22+$0xFFFFFFA0] =	vst v2  }
0xb8: {  	[tilespmem:s22+$0xFFFFFFD0] =	vst v3  }
0xb9: {  	[tilespmem:s22+$0xFFFFFF90] =	vst v5  }
0xba: {  	[tilespmem:s22+$0xFFFFFFB0] =	vst v1  }
0xbb: {  	[tilespmem:s22+$0xFFFFFFE0] =	vst v0;
	v0 =	vld [tilespmem:s22+$0x80]  }
0xbc: {  	v1 =	vld [tilespmem:s23+$0x0];
	_ =	sdelay $0x4  }
0xbd: {  	v0 =	vadd.f32 v1, v0;
	_ =	sdelay $0x1  }
0xbe: {  	v1 =	vmul.f32 $2.000000030e-01, v0  }
0xbf: {  	vm0 =	vgt.f32 v0, $0.0e+00  }
0xc0: {  	v0 =	vsel vm0, v0, v1  }
0xc1: {  	v0 =	vmul.f32 $1.442695020e+00, v0;
	_ =	sdelay $0x1  }
0xc2: {  	(erf) = vpow2.f32 v0  }
0xc3: {  	v0 =	vld [tilespmem:s22+$0x70]  }
0xc4: {  	v1 =	vld [tilespmem:s22+$0x50]  }
0xc5: {  	v2 =	vld [tilespmem:s22+$0x30]  }
0xc6: {  	v3 =	vld [tilespmem:s22+$0x10]  }
0xc7: {  	v4 =	vld [tilespmem:s22+$0x0]  }
0xc8: {  	v5 =	vld [tilespmem:s22+$0x20]  }
0xc9: {  	v6 =	vld [tilespmem:s22+$0x40]  }
0xca: {  	v7 =	vld [tilespmem:s22+$0x60]  }
0xcb: {  	v8 =	vpop (erf)  }
0xcc: {  	[tilespmem:s22+$0x80] =	vst v8;
	v4 =	vmul.f32 v8, v4;
	v3 =	vmul.f32 v8, v3  }
0xcd: {  	v2 =	vmul.f32 v2, v8;
	v5 =	vmul.f32 v5, v8  }
0xce: {  	v1 =	vmul.f32 v1, v8;
	[tilespmem:s22+$0x0] =	vst v4;
	v4 =	vmul.f32 v6, v8  }
0xcf: {  	v0 =	vmul.f32 v0, v8;
	[tilespmem:s22+$0x20] =	vst v5;
	v5 =	vmul.f32 v7, v8  }
0xd0: {  	[tilespmem:s22+$0x30] =	vst v2  }
0xd1: {  	[tilespmem:s22+$0x10] =	vst v3  }
.Ltmp0:
0xd2: {  	[tilespmem:s22+$0x40] =	vst v4;
	(pc) =	sbr.rel @p0 .LBB2_3-.Ltmp0, $4  }
0xd3: {  	[tilespmem:s22+$0x70] =	vst v0  }
0xd4: {  	[tilespmem:s22+$0x50] =	vst v1  }
0xd5: {  	[tilespmem:s22+$0x60] =	vst v5;
	v0 =	vld [tilespmem:s22+$0x110]  }
0xd6: {  	v1 =	vld [tilespmem:s23+$0x10]  }
0xd7: {  	_ =	sdelay $0x3  }
0xd8: {  	v0 =	vadd.f32 v1, v0;
	_ =	sdelay $0x1  }
0xd9: {  	v1 =	vmul.f32 $2.000000030e-01, v0  }
0xda: {  	vm0 =	vgt.f32 v0, $0.0e+00  }
0xdb: {  	v0 =	vsel vm0, v0, v1  }
0xdc: {  	v0 =	vmul.f32 $1.442695020e+00, v0;
	_ =	sdelay $0x1  }
0xdd: {  	(erf) = vpow2.f32 v0;
	_ =	sdelay $0x4  }
0xde: {  	v58 =	vld [tilespmem:s24+$0x90]  }
0xdf: {  	v2 =	vld [tilespmem:s24+$0xC0]  }
0xe0: {  	v3 =	vld [tilespmem:s24+$0xD0]  }
0xe1: {  	v4 =	vld [tilespmem:s24+$0xE0]  }
0xe2: {  	v5 =	vld [tilespmem:s24+$0xF0];
	v6 =	vpop (erf)  }
0xe3: {  	v57 =	vld [tilespmem:s24+$0x100];
	v1 =	vmul.f32 v6, v58  }
0xe4: {  	v7 =	vld [tilespmem:s24+$0xA0];
	[tilespmem:s24+$0x110] =	vst v6;
	v2 =	vmul.f32 v2, v6  }
0xe5: {  	v8 =	vld [tilespmem:s24+$0xB0];
	v59 =	vmul.f32 v3, v6;
	[tilespmem:s24+$0x90] =	vst v1  }
0xe6: {  	v60 =	vmul.f32 v4, v6;
	[tilespmem:s24+$0xC0] =	vst v2  }
0xe7: {  	v61 =	vmul.f32 v5, v6;
	[tilespmem:s24+$0xD0] =	vst v59  }
0xe8: {  	v0 =	vmul.f32 v57, v6;
	[tilespmem:s24+$0xE0] =	vst v60  }
0xe9: {  	v62 =	vmul.f32 v6, v7;
	[tilespmem:s24+$0xF0] =	vst v61  }
0xea: {  	s21 =	sadd.s32 $0x1, s21;
	v63 =	vmul.f32 v8, v6;
	[tilespmem:s24+$0x100] =	vst v0  }
0xeb: {  	p0 =	sne.s32 s21, s11;
	[tilespmem:s24+$0xA0] =	vst v62  }
.Ltmp1:
0xec: {  	[tilespmem:s24+$0xB0] =	vst v63;
	(pc) =	sbr.rel @p0 .LBB2_2-.Ltmp1, $4  }
0xed: {  	[spmem:s4] =	stream.indirect.scatter.add.f32 [tilespmem:s16], [sflag:$0x3], $0x90, s15, s15, $0xb8;
	[tilespmem:$0x1B480] =	vst v63  }
0xee: {  	_ =	swait.ge [sflag:s14], $0x4800  }
0xef: {  	[sflag:s14] =	ssyncset.done $0x0  }
0xf0: {  	[sflag:s14] =	ssyncadd.s32 $0xFFFFB800  }
0xf1: {  	s20 =	sadd.s32 $0x1, s20  }
0xf2: {  	p0 =	sne.s32 s20, s12  }
.Ltmp2:
0xf3: {  	[bflag:$0x0] =	sbarrier.arrive $0xFFFF;
	(pc) =	sbr.rel @p0 .LBB2_1-.Ltmp2, $4  }
0xf4: {  	[hbm:s10], [sflag:s8] =	dma.local [spmem:s13], $0x2C70  }
0xf5: {  	_ =	swait.ge [sflag:s14], $0x2C70  }
0xf6: {  	[sflag:s14] =	ssyncset.done $0x0  }
0xf7: {  	[sflag:s14] =	ssyncadd.s32 $0xFFFFD390  }
0xf8: {  	_ =	sfence.sel $0x180000  }
0xf9: {  	[bflag:$0x0] =	sbarrier.arrive $0xFFFF  }
0xfa: {  	p0 =	sne.s32 s0, $0x0;
	_ =	strace $0x90000047  }
0xfb: {  	s0 =	sadd.s32 @!p0 $0x100000, s2;
	[bflag:$0x2] =	sbarrier.arrive $0xFFFF  }
0xfc: {  	[sflag:s0] =	ssyncadd.tile.s32 @!p0 $0x1;
	_ =	shalt  }
.Lfunc_end2:
_tile_overlayer_lowered:
.L_overlay_start_2:
0xfd: {  	(tag) =	ssettag $0x2  }
0xfe: {  	s0 =	rddreg [dreg:$0x0];
	s2 =	stileid.u32  }
0xff: {  	s1 =	rddreg [dreg:$0x1];
	p0 =	sne.s32 s2, $0x0  }
0x100: {  	s3 =	rddreg [dreg:$0x2];
	[bflag:$0x3] =	sbarrier.arrive $0xFFFF;
	s2 =	simm.s32 @!p0 $0x1C03  }
0x101: {  	[timem:s3], [sflag:s2] =	dma.local @!p0 [hbm:s0], s1  }
0x102: {  	s0 =	simm.s32 @!p0 $0x3  }
0x103: {  	_ =	swait.ge @!p0 [sflag:s0], s1  }
0x104: {  	s1 =	ssub.s32 @!p0 $0x0, s1;
	[sflag:s0] =	ssyncset.done @!p0 $0x0  }
0x105: {  	[sflag:s0] =	ssyncadd.s32 @!p0 s1  }
0x106: {  	[bflag:$0x3] =	sbarrier.arrive $0xFFFF  }
0x107: {  	_ =	shalt  }

</sc_bundles>
